<compile_context>
chip_gen: v7x
topology: tpu7x:2x2x1
jax: 0.10.2.dev20260603
libtpu: 0.0.44.dev20260713+nightly
codegen_flags: <defaults>
</compile_context>

<pallas_src>
import functools

import jax
import jax.numpy as jnp
from jax import lax
from jax.experimental import pallas as pl
from jax.experimental.pallas import tpu as pltpu
from jax.experimental.pallas import tpu_sc as plsc

N = 10000
E = 320000
D = 128
NGRAPH = 64
NSC = 2
NTILE = 16
NW = NSC * NTILE
EPT = E // NW
CHUNK = 80
NCHUNK = EPT // CHUNK
NPAD = 10240
RPT = NPAD // NTILE

_mesh = plsc.VectorSubcoreMesh(core_axis_name="c", subcore_axis_name="s")



@functools.partial(
    pl.kernel,
    mesh=_mesh,
    out_type=jax.ShapeDtypeStruct((NSC * NPAD,), jnp.float32),
    scratch_types=[
        pltpu.VMEM((NCHUNK, CHUNK), jnp.int32),
        pltpu.VMEM((CHUNK,), jnp.float32),
        pltpu.VMEM((RPT,), jnp.float32),
        pltpu.VMEM_SHARED((NPAD,), jnp.float32),
    ],
)
def _deg_sc(dst_hbm, out_hbm, dbuf, onesbuf, zbuf, acc):
    cid = lax.axis_index("c")
    sid = lax.axis_index("s")
    wid = sid * NSC + cid
    pltpu.sync_copy(dst_hbm.at[wid], dbuf)

    def fill(i, carry):
        onesbuf[pl.ds(i * 16, 16)] = jnp.ones((16,), jnp.float32)
        return carry

    lax.fori_loop(0, CHUNK // 16, fill, 0)

    def zfill(i, carry):
        zbuf[pl.ds(i * 16, 16)] = jnp.zeros((16,), jnp.float32)
        return carry

    lax.fori_loop(0, RPT // 16, zfill, 0)
    pltpu.sync_copy(zbuf, acc.at[pl.ds(sid * RPT, RPT)])
    plsc.subcore_barrier()

    def body(i, carry):
        pltpu.sync_copy(onesbuf, acc.at[dbuf.at[i]], add=True)
        return carry

    lax.fori_loop(0, NCHUNK, body, 0)
    plsc.subcore_barrier()
    pltpu.sync_copy(acc.at[pl.ds(sid * RPT, RPT)],
                    out_hbm.at[pl.ds(cid * NPAD + sid * RPT, RPT)])


@functools.partial(
    pl.kernel,
    mesh=_mesh,
    out_type=jax.ShapeDtypeStruct((NSC, NPAD, D), jnp.float32),
    scratch_types=[
        pltpu.VMEM((EPT,), jnp.int32),
        pltpu.VMEM((NCHUNK, CHUNK), jnp.int32),
        pltpu.VMEM((CHUNK, D), jnp.float32),
        pltpu.VMEM((CHUNK, D), jnp.float32),
        pltpu.VMEM_SHARED((NPAD, D), jnp.float32),
        pltpu.SemaphoreType.DMA,
        pltpu.SemaphoreType.DMA,
    ],
)
def _agg_sc(g_hbm, src_hbm, dst_hbm, zeros_hbm, out_hbm, sbuf, dbuf, rows0,
            rows1, acc, sem0, sem1):
    cid = lax.axis_index("c")
    sid = lax.axis_index("s")
    wid = sid * NSC + cid
    c1 = pltpu.async_copy(src_hbm.at[pl.ds(wid * EPT, EPT)], sbuf, sem0)
    c2 = pltpu.async_copy(dst_hbm.at[wid], dbuf, sem1)
    pltpu.sync_copy(zeros_hbm, acc.at[pl.ds(sid * RPT, RPT)])
    c1.wait()
    c2.wait()
    plsc.subcore_barrier()

    bufs = (rows0, rows1)
    sems = (sem0, sem1)

    def _gather(c, b):
        return pltpu.async_copy(
            g_hbm.at[sbuf.at[pl.ds(c * CHUNK, CHUNK)]], bufs[b], sems[b])

    _gather(0, 0)

    def body(j, carry):
        for b in (0, 1):
            c = 2 * j + b
            _gather(c + 1, 1 - b)
            pltpu.make_async_copy(
                g_hbm.at[sbuf.at[pl.ds(c * CHUNK, CHUNK)]], bufs[b],
                sems[b]).wait()
            pltpu.sync_copy(bufs[b], acc.at[dbuf.at[c]], add=True)
        return carry

    lax.fori_loop(0, NCHUNK // 2, body, 0)
    last = NCHUNK - 1
    pltpu.make_async_copy(
        g_hbm.at[sbuf.at[pl.ds(last * CHUNK, CHUNK)]], bufs[last % 2],
        sems[last % 2]).wait()
    pltpu.sync_copy(bufs[last % 2], acc.at[dbuf.at[last]], add=True)
    plsc.subcore_barrier()
    pltpu.sync_copy(acc.at[pl.ds(sid * RPT, RPT)],
                    out_hbm.at[cid, pl.ds(sid * RPT, RPT)])



_BN = 1000
_BNP = 2000


def _dinv_block(dpv):
    deg = dpv[0, :, 0:1] + dpv[1, :, 0:1] + 1.0
    return lax.rsqrt(deg)


def _mm_scale_body(x_ref, w_ref, dp_ref, o_ref, dinv_ref):
    dinv = _dinv_block(dp_ref[...])
    dinv_ref[...] = jnp.broadcast_to(dinv, dinv_ref.shape)
    o_ref[...] = jnp.dot(x_ref[...], w_ref[...],
                         preferred_element_type=jnp.float32) * dinv


def _layer_body(p_ref, g_ref, dinv_ref, b_ref, w_ref, o_ref):
    dinv = dinv_ref[...]
    pv = p_ref[...]
    a = jnp.maximum((pv[0] + pv[1] + g_ref[...]) * dinv + b_ref[...], 0.0)
    o_ref[...] = jnp.dot(a, w_ref[...],
                         preferred_element_type=jnp.float32) * dinv


def _final_body(p_ref, g_ref, dinv_ref, b_ref, batch_ref, wm1_ref, bm1_ref,
                wm2_ref, bm2_ref, o_ref, sums, cnt):
    i = pl.program_id(0)

    @pl.when(i == 0)
    def _():
        sums[...] = jnp.zeros_like(sums)
        cnt[...] = jnp.zeros_like(cnt)

    dinv = dinv_ref[...]
    pv = p_ref[...]
    a = jnp.maximum((pv[0] + pv[1] + g_ref[...]) * dinv + b_ref[...], 0.0)
    gid = lax.broadcasted_iota(jnp.int32, (_BNP, NGRAPH), 1)
    oh = (batch_ref[...] == gid).astype(jnp.float32)
    sums[...] += lax.dot_general(oh, a, (((0,), (0,)), ((), ())),
                                 preferred_element_type=jnp.float32)
    cnt[...] += jnp.broadcast_to(jnp.sum(oh, axis=0)[:, None], (NGRAPH, D))

    @pl.when(i == pl.num_programs(0) - 1)
    def _():
        pooled = sums[...] / jnp.maximum(cnt[...], 1.0)
        z = jnp.maximum(jnp.dot(pooled, wm1_ref[...],
                                preferred_element_type=jnp.float32)
                        + bm1_ref[...], 0.0)
        o_ref[...] = jnp.dot(z, wm2_ref[...],
                             preferred_element_type=jnp.float32) + bm2_ref[...]


def _mm_scale(x, w, degp):
    return pl.pallas_call(
        _mm_scale_body,
        grid=(N // _BN,),
        in_specs=[pl.BlockSpec((_BN, D), lambda i: (i, 0)),
                  pl.BlockSpec((D, D), lambda i: (0, 0)),
                  pl.BlockSpec((NSC, _BN, 1), lambda i: (0, i, 0))],
        out_specs=[pl.BlockSpec((_BN, D), lambda i: (i, 0)),
                   pl.BlockSpec((_BN, D), lambda i: (i, 0))],
        out_shape=[jax.ShapeDtypeStruct((N, D), jnp.float32),
                   jax.ShapeDtypeStruct((N, D), jnp.float32)],
    )(x, w, degp)


def _layer(p, g, dinvb, b, w):
    return pl.pallas_call(
        _layer_body,
        grid=(N // _BN,),
        in_specs=[pl.BlockSpec((NSC, _BN, D), lambda i: (0, i, 0)),
                  pl.BlockSpec((_BN, D), lambda i: (i, 0)),
                  pl.BlockSpec((_BN, D), lambda i: (i, 0)),
                  pl.BlockSpec((1, D), lambda i: (0, 0)),
                  pl.BlockSpec((D, D), lambda i: (0, 0))],
        out_specs=pl.BlockSpec((_BN, D), lambda i: (i, 0)),
        out_shape=jax.ShapeDtypeStruct((N, D), jnp.float32),
    )(p, g, dinvb, b, w)


def _final(p, g, dinvb, b, batch2, wm1, bm1, wm2, bm2):
    nhid = wm1.shape[1]
    return pl.pallas_call(
        _final_body,
        grid=(N // _BNP,),
        in_specs=[pl.BlockSpec((NSC, _BNP, D), lambda i: (0, i, 0)),
                  pl.BlockSpec((_BNP, D), lambda i: (i, 0)),
                  pl.BlockSpec((_BNP, D), lambda i: (i, 0)),
                  pl.BlockSpec((1, D), lambda i: (0, 0)),
                  pl.BlockSpec((_BNP, 1), lambda i: (i, 0)),
                  pl.BlockSpec((D, nhid), lambda i: (0, 0)),
                  pl.BlockSpec((1, nhid), lambda i: (0, 0)),
                  pl.BlockSpec((nhid, D), lambda i: (0, 0)),
                  pl.BlockSpec((1, D), lambda i: (0, 0))],
        out_specs=pl.BlockSpec((NGRAPH, D), lambda i: (0, 0)),
        out_shape=jax.ShapeDtypeStruct((NGRAPH, D), jnp.float32),
        scratch_shapes=[pltpu.VMEM((NGRAPH, D), jnp.float32),
                        pltpu.VMEM((NGRAPH, D), jnp.float32)],
    )(p, g, dinvb, b, batch2, wm1, bm1, wm2, bm2)



def kernel(x, edge_index, batch, W0, b0, Wh0, bh0, Wh1, bh1, Wh2, bh2,
           Wm1, bm1, Wm2, bm2):
    src_flat = edge_index[0]
    dst3 = edge_index[1].reshape(NW, NCHUNK, CHUNK)
    zerosd = jnp.zeros((RPT, D), jnp.float32)

    degp = _deg_sc(dst3).reshape(NSC, NPAD, 1)
    g, dinvb = _mm_scale(x, W0, degp)

    for b, w in ((b0, Wh0), (bh0, Wh1), (bh1, Wh2)):
        p = _agg_sc(g, src_flat, dst3, zerosd)
        g = _layer(p, g, dinvb, b.reshape(1, D), w)
    p = _agg_sc(g, src_flat, dst3, zerosd)
    return _final(p, g, dinvb, bh2.reshape(1, D), batch.reshape(N, 1),
                  Wm1, bm1.reshape(1, -1), Wm2, bm2.reshape(1, D))

# --- scband reference (transcript-rebuilt; emitter-appended) ---
"""Pipeline reference for scband-gcngraph-encoder-2327872274735 (READ-ONLY COPY).

The authoritative reference and input builder live on the scoring server;
editing this copy changes nothing except your own understanding.
"""

import jax, jax.numpy as jnp
import numpy as np

N = 10000
E = 320000
D_IN = 128
H = 128
NHID = 256
NOUT = 128
N_LAYERS = 3
N_GRAPHS = 64


def _gcn_conv(x, W, b, src, dst):
    # PyG-style GCNConv: add self loops, symmetric normalization D^-1/2 (A+I) D^-1/2
    n = x.shape[0]
    h = x @ W
    loop = jnp.arange(n, dtype=src.dtype)
    src_f = jnp.concatenate([src, loop])
    dst_f = jnp.concatenate([dst, loop])
    deg = jax.ops.segment_sum(jnp.ones(src_f.shape[0], dtype=h.dtype), dst_f, num_segments=n)
    dinv = jnp.where(deg > 0, jax.lax.rsqrt(deg), 0.0)
    norm = dinv[src_f] * dinv[dst_f]
    msg = jnp.take(h, src_f, axis=0) * norm[:, None]
    out = jax.ops.segment_sum(msg, dst_f, num_segments=n)
    return out + b


def setup_inputs(seed: int = 0):
    key = jax.random.key(seed)
    ks = jax.random.split(key, 20)
    inp = {}
    inp['x'] = jax.random.normal(ks[0], (N, D_IN), dtype=jnp.float32)
    inp['edge_index'] = jax.random.randint(ks[1], (2, E), 0, N, dtype=jnp.int32)
    inp['batch'] = jnp.sort(jax.random.randint(ks[2], (N,), 0, N_GRAPHS, dtype=jnp.int32))
    inp['W0'] = jax.random.normal(ks[3], (D_IN, H), dtype=jnp.float32) / np.sqrt(D_IN)
    inp['b0'] = jnp.zeros((H,), dtype=jnp.float32)
    for i in range(N_LAYERS):
        inp['Wh%d' % i] = jax.random.normal(ks[4 + i], (H, H), dtype=jnp.float32) / np.sqrt(H)
        inp['bh%d' % i] = jnp.zeros((H,), dtype=jnp.float32)
    inp['Wm1'] = jax.random.normal(ks[10], (H, NHID), dtype=jnp.float32) / np.sqrt(H)
    inp['bm1'] = jnp.zeros((NHID,), dtype=jnp.float32)
    inp['Wm2'] = jax.random.normal(ks[11], (NHID, NOUT), dtype=jnp.float32) / np.sqrt(NHID)
    inp['bm2'] = jnp.zeros((NOUT,), dtype=jnp.float32)
    return inp


def reference(x, edge_index, batch, W0, b0, Wh0, bh0, Wh1, bh1, Wh2, bh2, Wm1, bm1, Wm2, bm2):
    src = edge_index[0]
    dst = edge_index[1]
    h = jax.nn.relu(_gcn_conv(x, W0, b0, src, dst))
    for W, b in ((Wh0, bh0), (Wh1, bh1), (Wh2, bh2)):
        h = jax.nn.relu(_gcn_conv(h, W, b, src, dst))
    sums = jax.ops.segment_sum(h, batch, num_segments=N_GRAPHS)
    cnt = jax.ops.segment_sum(jnp.ones((h.shape[0],), dtype=h.dtype), batch, num_segments=N_GRAPHS)
    pooled = sums / jnp.maximum(cnt, 1.0)[:, None]
    out = jax.nn.relu(pooled @ Wm1 + bm1)
    out = out @ Wm2 + bm2
    return out

if __name__ == "__main__":
    import jax
    _d = setup_inputs()
    print(jax.jit(kernel)(*tuple(_d.values())))

</pallas_src>

<mosaic_0001>
#map = affine_map<(d0, d1) -> (0, 0, 0)>
#map1 = affine_map<(d0, d1) -> (0)>
module attributes {stable_mosaic.version = 14 : i64} {
  func.func @_deg_sc(%arg0: i32, %arg1: i32, %arg2: memref<32x125x80xi32, #tpu.memory_space<hbm>>, %arg3: memref<20480xf32, #tpu.memory_space<hbm>>, %arg4: memref<125x80xi32, #tpu.memory_space<vmem>>, %arg5: memref<80xf32, #tpu.memory_space<vmem>>, %arg6: memref<640xf32, #tpu.memory_space<vmem>>, %arg7: memref<10240xf32, #tpu.memory_space<vmem_shared>>) attributes {dimension_semantics = [#tpu.dimension_semantics<core_parallel>, #tpu.dimension_semantics<subcore_parallel>], iteration_bounds = array<i64: 2, 16>, scalar_prefetch = 0 : i64, scratch_operands = 4 : i64, tpu.core_type = #tpu.core_type<sc_vector_subcore>, window_params = [{transform_indices = #map}, {transform_indices = #map1}]} {
    %mul3A = arith.constant 2 : i32
    %mul3A_0 = arith.muli %arg1, %mul3A : i32
    %add3A = arith.addi %mul3A_0, %arg0 : i32
    "tpu.region"() ({
      %run_scoped3A = tpu.sem_alloc : memref<!tpu.dma_semaphore, #tpu.memory_space<semaphore_mem>>
      %dma_start3A = arith.constant 0 : i32
      %dma_start3A_28 = arith.constant 0 : i32
      %dma_start3A_29 = tpu.memref_slice %arg2[%add3A, %dma_start3A, %dma_start3A_28] : memref<32x125x80xi32, #tpu.memory_space<hbm>> -> memref<1x125x80xi32, #tpu.memory_space<hbm>>
      %dma_start3A_30 = tpu.memref_squeeze %dma_start3A_29 : memref<1x125x80xi32, #tpu.memory_space<hbm>> -> memref<125x80xi32, #tpu.memory_space<hbm>>
      %dma_start3A_31 = arith.constant 0 : i32
      %dma_start3A_32 = arith.constant 0 : i32
      %dma_start3A_33 = tpu.memref_slice %arg2[%add3A, %dma_start3A_31, %dma_start3A_32] : memref<32x125x80xi32, #tpu.memory_space<hbm>> -> memref<1x125x80xi32, #tpu.memory_space<hbm>>
      %dma_start3A_34 = tpu.memref_squeeze %dma_start3A_33 : memref<1x125x80xi32, #tpu.memory_space<hbm>> -> memref<125x80xi32, #tpu.memory_space<hbm>>
      tpu.enqueue_dma source(%dma_start3A_34 : memref<125x80xi32, #tpu.memory_space<hbm>>) target(%arg4 : memref<125x80xi32, #tpu.memory_space<vmem>>) target_semaphore(%run_scoped3A : memref<!tpu.dma_semaphore, #tpu.memory_space<semaphore_mem>>)
      %dma_wait3A = arith.constant 0 : i32
      %dma_wait3A_35 = arith.constant 0 : i32
      %dma_wait3A_36 = tpu.memref_slice %arg2[%add3A, %dma_wait3A, %dma_wait3A_35] : memref<32x125x80xi32, #tpu.memory_space<hbm>> -> memref<1x125x80xi32, #tpu.memory_space<hbm>>
      %dma_wait3A_37 = tpu.memref_squeeze %dma_wait3A_36 : memref<1x125x80xi32, #tpu.memory_space<hbm>> -> memref<125x80xi32, #tpu.memory_space<hbm>>
      %dma_wait3A_38 = arith.constant 0 : i32
      %dma_wait3A_39 = arith.constant 0 : i32
      %dma_wait3A_40 = tpu.memref_slice %arg2[%add3A, %dma_wait3A_38, %dma_wait3A_39] : memref<32x125x80xi32, #tpu.memory_space<hbm>> -> memref<1x125x80xi32, #tpu.memory_space<hbm>>
      %dma_wait3A_41 = tpu.memref_squeeze %dma_wait3A_40 : memref<1x125x80xi32, #tpu.memory_space<hbm>> -> memref<125x80xi32, #tpu.memory_space<hbm>>
      tpu.wait_dma2 semaphore(%run_scoped3A : memref<!tpu.dma_semaphore, #tpu.memory_space<semaphore_mem>>) src(%dma_wait3A_41 : memref<125x80xi32, #tpu.memory_space<hbm>>) dst(%arg4 : memref<125x80xi32, #tpu.memory_space<vmem>>)
      tpu.yield
    }) : () -> ()
    %scan3A = arith.constant 0 : i32
    %scan3A_1 = arith.constant 0 : i32
    %scan3A_2 = arith.constant 5 : i32
    %scan3A_3 = arith.addi %scan3A_1, %scan3A_2 : i32
    %scan3A_4 = arith.constant 1 : i32
    scf.for %scan3A_28 = %scan3A_1 to %scan3A_3 step %scan3A_4  : i32 {
      %broadcast_in_dim3A = arith.constant 1.000000e+00 : f32
      %broadcast_in_dim3A_29 = vector.broadcast %broadcast_in_dim3A : f32 to vector<16xf32>
      %mul3A_30 = arith.constant 16 : i32
      %mul3A_31 = arith.muli %scan3A_28, %mul3A_30 : i32
      %swap3A = arith.index_cast %mul3A_31 : i32 to index
      %swap3A_32 = tpu.vector_load %arg5[%swap3A] {strides = array<i32>} : memref<80xf32, #tpu.memory_space<vmem>>, vector<16xf32>,
      %swap3A_33 = vector.shape_cast %swap3A_32 : vector<16xf32> to vector<16xf32>
      %swap3A_34 = vector.shape_cast %broadcast_in_dim3A_29 : vector<16xf32> to vector<16xf32>
      tpu.vector_store %arg5[%swap3A], %swap3A_34 {strides = array<i32>} : memref<80xf32, #tpu.memory_space<vmem>>, vector<16xf32>,
    }
    %scan3A_5 = arith.constant 5 : i32
    %scan3A_6 = arith.constant 0 : i32
    %scan3A_7 = arith.constant 0 : i32
    %scan3A_8 = arith.constant 40 : i32
    %scan3A_9 = arith.addi %scan3A_7, %scan3A_8 : i32
    %scan3A_10 = arith.constant 1 : i32
    scf.for %scan3A_28 = %scan3A_7 to %scan3A_9 step %scan3A_10  : i32 {
      %broadcast_in_dim3A = arith.constant 0.000000e+00 : f32
      %broadcast_in_dim3A_29 = vector.broadcast %broadcast_in_dim3A : f32 to vector<16xf32>
      %mul3A_30 = arith.constant 16 : i32
      %mul3A_31 = arith.muli %scan3A_28, %mul3A_30 : i32
      %swap3A = arith.index_cast %mul3A_31 : i32 to index
      %swap3A_32 = tpu.vector_load %arg6[%swap3A] {strides = array<i32>} : memref<640xf32, #tpu.memory_space<vmem>>, vector<16xf32>,
      %swap3A_33 = vector.shape_cast %swap3A_32 : vector<16xf32> to vector<16xf32>
      %swap3A_34 = vector.shape_cast %broadcast_in_dim3A_29 : vector<16xf32> to vector<16xf32>
      tpu.vector_store %arg6[%swap3A], %swap3A_34 {strides = array<i32>} : memref<640xf32, #tpu.memory_space<vmem>>, vector<16xf32>,
    }
    %scan3A_11 = arith.constant 40 : i32
    %mul3A_12 = arith.constant 640 : i32
    %mul3A_13 = arith.muli %arg1, %mul3A_12 : i32
    "tpu.region"() ({
      %run_scoped3A = tpu.sem_alloc : memref<!tpu.dma_semaphore, #tpu.memory_space<semaphore_mem>>
      %dma_start3A = tpu.memref_slice %arg7[%mul3A_13] : memref<10240xf32, #tpu.memory_space<vmem_shared>> -> memref<640xf32, #tpu.memory_space<vmem_shared>>
      %dma_start3A_28 = tpu.memref_slice %arg7[%mul3A_13] : memref<10240xf32, #tpu.memory_space<vmem_shared>> -> memref<640xf32, #tpu.memory_space<vmem_shared>>
      tpu.enqueue_dma source(%arg6 : memref<640xf32, #tpu.memory_space<vmem>>) target(%dma_start3A_28 : memref<640xf32, #tpu.memory_space<vmem_shared>>) target_semaphore(%run_scoped3A : memref<!tpu.dma_semaphore, #tpu.memory_space<semaphore_mem>>)
      %dma_wait3A = tpu.memref_slice %arg7[%mul3A_13] : memref<10240xf32, #tpu.memory_space<vmem_shared>> -> memref<640xf32, #tpu.memory_space<vmem_shared>>
      %dma_wait3A_29 = tpu.memref_slice %arg7[%mul3A_13] : memref<10240xf32, #tpu.memory_space<vmem_shared>> -> memref<640xf32, #tpu.memory_space<vmem_shared>>
      tpu.wait_dma2 semaphore(%run_scoped3A : memref<!tpu.dma_semaphore, #tpu.memory_space<semaphore_mem>>) src(%arg6 : memref<640xf32, #tpu.memory_space<vmem>>) dst(%dma_wait3A_29 : memref<640xf32, #tpu.memory_space<vmem_shared>>)
      tpu.yield
    }) : () -> ()
    %barrier3A = arith.constant 0 : index
    tpu.barrier barrier_id(%barrier3A)
    %scan3A_14 = arith.constant 0 : i32
    %scan3A_15 = arith.constant 0 : i32
    %scan3A_16 = arith.constant 125 : i32
    %scan3A_17 = arith.addi %scan3A_15, %scan3A_16 : i32
    %scan3A_18 = arith.constant 1 : i32
    scf.for %scan3A_28 = %scan3A_15 to %scan3A_17 step %scan3A_18  : i32 {
      "tpu.region"() ({
        %run_scoped3A = tpu.sem_alloc : memref<!tpu.dma_semaphore, #tpu.memory_space<semaphore_mem>>
        %dma_start3A = arith.constant 0 : i32
        %dma_start3A_29 = tpu.memref_slice %arg4[%scan3A_28, %dma_start3A] : memref<125x80xi32, #tpu.memory_space<vmem>> -> memref<1x80xi32, #tpu.memory_space<vmem>>
        %dma_start3A_30 = tpu.memref_squeeze %dma_start3A_29 : memref<1x80xi32, #tpu.memory_space<vmem>> -> memref<80xi32, #tpu.memory_space<vmem>>
        %dma_start3A_31 = arith.constant 0 : i32
        %dma_start3A_32 = tpu.memref_slice %arg7[%dma_start3A_31] : memref<10240xf32, #tpu.memory_space<vmem_shared>> -> memref<10240xf32, #tpu.memory_space<vmem_shared>>
        tpu.enqueue_indirect_dma source(%arg5 : memref<80xf32, #tpu.memory_space<vmem>>) target(%dma_start3A_32 : memref<10240xf32, #tpu.memory_space<vmem_shared>>) offsets(%dma_start3A_30 : memref<80xi32, #tpu.memory_space<vmem>>) semaphore(%run_scoped3A : memref<!tpu.dma_semaphore, #tpu.memory_space<semaphore_mem>>) {add = true}
        %dma_wait3A = arith.constant 0 : i32
        %dma_wait3A_33 = tpu.memref_slice %arg4[%scan3A_28, %dma_wait3A] : memref<125x80xi32, #tpu.memory_space<vmem>> -> memref<1x80xi32, #tpu.memory_space<vmem>>
        %dma_wait3A_34 = tpu.memref_squeeze %dma_wait3A_33 : memref<1x80xi32, #tpu.memory_space<vmem>> -> memref<80xi32, #tpu.memory_space<vmem>>
        %dma_wait3A_35 = arith.constant 0 : i32
        %dma_wait3A_36 = tpu.memref_slice %arg7[%dma_wait3A_35] : memref<10240xf32, #tpu.memory_space<vmem_shared>> -> memref<10240xf32, #tpu.memory_space<vmem_shared>>
        tpu.wait_indirect_dma semaphore(%run_scoped3A : memref<!tpu.dma_semaphore, #tpu.memory_space<semaphore_mem>>) src(%arg5 : memref<80xf32, #tpu.memory_space<vmem>>) dst(%dma_wait3A_36 : memref<10240xf32, #tpu.memory_space<vmem_shared>>)
        tpu.yield
      }) : () -> ()
    }
    %scan3A_19 = arith.constant 125 : i32
    %barrier3A_20 = arith.constant 0 : index
    tpu.barrier barrier_id(%barrier3A_20)
    %mul3A_21 = arith.constant 640 : i32
    %mul3A_22 = arith.muli %arg1, %mul3A_21 : i32
    %mul3A_23 = arith.constant 10240 : i32
    %mul3A_24 = arith.muli %arg0, %mul3A_23 : i32
    %mul3A_25 = arith.constant 640 : i32
    %mul3A_26 = arith.muli %arg1, %mul3A_25 : i32
    %add3A_27 = arith.addi %mul3A_24, %mul3A_26 : i32
    "tpu.region"() ({
      %run_scoped3A = tpu.sem_alloc : memref<!tpu.dma_semaphore, #tpu.memory_space<semaphore_mem>>
      %dma_start3A = tpu.memref_slice %arg3[%add3A_27] : memref<20480xf32, #tpu.memory_space<hbm>> -> memref<640xf32, #tpu.memory_space<hbm>>
      %dma_start3A_28 = tpu.memref_slice %arg7[%mul3A_22] : memref<10240xf32, #tpu.memory_space<vmem_shared>> -> memref<640xf32, #tpu.memory_space<vmem_shared>>
      tpu.enqueue_dma source(%dma_start3A_28 : memref<640xf32, #tpu.memory_space<vmem_shared>>) target(%dma_start3A : memref<640xf32, #tpu.memory_space<hbm>>) target_semaphore(%run_scoped3A : memref<!tpu.dma_semaphore, #tpu.memory_space<semaphore_mem>>)
      %dma_wait3A = tpu.memref_slice %arg3[%add3A_27] : memref<20480xf32, #tpu.memory_space<hbm>> -> memref<640xf32, #tpu.memory_space<hbm>>
      %dma_wait3A_29 = tpu.memref_slice %arg7[%mul3A_22] : memref<10240xf32, #tpu.memory_space<vmem_shared>> -> memref<640xf32, #tpu.memory_space<vmem_shared>>
      tpu.wait_dma2 semaphore(%run_scoped3A : memref<!tpu.dma_semaphore, #tpu.memory_space<semaphore_mem>>) src(%dma_wait3A_29 : memref<640xf32, #tpu.memory_space<vmem_shared>>) dst(%dma_wait3A : memref<640xf32, #tpu.memory_space<hbm>>)
      tpu.yield
    }) : () -> ()
    return
  }
}

#map = affine_map<(d0, d1) -> (0, 0)>
#map1 = affine_map<(d0, d1) -> (0)>
#map2 = affine_map<(d0, d1) -> (0, 0, 0)>
module attributes {stable_mosaic.version = 14 : i64} {
  func.func @_agg_sc(%arg0: i32, %arg1: i32, %arg2: memref<10000x128xf32, #tpu.memory_space<hbm>>, %arg3: memref<320000xi32, #tpu.memory_space<hbm>>, %arg4: memref<32x125x80xi32, #tpu.memory_space<hbm>>, %arg5: memref<640x128xf32, #tpu.memory_space<hbm>>, %arg6: memref<2x10240x128xf32, #tpu.memory_space<hbm>>, %arg7: memref<10000xi32, #tpu.memory_space<vmem>>, %arg8: memref<125x80xi32, #tpu.memory_space<vmem>>, %arg9: memref<80x128xf32, #tpu.memory_space<vmem>>, %arg10: memref<80x128xf32, #tpu.memory_space<vmem>>, %arg11: memref<10240x128xf32, #tpu.memory_space<vmem_shared>>, %arg12: memref<!tpu.dma_semaphore, #tpu.memory_space<semaphore_mem>>, %arg13: memref<!tpu.dma_semaphore, #tpu.memory_space<semaphore_mem>>) attributes {dimension_semantics = [#tpu.dimension_semantics<core_parallel>, #tpu.dimension_semantics<subcore_parallel>], iteration_bounds = array<i64: 2, 16>, scalar_prefetch = 0 : i64, scratch_operands = 7 : i64, tpu.core_type = #tpu.core_type<sc_vector_subcore>, window_params = [{transform_indices = #map}, {transform_indices = #map1}, {transform_indices = #map2}, {transform_indices = #map}, {transform_indices = #map2}]} {
    %mul3A = arith.constant 2 : i32
    %mul3A_0 = arith.muli %arg1, %mul3A : i32
    %add3A = arith.addi %mul3A_0, %arg0 : i32
    %mul3A_1 = arith.constant 10000 : i32
    %mul3A_2 = arith.muli %add3A, %mul3A_1 : i32
    %dma_start3A = tpu.memref_slice %arg3[%mul3A_2] : memref<320000xi32, #tpu.memory_space<hbm>> -> memref<10000xi32, #tpu.memory_space<hbm>>
    %dma_start3A_3 = tpu.memref_slice %arg3[%mul3A_2] : memref<320000xi32, #tpu.memory_space<hbm>> -> memref<10000xi32, #tpu.memory_space<hbm>>
    tpu.enqueue_dma source(%dma_start3A_3 : memref<10000xi32, #tpu.memory_space<hbm>>) target(%arg7 : memref<10000xi32, #tpu.memory_space<vmem>>) target_semaphore(%arg12 : memref<!tpu.dma_semaphore, #tpu.memory_space<semaphore_mem>>)
    %dma_start3A_4 = arith.constant 0 : i32
    %dma_start3A_5 = arith.constant 0 : i32
    %dma_start3A_6 = tpu.memref_slice %arg4[%add3A, %dma_start3A_4, %dma_start3A_5] : memref<32x125x80xi32, #tpu.memory_space<hbm>> -> memref<1x125x80xi32, #tpu.memory_space<hbm>>
    %dma_start3A_7 = tpu.memref_squeeze %dma_start3A_6 : memref<1x125x80xi32, #tpu.memory_space<hbm>> -> memref<125x80xi32, #tpu.memory_space<hbm>>
    %dma_start3A_8 = arith.constant 0 : i32
    %dma_start3A_9 = arith.constant 0 : i32
    %dma_start3A_10 = tpu.memref_slice %arg4[%add3A, %dma_start3A_8, %dma_start3A_9] : memref<32x125x80xi32, #tpu.memory_space<hbm>> -> memref<1x125x80xi32, #tpu.memory_space<hbm>>
    %dma_start3A_11 = tpu.memref_squeeze %dma_start3A_10 : memref<1x125x80xi32, #tpu.memory_space<hbm>> -> memref<125x80xi32, #tpu.memory_space<hbm>>
    tpu.enqueue_dma source(%dma_start3A_11 : memref<125x80xi32, #tpu.memory_space<hbm>>) target(%arg8 : memref<125x80xi32, #tpu.memory_space<vmem>>) target_semaphore(%arg13 : memref<!tpu.dma_semaphore, #tpu.memory_space<semaphore_mem>>)
    %mul3A_12 = arith.constant 640 : i32
    %mul3A_13 = arith.muli %arg1, %mul3A_12 : i32
    "tpu.region"() ({
      %run_scoped3A_43 = tpu.sem_alloc : memref<!tpu.dma_semaphore, #tpu.memory_space<semaphore_mem>>
      %dma_start3A_44 = arith.constant 0 : i32
      %dma_start3A_45 = tpu.memref_slice %arg11[%mul3A_13, %dma_start3A_44] : memref<10240x128xf32, #tpu.memory_space<vmem_shared>> -> memref<640x128xf32, #tpu.memory_space<vmem_shared>>
      tpu.enqueue_dma source(%arg5 : memref<640x128xf32, #tpu.memory_space<hbm>>) target(%dma_start3A_45 : memref<640x128xf32, #tpu.memory_space<vmem_shared>>) target_semaphore(%run_scoped3A_43 : memref<!tpu.dma_semaphore, #tpu.memory_space<semaphore_mem>>)
      %dma_wait3A_46 = arith.constant 0 : i32
      %dma_wait3A_47 = tpu.memref_slice %arg11[%mul3A_13, %dma_wait3A_46] : memref<10240x128xf32, #tpu.memory_space<vmem_shared>> -> memref<640x128xf32, #tpu.memory_space<vmem_shared>>
      tpu.wait_dma2 semaphore(%run_scoped3A_43 : memref<!tpu.dma_semaphore, #tpu.memory_space<semaphore_mem>>) src(%arg5 : memref<640x128xf32, #tpu.memory_space<hbm>>) dst(%dma_wait3A_47 : memref<640x128xf32, #tpu.memory_space<vmem_shared>>)
      tpu.yield
    }) : () -> ()
    %dma_wait3A = tpu.memref_slice %arg3[%mul3A_2] : memref<320000xi32, #tpu.memory_space<hbm>> -> memref<10000xi32, #tpu.memory_space<hbm>>
    %dma_wait3A_14 = tpu.memref_slice %arg3[%mul3A_2] : memref<320000xi32, #tpu.memory_space<hbm>> -> memref<10000xi32, #tpu.memory_space<hbm>>
    tpu.wait_dma2 semaphore(%arg12 : memref<!tpu.dma_semaphore, #tpu.memory_space<semaphore_mem>>) src(%dma_wait3A_14 : memref<10000xi32, #tpu.memory_space<hbm>>) dst(%arg7 : memref<10000xi32, #tpu.memory_space<vmem>>)
    %dma_wait3A_15 = arith.constant 0 : i32
    %dma_wait3A_16 = arith.constant 0 : i32
    %dma_wait3A_17 = tpu.memref_slice %arg4[%add3A, %dma_wait3A_15, %dma_wait3A_16] : memref<32x125x80xi32, #tpu.memory_space<hbm>> -> memref<1x125x80xi32, #tpu.memory_space<hbm>>
    %dma_wait3A_18 = tpu.memref_squeeze %dma_wait3A_17 : memref<1x125x80xi32, #tpu.memory_space<hbm>> -> memref<125x80xi32, #tpu.memory_space<hbm>>
    %dma_wait3A_19 = arith.constant 0 : i32
    %dma_wait3A_20 = arith.constant 0 : i32
    %dma_wait3A_21 = tpu.memref_slice %arg4[%add3A, %dma_wait3A_19, %dma_wait3A_20] : memref<32x125x80xi32, #tpu.memory_space<hbm>> -> memref<1x125x80xi32, #tpu.memory_space<hbm>>
    %dma_wait3A_22 = tpu.memref_squeeze %dma_wait3A_21 : memref<1x125x80xi32, #tpu.memory_space<hbm>> -> memref<125x80xi32, #tpu.memory_space<hbm>>
    tpu.wait_dma2 semaphore(%arg13 : memref<!tpu.dma_semaphore, #tpu.memory_space<semaphore_mem>>) src(%dma_wait3A_22 : memref<125x80xi32, #tpu.memory_space<hbm>>) dst(%arg8 : memref<125x80xi32, #tpu.memory_space<vmem>>)
    %barrier3A = arith.constant 0 : index
    tpu.barrier barrier_id(%barrier3A)
    %dma_start3A_23 = arith.constant 0 : i32
    %dma_start3A_24 = tpu.memref_slice %arg7[%dma_start3A_23] : memref<10000xi32, #tpu.memory_space<vmem>> -> memref<80xi32, #tpu.memory_space<vmem>>
    %dma_start3A_25 = arith.constant 0 : i32
    %dma_start3A_26 = arith.constant 0 : i32
    %dma_start3A_27 = tpu.memref_slice %arg2[%dma_start3A_25, %dma_start3A_26] : memref<10000x128xf32, #tpu.memory_space<hbm>> -> memref<10000x128xf32, #tpu.memory_space<hbm>>
    tpu.enqueue_indirect_dma source(%dma_start3A_27 : memref<10000x128xf32, #tpu.memory_space<hbm>>) target(%arg9 : memref<80x128xf32, #tpu.memory_space<vmem>>) offsets(%dma_start3A_24 : memref<80xi32, #tpu.memory_space<vmem>>) semaphore(%arg12 : memref<!tpu.dma_semaphore, #tpu.memory_space<semaphore_mem>>)
    %scan3A = arith.constant 0 : i32
    %scan3A_28 = arith.constant 0 : i32
    %scan3A_29 = arith.constant 62 : i32
    %scan3A_30 = arith.addi %scan3A_28, %scan3A_29 : i32
    %scan3A_31 = arith.constant 1 : i32
    scf.for %scan3A_43 = %scan3A_28 to %scan3A_30 step %scan3A_31  : i32 {
      %mul3A_44 = arith.constant 2 : i32
      %mul3A_45 = arith.muli %mul3A_44, %scan3A_43 : i32
      %add3A_46 = arith.constant 0 : i32
      %add3A_47 = arith.addi %mul3A_45, %add3A_46 : i32
      %add3A_48 = arith.constant 1 : i32
      %add3A_49 = arith.addi %add3A_47, %add3A_48 : i32
      %mul3A_50 = arith.constant 80 : i32
      %mul3A_51 = arith.muli %add3A_49, %mul3A_50 : i32
      %dma_start3A_52 = tpu.memref_slice %arg7[%mul3A_51] : memref<10000xi32, #tpu.memory_space<vmem>> -> memref<80xi32, #tpu.memory_space<vmem>>
      %dma_start3A_53 = arith.constant 0 : i32
      %dma_start3A_54 = arith.constant 0 : i32
      %dma_start3A_55 = tpu.memref_slice %arg2[%dma_start3A_53, %dma_start3A_54] : memref<10000x128xf32, #tpu.memory_space<hbm>> -> memref<10000x128xf32, #tpu.memory_space<hbm>>
      tpu.enqueue_indirect_dma source(%dma_start3A_55 : memref<10000x128xf32, #tpu.memory_space<hbm>>) target(%arg10 : memref<80x128xf32, #tpu.memory_space<vmem>>) offsets(%dma_start3A_52 : memref<80xi32, #tpu.memory_space<vmem>>) semaphore(%arg13 : memref<!tpu.dma_semaphore, #tpu.memory_space<semaphore_mem>>)
      %mul3A_56 = arith.constant 80 : i32
      %mul3A_57 = arith.muli %add3A_47, %mul3A_56 : i32
      %dma_wait3A_58 = tpu.memref_slice %arg7[%mul3A_57] : memref<10000xi32, #tpu.memory_space<vmem>> -> memref<80xi32, #tpu.memory_space<vmem>>
      %dma_wait3A_59 = arith.constant 0 : i32
      %dma_wait3A_60 = arith.constant 0 : i32
      %dma_wait3A_61 = tpu.memref_slice %arg2[%dma_wait3A_59, %dma_wait3A_60] : memref<10000x128xf32, #tpu.memory_space<hbm>> -> memref<10000x128xf32, #tpu.memory_space<hbm>>
      tpu.wait_indirect_dma semaphore(%arg12 : memref<!tpu.dma_semaphore, #tpu.memory_space<semaphore_mem>>) src(%dma_wait3A_61 : memref<10000x128xf32, #tpu.memory_space<hbm>>) dst(%arg9 : memref<80x128xf32, #tpu.memory_space<vmem>>)
      "tpu.region"() ({
        %run_scoped3A_80 = tpu.sem_alloc : memref<!tpu.dma_semaphore, #tpu.memory_space<semaphore_mem>>
        %dma_start3A_81 = arith.constant 0 : i32
        %dma_start3A_82 = tpu.memref_slice %arg8[%add3A_47, %dma_start3A_81] : memref<125x80xi32, #tpu.memory_space<vmem>> -> memref<1x80xi32, #tpu.memory_space<vmem>>
        %dma_start3A_83 = tpu.memref_squeeze %dma_start3A_82 : memref<1x80xi32, #tpu.memory_space<vmem>> -> memref<80xi32, #tpu.memory_space<vmem>>
        %dma_start3A_84 = arith.constant 0 : i32
        %dma_start3A_85 = arith.constant 0 : i32
        %dma_start3A_86 = tpu.memref_slice %arg11[%dma_start3A_84, %dma_start3A_85] : memref<10240x128xf32, #tpu.memory_space<vmem_shared>> -> memref<10240x128xf32, #tpu.memory_space<vmem_shared>>
        tpu.enqueue_indirect_dma source(%arg9 : memref<80x128xf32, #tpu.memory_space<vmem>>) target(%dma_start3A_86 : memref<10240x128xf32, #tpu.memory_space<vmem_shared>>) offsets(%dma_start3A_83 : memref<80xi32, #tpu.memory_space<vmem>>) semaphore(%run_scoped3A_80 : memref<!tpu.dma_semaphore, #tpu.memory_space<semaphore_mem>>) {add = true}
        %dma_wait3A_87 = arith.constant 0 : i32
        %dma_wait3A_88 = tpu.memref_slice %arg8[%add3A_47, %dma_wait3A_87] : memref<125x80xi32, #tpu.memory_space<vmem>> -> memref<1x80xi32, #tpu.memory_space<vmem>>
        %dma_wait3A_89 = tpu.memref_squeeze %dma_wait3A_88 : memref<1x80xi32, #tpu.memory_space<vmem>> -> memref<80xi32, #tpu.memory_space<vmem>>
        %dma_wait3A_90 = arith.constant 0 : i32
        %dma_wait3A_91 = arith.constant 0 : i32
        %dma_wait3A_92 = tpu.memref_slice %arg11[%dma_wait3A_90, %dma_wait3A_91] : memref<10240x128xf32, #tpu.memory_space<vmem_shared>> -> memref<10240x128xf32, #tpu.memory_space<vmem_shared>>
        tpu.wait_indirect_dma semaphore(%run_scoped3A_80 : memref<!tpu.dma_semaphore, #tpu.memory_space<semaphore_mem>>) src(%arg9 : memref<80x128xf32, #tpu.memory_space<vmem>>) dst(%dma_wait3A_92 : memref<10240x128xf32, #tpu.memory_space<vmem_shared>>)
        tpu.yield
      }) : () -> ()
      %mul3A_62 = arith.constant 2 : i32
      %mul3A_63 = arith.muli %mul3A_62, %scan3A_43 : i32
      %add3A_64 = arith.constant 1 : i32
      %add3A_65 = arith.addi %mul3A_63, %add3A_64 : i32
      %add3A_66 = arith.constant 1 : i32
      %add3A_67 = arith.addi %add3A_65, %add3A_66 : i32
      %mul3A_68 = arith.constant 80 : i32
      %mul3A_69 = arith.muli %add3A_67, %mul3A_68 : i32
      %dma_start3A_70 = tpu.memref_slice %arg7[%mul3A_69] : memref<10000xi32, #tpu.memory_space<vmem>> -> memref<80xi32, #tpu.memory_space<vmem>>
      %dma_start3A_71 = arith.constant 0 : i32
      %dma_start3A_72 = arith.constant 0 : i32
      %dma_start3A_73 = tpu.memref_slice %arg2[%dma_start3A_71, %dma_start3A_72] : memref<10000x128xf32, #tpu.memory_space<hbm>> -> memref<10000x128xf32, #tpu.memory_space<hbm>>
      tpu.enqueue_indirect_dma source(%dma_start3A_73 : memref<10000x128xf32, #tpu.memory_space<hbm>>) target(%arg9 : memref<80x128xf32, #tpu.memory_space<vmem>>) offsets(%dma_start3A_70 : memref<80xi32, #tpu.memory_space<vmem>>) semaphore(%arg12 : memref<!tpu.dma_semaphore, #tpu.memory_space<semaphore_mem>>)
      %mul3A_74 = arith.constant 80 : i32
      %mul3A_75 = arith.muli %add3A_65, %mul3A_74 : i32
      %dma_wait3A_76 = tpu.memref_slice %arg7[%mul3A_75] : memref<10000xi32, #tpu.memory_space<vmem>> -> memref<80xi32, #tpu.memory_space<vmem>>
      %dma_wait3A_77 = arith.constant 0 : i32
      %dma_wait3A_78 = arith.constant 0 : i32
      %dma_wait3A_79 = tpu.memref_slice %arg2[%dma_wait3A_77, %dma_wait3A_78] : memref<10000x128xf32, #tpu.memory_space<hbm>> -> memref<10000x128xf32, #tpu.memory_space<hbm>>
      tpu.wait_indirect_dma semaphore(%arg13 : memref<!tpu.dma_semaphore, #tpu.memory_space<semaphore_mem>>) src(%dma_wait3A_79 : memref<10000x128xf32, #tpu.memory_space<hbm>>) dst(%arg10 : memref<80x128xf32, #tpu.memory_space<vmem>>)
      "tpu.region"() ({
        %run_scoped3A_80 = tpu.sem_alloc : memref<!tpu.dma_semaphore, #tpu.memory_space<semaphore_mem>>
        %dma_start3A_81 = arith.constant 0 : i32
        %dma_start3A_82 = tpu.memref_slice %arg8[%add3A_65, %dma_start3A_81] : memref<125x80xi32, #tpu.memory_space<vmem>> -> memref<1x80xi32, #tpu.memory_space<vmem>>
        %dma_start3A_83 = tpu.memref_squeeze %dma_start3A_82 : memref<1x80xi32, #tpu.memory_space<vmem>> -> memref<80xi32, #tpu.memory_space<vmem>>
        %dma_start3A_84 = arith.constant 0 : i32
        %dma_start3A_85 = arith.constant 0 : i32
        %dma_start3A_86 = tpu.memref_slice %arg11[%dma_start3A_84, %dma_start3A_85] : memref<10240x128xf32, #tpu.memory_space<vmem_shared>> -> memref<10240x128xf32, #tpu.memory_space<vmem_shared>>
        tpu.enqueue_indirect_dma source(%arg10 : memref<80x128xf32, #tpu.memory_space<vmem>>) target(%dma_start3A_86 : memref<10240x128xf32, #tpu.memory_space<vmem_shared>>) offsets(%dma_start3A_83 : memref<80xi32, #tpu.memory_space<vmem>>) semaphore(%run_scoped3A_80 : memref<!tpu.dma_semaphore, #tpu.memory_space<semaphore_mem>>) {add = true}
        %dma_wait3A_87 = arith.constant 0 : i32
        %dma_wait3A_88 = tpu.memref_slice %arg8[%add3A_65, %dma_wait3A_87] : memref<125x80xi32, #tpu.memory_space<vmem>> -> memref<1x80xi32, #tpu.memory_space<vmem>>
        %dma_wait3A_89 = tpu.memref_squeeze %dma_wait3A_88 : memref<1x80xi32, #tpu.memory_space<vmem>> -> memref<80xi32, #tpu.memory_space<vmem>>
        %dma_wait3A_90 = arith.constant 0 : i32
        %dma_wait3A_91 = arith.constant 0 : i32
        %dma_wait3A_92 = tpu.memref_slice %arg11[%dma_wait3A_90, %dma_wait3A_91] : memref<10240x128xf32, #tpu.memory_space<vmem_shared>> -> memref<10240x128xf32, #tpu.memory_space<vmem_shared>>
        tpu.wait_indirect_dma semaphore(%run_scoped3A_80 : memref<!tpu.dma_semaphore, #tpu.memory_space<semaphore_mem>>) src(%arg10 : memref<80x128xf32, #tpu.memory_space<vmem>>) dst(%dma_wait3A_92 : memref<10240x128xf32, #tpu.memory_space<vmem_shared>>)
        tpu.yield
      }) : () -> ()
    }
    %scan3A_32 = arith.constant 62 : i32
    %dma_wait3A_33 = arith.constant 9920 : i32
    %dma_wait3A_34 = tpu.memref_slice %arg7[%dma_wait3A_33] : memref<10000xi32, #tpu.memory_space<vmem>> -> memref<80xi32, #tpu.memory_space<vmem>>
    %dma_wait3A_35 = arith.constant 0 : i32
    %dma_wait3A_36 = arith.constant 0 : i32
    %dma_wait3A_37 = tpu.memref_slice %arg2[%dma_wait3A_35, %dma_wait3A_36] : memref<10000x128xf32, #tpu.memory_space<hbm>> -> memref<10000x128xf32, #tpu.memory_space<hbm>>
    tpu.wait_indirect_dma semaphore(%arg12 : memref<!tpu.dma_semaphore, #tpu.memory_space<semaphore_mem>>) src(%dma_wait3A_37 : memref<10000x128xf32, #tpu.memory_space<hbm>>) dst(%arg9 : memref<80x128xf32, #tpu.memory_space<vmem>>)
    %run_scoped3A = arith.constant 124 : i32
    "tpu.region"() ({
      %run_scoped3A_43 = tpu.sem_alloc : memref<!tpu.dma_semaphore, #tpu.memory_space<semaphore_mem>>
      %dma_start3A_44 = arith.constant 0 : i32
      %dma_start3A_45 = tpu.memref_slice %arg8[%run_scoped3A, %dma_start3A_44] : memref<125x80xi32, #tpu.memory_space<vmem>> -> memref<1x80xi32, #tpu.memory_space<vmem>>
      %dma_start3A_46 = tpu.memref_squeeze %dma_start3A_45 : memref<1x80xi32, #tpu.memory_space<vmem>> -> memref<80xi32, #tpu.memory_space<vmem>>
      %dma_start3A_47 = arith.constant 0 : i32
      %dma_start3A_48 = arith.constant 0 : i32
      %dma_start3A_49 = tpu.memref_slice %arg11[%dma_start3A_47, %dma_start3A_48] : memref<10240x128xf32, #tpu.memory_space<vmem_shared>> -> memref<10240x128xf32, #tpu.memory_space<vmem_shared>>
      tpu.enqueue_indirect_dma source(%arg9 : memref<80x128xf32, #tpu.memory_space<vmem>>) target(%dma_start3A_49 : memref<10240x128xf32, #tpu.memory_space<vmem_shared>>) offsets(%dma_start3A_46 : memref<80xi32, #tpu.memory_space<vmem>>) semaphore(%run_scoped3A_43 : memref<!tpu.dma_semaphore, #tpu.memory_space<semaphore_mem>>) {add = true}
      %dma_wait3A_50 = arith.constant 0 : i32
      %dma_wait3A_51 = tpu.memref_slice %arg8[%run_scoped3A, %dma_wait3A_50] : memref<125x80xi32, #tpu.memory_space<vmem>> -> memref<1x80xi32, #tpu.memory_space<vmem>>
      %dma_wait3A_52 = tpu.memref_squeeze %dma_wait3A_51 : memref<1x80xi32, #tpu.memory_space<vmem>> -> memref<80xi32, #tpu.memory_space<vmem>>
      %dma_wait3A_53 = arith.constant 0 : i32
      %dma_wait3A_54 = arith.constant 0 : i32
      %dma_wait3A_55 = tpu.memref_slice %arg11[%dma_wait3A_53, %dma_wait3A_54] : memref<10240x128xf32, #tpu.memory_space<vmem_shared>> -> memref<10240x128xf32, #tpu.memory_space<vmem_shared>>
      tpu.wait_indirect_dma semaphore(%run_scoped3A_43 : memref<!tpu.dma_semaphore, #tpu.memory_space<semaphore_mem>>) src(%arg9 : memref<80x128xf32, #tpu.memory_space<vmem>>) dst(%dma_wait3A_55 : memref<10240x128xf32, #tpu.memory_space<vmem_shared>>)
      tpu.yield
    }) : () -> ()
    %barrier3A_38 = arith.constant 0 : index
    tpu.barrier barrier_id(%barrier3A_38)
    %mul3A_39 = arith.constant 640 : i32
    %mul3A_40 = arith.muli %arg1, %mul3A_39 : i32
    %mul3A_41 = arith.constant 640 : i32
    %mul3A_42 = arith.muli %arg1, %mul3A_41 : i32
    "tpu.region"() ({
      %run_scoped3A_43 = tpu.sem_alloc : memref<!tpu.dma_semaphore, #tpu.memory_space<semaphore_mem>>
      %dma_start3A_44 = arith.constant 0 : i32
      %dma_start3A_45 = tpu.memref_slice %arg6[%arg0, %mul3A_42, %dma_start3A_44] : memref<2x10240x128xf32, #tpu.memory_space<hbm>> -> memref<1x640x128xf32, #tpu.memory_space<hbm>>
      %dma_start3A_46 = tpu.memref_squeeze %dma_start3A_45 : memref<1x640x128xf32, #tpu.memory_space<hbm>> -> memref<640x128xf32, #tpu.memory_space<hbm>>
      %dma_start3A_47 = arith.constant 0 : i32
      %dma_start3A_48 = tpu.memref_slice %arg11[%mul3A_40, %dma_start3A_47] : memref<10240x128xf32, #tpu.memory_space<vmem_shared>> -> memref<640x128xf32, #tpu.memory_space<vmem_shared>>
      tpu.enqueue_dma source(%dma_start3A_48 : memref<640x128xf32, #tpu.memory_space<vmem_shared>>) target(%dma_start3A_46 : memref<640x128xf32, #tpu.memory_space<hbm>>) target_semaphore(%run_scoped3A_43 : memref<!tpu.dma_semaphore, #tpu.memory_space<semaphore_mem>>)
      %dma_wait3A_49 = arith.constant 0 : i32
      %dma_wait3A_50 = tpu.memref_slice %arg6[%arg0, %mul3A_42, %dma_wait3A_49] : memref<2x10240x128xf32, #tpu.memory_space<hbm>> -> memref<1x640x128xf32, #tpu.memory_space<hbm>>
      %dma_wait3A_51 = tpu.memref_squeeze %dma_wait3A_50 : memref<1x640x128xf32, #tpu.memory_space<hbm>> -> memref<640x128xf32, #tpu.memory_space<hbm>>
      %dma_wait3A_52 = arith.constant 0 : i32
      %dma_wait3A_53 = tpu.memref_slice %arg11[%mul3A_40, %dma_wait3A_52] : memref<10240x128xf32, #tpu.memory_space<vmem_shared>> -> memref<640x128xf32, #tpu.memory_space<vmem_shared>>
      tpu.wait_dma2 semaphore(%run_scoped3A_43 : memref<!tpu.dma_semaphore, #tpu.memory_space<semaphore_mem>>) src(%dma_wait3A_53 : memref<640x128xf32, #tpu.memory_space<vmem_shared>>) dst(%dma_wait3A_51 : memref<640x128xf32, #tpu.memory_space<hbm>>)
      tpu.yield
    }) : () -> ()
    return
  }
}

#map = affine_map<(d0, d1) -> (0, 0)>
#map1 = affine_map<(d0, d1) -> (0)>
#map2 = affine_map<(d0, d1) -> (0, 0, 0)>
module attributes {stable_mosaic.version = 14 : i64} {
  func.func @_agg_sc(%arg0: i32, %arg1: i32, %arg2: memref<10000x128xf32, #tpu.memory_space<hbm>>, %arg3: memref<320000xi32, #tpu.memory_space<hbm>>, %arg4: memref<32x125x80xi32, #tpu.memory_space<hbm>>, %arg5: memref<640x128xf32, #tpu.memory_space<hbm>>, %arg6: memref<2x10240x128xf32, #tpu.memory_space<hbm>>, %arg7: memref<10000xi32, #tpu.memory_space<vmem>>, %arg8: memref<125x80xi32, #tpu.memory_space<vmem>>, %arg9: memref<80x128xf32, #tpu.memory_space<vmem>>, %arg10: memref<80x128xf32, #tpu.memory_space<vmem>>, %arg11: memref<10240x128xf32, #tpu.memory_space<vmem_shared>>, %arg12: memref<!tpu.dma_semaphore, #tpu.memory_space<semaphore_mem>>, %arg13: memref<!tpu.dma_semaphore, #tpu.memory_space<semaphore_mem>>) attributes {dimension_semantics = [#tpu.dimension_semantics<core_parallel>, #tpu.dimension_semantics<subcore_parallel>], iteration_bounds = array<i64: 2, 16>, scalar_prefetch = 0 : i64, scratch_operands = 7 : i64, tpu.core_type = #tpu.core_type<sc_vector_subcore>, window_params = [{transform_indices = #map}, {transform_indices = #map1}, {transform_indices = #map2}, {transform_indices = #map}, {transform_indices = #map2}]} {
    %mul3A = arith.constant 2 : i32
    %mul3A_0 = arith.muli %arg1, %mul3A : i32
    %add3A = arith.addi %mul3A_0, %arg0 : i32
    %mul3A_1 = arith.constant 10000 : i32
    %mul3A_2 = arith.muli %add3A, %mul3A_1 : i32
    %dma_start3A = tpu.memref_slice %arg3[%mul3A_2] : memref<320000xi32, #tpu.memory_space<hbm>> -> memref<10000xi32, #tpu.memory_space<hbm>>
    %dma_start3A_3 = tpu.memref_slice %arg3[%mul3A_2] : memref<320000xi32, #tpu.memory_space<hbm>> -> memref<10000xi32, #tpu.memory_space<hbm>>
    tpu.enqueue_dma source(%dma_start3A_3 : memref<10000xi32, #tpu.memory_space<hbm>>) target(%arg7 : memref<10000xi32, #tpu.memory_space<vmem>>) target_semaphore(%arg12 : memref<!tpu.dma_semaphore, #tpu.memory_space<semaphore_mem>>)
    %dma_start3A_4 = arith.constant 0 : i32
    %dma_start3A_5 = arith.constant 0 : i32
    %dma_start3A_6 = tpu.memref_slice %arg4[%add3A, %dma_start3A_4, %dma_start3A_5] : memref<32x125x80xi32, #tpu.memory_space<hbm>> -> memref<1x125x80xi32, #tpu.memory_space<hbm>>
    %dma_start3A_7 = tpu.memref_squeeze %dma_start3A_6 : memref<1x125x80xi32, #tpu.memory_space<hbm>> -> memref<125x80xi32, #tpu.memory_space<hbm>>
    %dma_start3A_8 = arith.constant 0 : i32
    %dma_start3A_9 = arith.constant 0 : i32
    %dma_start3A_10 = tpu.memref_slice %arg4[%add3A, %dma_start3A_8, %dma_start3A_9] : memref<32x125x80xi32, #tpu.memory_space<hbm>> -> memref<1x125x80xi32, #tpu.memory_space<hbm>>
    %dma_start3A_11 = tpu.memref_squeeze %dma_start3A_10 : memref<1x125x80xi32, #tpu.memory_space<hbm>> -> memref<125x80xi32, #tpu.memory_space<hbm>>
    tpu.enqueue_dma source(%dma_start3A_11 : memref<125x80xi32, #tpu.memory_space<hbm>>) target(%arg8 : memref<125x80xi32, #tpu.memory_space<vmem>>) target_semaphore(%arg13 : memref<!tpu.dma_semaphore, #tpu.memory_space<semaphore_mem>>)
    %mul3A_12 = arith.constant 640 : i32
    %mul3A_13 = arith.muli %arg1, %mul3A_12 : i32
    "tpu.region"() ({
      %run_scoped3A_43 = tpu.sem_alloc : memref<!tpu.dma_semaphore, #tpu.memory_space<semaphore_mem>>
      %dma_start3A_44 = arith.constant 0 : i32
      %dma_start3A_45 = tpu.memref_slice %arg11[%mul3A_13, %dma_start3A_44] : memref<10240x128xf32, #tpu.memory_space<vmem_shared>> -> memref<640x128xf32, #tpu.memory_space<vmem_shared>>
      tpu.enqueue_dma source(%arg5 : memref<640x128xf32, #tpu.memory_space<hbm>>) target(%dma_start3A_45 : memref<640x128xf32, #tpu.memory_space<vmem_shared>>) target_semaphore(%run_scoped3A_43 : memref<!tpu.dma_semaphore, #tpu.memory_space<semaphore_mem>>)
      %dma_wait3A_46 = arith.constant 0 : i32
      %dma_wait3A_47 = tpu.memref_slice %arg11[%mul3A_13, %dma_wait3A_46] : memref<10240x128xf32, #tpu.memory_space<vmem_shared>> -> memref<640x128xf32, #tpu.memory_space<vmem_shared>>
      tpu.wait_dma2 semaphore(%run_scoped3A_43 : memref<!tpu.dma_semaphore, #tpu.memory_space<semaphore_mem>>) src(%arg5 : memref<640x128xf32, #tpu.memory_space<hbm>>) dst(%dma_wait3A_47 : memref<640x128xf32, #tpu.memory_space<vmem_shared>>)
      tpu.yield
    }) : () -> ()
    %dma_wait3A = tpu.memref_slice %arg3[%mul3A_2] : memref<320000xi32, #tpu.memory_space<hbm>> -> memref<10000xi32, #tpu.memory_space<hbm>>
    %dma_wait3A_14 = tpu.memref_slice %arg3[%mul3A_2] : memref<320000xi32, #tpu.memory_space<hbm>> -> memref<10000xi32, #tpu.memory_space<hbm>>
    tpu.wait_dma2 semaphore(%arg12 : memref<!tpu.dma_semaphore, #tpu.memory_space<semaphore_mem>>) src(%dma_wait3A_14 : memref<10000xi32, #tpu.memory_space<hbm>>) dst(%arg7 : memref<10000xi32, #tpu.memory_space<vmem>>)
    %dma_wait3A_15 = arith.constant 0 : i32
    %dma_wait3A_16 = arith.constant 0 : i32
    %dma_wait3A_17 = tpu.memref_slice %arg4[%add3A, %dma_wait3A_15, %dma_wait3A_16] : memref<32x125x80xi32, #tpu.memory_space<hbm>> -> memref<1x125x80xi32, #tpu.memory_space<hbm>>
    %dma_wait3A_18 = tpu.memref_squeeze %dma_wait3A_17 : memref<1x125x80xi32, #tpu.memory_space<hbm>> -> memref<125x80xi32, #tpu.memory_space<hbm>>
    %dma_wait3A_19 = arith.constant 0 : i32
    %dma_wait3A_20 = arith.constant 0 : i32
    %dma_wait3A_21 = tpu.memref_slice %arg4[%add3A, %dma_wait3A_19, %dma_wait3A_20] : memref<32x125x80xi32, #tpu.memory_space<hbm>> -> memref<1x125x80xi32, #tpu.memory_space<hbm>>
    %dma_wait3A_22 = tpu.memref_squeeze %dma_wait3A_21 : memref<1x125x80xi32, #tpu.memory_space<hbm>> -> memref<125x80xi32, #tpu.memory_space<hbm>>
    tpu.wait_dma2 semaphore(%arg13 : memref<!tpu.dma_semaphore, #tpu.memory_space<semaphore_mem>>) src(%dma_wait3A_22 : memref<125x80xi32, #tpu.memory_space<hbm>>) dst(%arg8 : memref<125x80xi32, #tpu.memory_space<vmem>>)
    %barrier3A = arith.constant 0 : index
    tpu.barrier barrier_id(%barrier3A)
    %dma_start3A_23 = arith.constant 0 : i32
    %dma_start3A_24 = tpu.memref_slice %arg7[%dma_start3A_23] : memref<10000xi32, #tpu.memory_space<vmem>> -> memref<80xi32, #tpu.memory_space<vmem>>
    %dma_start3A_25 = arith.constant 0 : i32
    %dma_start3A_26 = arith.constant 0 : i32
    %dma_start3A_27 = tpu.memref_slice %arg2[%dma_start3A_25, %dma_start3A_26] : memref<10000x128xf32, #tpu.memory_space<hbm>> -> memref<10000x128xf32, #tpu.memory_space<hbm>>
    tpu.enqueue_indirect_dma source(%dma_start3A_27 : memref<10000x128xf32, #tpu.memory_space<hbm>>) target(%arg9 : memref<80x128xf32, #tpu.memory_space<vmem>>) offsets(%dma_start3A_24 : memref<80xi32, #tpu.memory_space<vmem>>) semaphore(%arg12 : memref<!tpu.dma_semaphore, #tpu.memory_space<semaphore_mem>>)
    %scan3A = arith.constant 0 : i32
    %scan3A_28 = arith.constant 0 : i32
    %scan3A_29 = arith.constant 62 : i32
    %scan3A_30 = arith.addi %scan3A_28, %scan3A_29 : i32
    %scan3A_31 = arith.constant 1 : i32
    scf.for %scan3A_43 = %scan3A_28 to %scan3A_30 step %scan3A_31  : i32 {
      %mul3A_44 = arith.constant 2 : i32
      %mul3A_45 = arith.muli %mul3A_44, %scan3A_43 : i32
      %add3A_46 = arith.constant 0 : i32
      %add3A_47 = arith.addi %mul3A_45, %add3A_46 : i32
      %add3A_48 = arith.constant 1 : i32
      %add3A_49 = arith.addi %add3A_47, %add3A_48 : i32
      %mul3A_50 = arith.constant 80 : i32
      %mul3A_51 = arith.muli %add3A_49, %mul3A_50 : i32
      %dma_start3A_52 = tpu.memref_slice %arg7[%mul3A_51] : memref<10000xi32, #tpu.memory_space<vmem>> -> memref<80xi32, #tpu.memory_space<vmem>>
      %dma_start3A_53 = arith.constant 0 : i32
      %dma_start3A_54 = arith.constant 0 : i32
      %dma_start3A_55 = tpu.memref_slice %arg2[%dma_start3A_53, %dma_start3A_54] : memref<10000x128xf32, #tpu.memory_space<hbm>> -> memref<10000x128xf32, #tpu.memory_space<hbm>>
      tpu.enqueue_indirect_dma source(%dma_start3A_55 : memref<10000x128xf32, #tpu.memory_space<hbm>>) target(%arg10 : memref<80x128xf32, #tpu.memory_space<vmem>>) offsets(%dma_start3A_52 : memref<80xi32, #tpu.memory_space<vmem>>) semaphore(%arg13 : memref<!tpu.dma_semaphore, #tpu.memory_space<semaphore_mem>>)
      %mul3A_56 = arith.constant 80 : i32
      %mul3A_57 = arith.muli %add3A_47, %mul3A_56 : i32
      %dma_wait3A_58 = tpu.memref_slice %arg7[%mul3A_57] : memref<10000xi32, #tpu.memory_space<vmem>> -> memref<80xi32, #tpu.memory_space<vmem>>
      %dma_wait3A_59 = arith.constant 0 : i32
      %dma_wait3A_60 = arith.constant 0 : i32
      %dma_wait3A_61 = tpu.memref_slice %arg2[%dma_wait3A_59, %dma_wait3A_60] : memref<10000x128xf32, #tpu.memory_space<hbm>> -> memref<10000x128xf32, #tpu.memory_space<hbm>>
      tpu.wait_indirect_dma semaphore(%arg12 : memref<!tpu.dma_semaphore, #tpu.memory_space<semaphore_mem>>) src(%dma_wait3A_61 : memref<10000x128xf32, #tpu.memory_space<hbm>>) dst(%arg9 : memref<80x128xf32, #tpu.memory_space<vmem>>)
      "tpu.region"() ({
        %run_scoped3A_80 = tpu.sem_alloc : memref<!tpu.dma_semaphore, #tpu.memory_space<semaphore_mem>>
        %dma_start3A_81 = arith.constant 0 : i32
        %dma_start3A_82 = tpu.memref_slice %arg8[%add3A_47, %dma_start3A_81] : memref<125x80xi32, #tpu.memory_space<vmem>> -> memref<1x80xi32, #tpu.memory_space<vmem>>
        %dma_start3A_83 = tpu.memref_squeeze %dma_start3A_82 : memref<1x80xi32, #tpu.memory_space<vmem>> -> memref<80xi32, #tpu.memory_space<vmem>>
        %dma_start3A_84 = arith.constant 0 : i32
        %dma_start3A_85 = arith.constant 0 : i32
        %dma_start3A_86 = tpu.memref_slice %arg11[%dma_start3A_84, %dma_start3A_85] : memref<10240x128xf32, #tpu.memory_space<vmem_shared>> -> memref<10240x128xf32, #tpu.memory_space<vmem_shared>>
        tpu.enqueue_indirect_dma source(%arg9 : memref<80x128xf32, #tpu.memory_space<vmem>>) target(%dma_start3A_86 : memref<10240x128xf32, #tpu.memory_space<vmem_shared>>) offsets(%dma_start3A_83 : memref<80xi32, #tpu.memory_space<vmem>>) semaphore(%run_scoped3A_80 : memref<!tpu.dma_semaphore, #tpu.memory_space<semaphore_mem>>) {add = true}
        %dma_wait3A_87 = arith.constant 0 : i32
        %dma_wait3A_88 = tpu.memref_slice %arg8[%add3A_47, %dma_wait3A_87] : memref<125x80xi32, #tpu.memory_space<vmem>> -> memref<1x80xi32, #tpu.memory_space<vmem>>
        %dma_wait3A_89 = tpu.memref_squeeze %dma_wait3A_88 : memref<1x80xi32, #tpu.memory_space<vmem>> -> memref<80xi32, #tpu.memory_space<vmem>>
        %dma_wait3A_90 = arith.constant 0 : i32
        %dma_wait3A_91 = arith.constant 0 : i32
        %dma_wait3A_92 = tpu.memref_slice %arg11[%dma_wait3A_90, %dma_wait3A_91] : memref<10240x128xf32, #tpu.memory_space<vmem_shared>> -> memref<10240x128xf32, #tpu.memory_space<vmem_shared>>
        tpu.wait_indirect_dma semaphore(%run_scoped3A_80 : memref<!tpu.dma_semaphore, #tpu.memory_space<semaphore_mem>>) src(%arg9 : memref<80x128xf32, #tpu.memory_space<vmem>>) dst(%dma_wait3A_92 : memref<10240x128xf32, #tpu.memory_space<vmem_shared>>)
        tpu.yield
      }) : () -> ()
      %mul3A_62 = arith.constant 2 : i32
      %mul3A_63 = arith.muli %mul3A_62, %scan3A_43 : i32
      %add3A_64 = arith.constant 1 : i32
      %add3A_65 = arith.addi %mul3A_63, %add3A_64 : i32
      %add3A_66 = arith.constant 1 : i32
      %add3A_67 = arith.addi %add3A_65, %add3A_66 : i32
      %mul3A_68 = arith.constant 80 : i32
      %mul3A_69 = arith.muli %add3A_67, %mul3A_68 : i32
      %dma_start3A_70 = tpu.memref_slice %arg7[%mul3A_69] : memref<10000xi32, #tpu.memory_space<vmem>> -> memref<80xi32, #tpu.memory_space<vmem>>
      %dma_start3A_71 = arith.constant 0 : i32
      %dma_start3A_72 = arith.constant 0 : i32
      %dma_start3A_73 = tpu.memref_slice %arg2[%dma_start3A_71, %dma_start3A_72] : memref<10000x128xf32, #tpu.memory_space<hbm>> -> memref<10000x128xf32, #tpu.memory_space<hbm>>
      tpu.enqueue_indirect_dma source(%dma_start3A_73 : memref<10000x128xf32, #tpu.memory_space<hbm>>) target(%arg9 : memref<80x128xf32, #tpu.memory_space<vmem>>) offsets(%dma_start3A_70 : memref<80xi32, #tpu.memory_space<vmem>>) semaphore(%arg12 : memref<!tpu.dma_semaphore, #tpu.memory_space<semaphore_mem>>)
      %mul3A_74 = arith.constant 80 : i32
      %mul3A_75 = arith.muli %add3A_65, %mul3A_74 : i32
      %dma_wait3A_76 = tpu.memref_slice %arg7[%mul3A_75] : memref<10000xi32, #tpu.memory_space<vmem>> -> memref<80xi32, #tpu.memory_space<vmem>>
      %dma_wait3A_77 = arith.constant 0 : i32
      %dma_wait3A_78 = arith.constant 0 : i32
      %dma_wait3A_79 = tpu.memref_slice %arg2[%dma_wait3A_77, %dma_wait3A_78] : memref<10000x128xf32, #tpu.memory_space<hbm>> -> memref<10000x128xf32, #tpu.memory_space<hbm>>
      tpu.wait_indirect_dma semaphore(%arg13 : memref<!tpu.dma_semaphore, #tpu.memory_space<semaphore_mem>>) src(%dma_wait3A_79 : memref<10000x128xf32, #tpu.memory_space<hbm>>) dst(%arg10 : memref<80x128xf32, #tpu.memory_space<vmem>>)
      "tpu.region"() ({
        %run_scoped3A_80 = tpu.sem_alloc : memref<!tpu.dma_semaphore, #tpu.memory_space<semaphore_mem>>
        %dma_start3A_81 = arith.constant 0 : i32
        %dma_start3A_82 = tpu.memref_slice %arg8[%add3A_65, %dma_start3A_81] : memref<125x80xi32, #tpu.memory_space<vmem>> -> memref<1x80xi32, #tpu.memory_space<vmem>>
        %dma_start3A_83 = tpu.memref_squeeze %dma_start3A_82 : memref<1x80xi32, #tpu.memory_space<vmem>> -> memref<80xi32, #tpu.memory_space<vmem>>
        %dma_start3A_84 = arith.constant 0 : i32
        %dma_start3A_85 = arith.constant 0 : i32
        %dma_start3A_86 = tpu.memref_slice %arg11[%dma_start3A_84, %dma_start3A_85] : memref<10240x128xf32, #tpu.memory_space<vmem_shared>> -> memref<10240x128xf32, #tpu.memory_space<vmem_shared>>
        tpu.enqueue_indirect_dma source(%arg10 : memref<80x128xf32, #tpu.memory_space<vmem>>) target(%dma_start3A_86 : memref<10240x128xf32, #tpu.memory_space<vmem_shared>>) offsets(%dma_start3A_83 : memref<80xi32, #tpu.memory_space<vmem>>) semaphore(%run_scoped3A_80 : memref<!tpu.dma_semaphore, #tpu.memory_space<semaphore_mem>>) {add = true}
        %dma_wait3A_87 = arith.constant 0 : i32
        %dma_wait3A_88 = tpu.memref_slice %arg8[%add3A_65, %dma_wait3A_87] : memref<125x80xi32, #tpu.memory_space<vmem>> -> memref<1x80xi32, #tpu.memory_space<vmem>>
        %dma_wait3A_89 = tpu.memref_squeeze %dma_wait3A_88 : memref<1x80xi32, #tpu.memory_space<vmem>> -> memref<80xi32, #tpu.memory_space<vmem>>
        %dma_wait3A_90 = arith.constant 0 : i32
        %dma_wait3A_91 = arith.constant 0 : i32
        %dma_wait3A_92 = tpu.memref_slice %arg11[%dma_wait3A_90, %dma_wait3A_91] : memref<10240x128xf32, #tpu.memory_space<vmem_shared>> -> memref<10240x128xf32, #tpu.memory_space<vmem_shared>>
        tpu.wait_indirect_dma semaphore(%run_scoped3A_80 : memref<!tpu.dma_semaphore, #tpu.memory_space<semaphore_mem>>) src(%arg10 : memref<80x128xf32, #tpu.memory_space<vmem>>) dst(%dma_wait3A_92 : memref<10240x128xf32, #tpu.memory_space<vmem_shared>>)
        tpu.yield
      }) : () -> ()
    }
    %scan3A_32 = arith.constant 62 : i32
    %dma_wait3A_33 = arith.constant 9920 : i32
    %dma_wait3A_34 = tpu.memref_slice %arg7[%dma_wait3A_33] : memref<10000xi32, #tpu.memory_space<vmem>> -> memref<80xi32, #tpu.memory_space<vmem>>
    %dma_wait3A_35 = arith.constant 0 : i32
    %dma_wait3A_36 = arith.constant 0 : i32
    %dma_wait3A_37 = tpu.memref_slice %arg2[%dma_wait3A_35, %dma_wait3A_36] : memref<10000x128xf32, #tpu.memory_space<hbm>> -> memref<10000x128xf32, #tpu.memory_space<hbm>>
    tpu.wait_indirect_dma semaphore(%arg12 : memref<!tpu.dma_semaphore, #tpu.memory_space<semaphore_mem>>) src(%dma_wait3A_37 : memref<10000x128xf32, #tpu.memory_space<hbm>>) dst(%arg9 : memref<80x128xf32, #tpu.memory_space<vmem>>)
    %run_scoped3A = arith.constant 124 : i32
    "tpu.region"() ({
      %run_scoped3A_43 = tpu.sem_alloc : memref<!tpu.dma_semaphore, #tpu.memory_space<semaphore_mem>>
      %dma_start3A_44 = arith.constant 0 : i32
      %dma_start3A_45 = tpu.memref_slice %arg8[%run_scoped3A, %dma_start3A_44] : memref<125x80xi32, #tpu.memory_space<vmem>> -> memref<1x80xi32, #tpu.memory_space<vmem>>
      %dma_start3A_46 = tpu.memref_squeeze %dma_start3A_45 : memref<1x80xi32, #tpu.memory_space<vmem>> -> memref<80xi32, #tpu.memory_space<vmem>>
      %dma_start3A_47 = arith.constant 0 : i32
      %dma_start3A_48 = arith.constant 0 : i32
      %dma_start3A_49 = tpu.memref_slice %arg11[%dma_start3A_47, %dma_start3A_48] : memref<10240x128xf32, #tpu.memory_space<vmem_shared>> -> memref<10240x128xf32, #tpu.memory_space<vmem_shared>>
      tpu.enqueue_indirect_dma source(%arg9 : memref<80x128xf32, #tpu.memory_space<vmem>>) target(%dma_start3A_49 : memref<10240x128xf32, #tpu.memory_space<vmem_shared>>) offsets(%dma_start3A_46 : memref<80xi32, #tpu.memory_space<vmem>>) semaphore(%run_scoped3A_43 : memref<!tpu.dma_semaphore, #tpu.memory_space<semaphore_mem>>) {add = true}
      %dma_wait3A_50 = arith.constant 0 : i32
      %dma_wait3A_51 = tpu.memref_slice %arg8[%run_scoped3A, %dma_wait3A_50] : memref<125x80xi32, #tpu.memory_space<vmem>> -> memref<1x80xi32, #tpu.memory_space<vmem>>
      %dma_wait3A_52 = tpu.memref_squeeze %dma_wait3A_51 : memref<1x80xi32, #tpu.memory_space<vmem>> -> memref<80xi32, #tpu.memory_space<vmem>>
      %dma_wait3A_53 = arith.constant 0 : i32
      %dma_wait3A_54 = arith.constant 0 : i32
      %dma_wait3A_55 = tpu.memref_slice %arg11[%dma_wait3A_53, %dma_wait3A_54] : memref<10240x128xf32, #tpu.memory_space<vmem_shared>> -> memref<10240x128xf32, #tpu.memory_space<vmem_shared>>
      tpu.wait_indirect_dma semaphore(%run_scoped3A_43 : memref<!tpu.dma_semaphore, #tpu.memory_space<semaphore_mem>>) src(%arg9 : memref<80x128xf32, #tpu.memory_space<vmem>>) dst(%dma_wait3A_55 : memref<10240x128xf32, #tpu.memory_space<vmem_shared>>)
      tpu.yield
    }) : () -> ()
    %barrier3A_38 = arith.constant 0 : index
    tpu.barrier barrier_id(%barrier3A_38)
    %mul3A_39 = arith.constant 640 : i32
    %mul3A_40 = arith.muli %arg1, %mul3A_39 : i32
    %mul3A_41 = arith.constant 640 : i32
    %mul3A_42 = arith.muli %arg1, %mul3A_41 : i32
    "tpu.region"() ({
      %run_scoped3A_43 = tpu.sem_alloc : memref<!tpu.dma_semaphore, #tpu.memory_space<semaphore_mem>>
      %dma_start3A_44 = arith.constant 0 : i32
      %dma_start3A_45 = tpu.memref_slice %arg6[%arg0, %mul3A_42, %dma_start3A_44] : memref<2x10240x128xf32, #tpu.memory_space<hbm>> -> memref<1x640x128xf32, #tpu.memory_space<hbm>>
      %dma_start3A_46 = tpu.memref_squeeze %dma_start3A_45 : memref<1x640x128xf32, #tpu.memory_space<hbm>> -> memref<640x128xf32, #tpu.memory_space<hbm>>
      %dma_start3A_47 = arith.constant 0 : i32
      %dma_start3A_48 = tpu.memref_slice %arg11[%mul3A_40, %dma_start3A_47] : memref<10240x128xf32, #tpu.memory_space<vmem_shared>> -> memref<640x128xf32, #tpu.memory_space<vmem_shared>>
      tpu.enqueue_dma source(%dma_start3A_48 : memref<640x128xf32, #tpu.memory_space<vmem_shared>>) target(%dma_start3A_46 : memref<640x128xf32, #tpu.memory_space<hbm>>) target_semaphore(%run_scoped3A_43 : memref<!tpu.dma_semaphore, #tpu.memory_space<semaphore_mem>>)
      %dma_wait3A_49 = arith.constant 0 : i32
      %dma_wait3A_50 = tpu.memref_slice %arg6[%arg0, %mul3A_42, %dma_wait3A_49] : memref<2x10240x128xf32, #tpu.memory_space<hbm>> -> memref<1x640x128xf32, #tpu.memory_space<hbm>>
      %dma_wait3A_51 = tpu.memref_squeeze %dma_wait3A_50 : memref<1x640x128xf32, #tpu.memory_space<hbm>> -> memref<640x128xf32, #tpu.memory_space<hbm>>
      %dma_wait3A_52 = arith.constant 0 : i32
      %dma_wait3A_53 = tpu.memref_slice %arg11[%mul3A_40, %dma_wait3A_52] : memref<10240x128xf32, #tpu.memory_space<vmem_shared>> -> memref<640x128xf32, #tpu.memory_space<vmem_shared>>
      tpu.wait_dma2 semaphore(%run_scoped3A_43 : memref<!tpu.dma_semaphore, #tpu.memory_space<semaphore_mem>>) src(%dma_wait3A_53 : memref<640x128xf32, #tpu.memory_space<vmem_shared>>) dst(%dma_wait3A_51 : memref<640x128xf32, #tpu.memory_space<hbm>>)
      tpu.yield
    }) : () -> ()
    return
  }
}

#map = affine_map<(d0, d1) -> (0, 0)>
#map1 = affine_map<(d0, d1) -> (0)>
#map2 = affine_map<(d0, d1) -> (0, 0, 0)>
module attributes {stable_mosaic.version = 14 : i64} {
  func.func @_agg_sc(%arg0: i32, %arg1: i32, %arg2: memref<10000x128xf32, #tpu.memory_space<hbm>>, %arg3: memref<320000xi32, #tpu.memory_space<hbm>>, %arg4: memref<32x125x80xi32, #tpu.memory_space<hbm>>, %arg5: memref<640x128xf32, #tpu.memory_space<hbm>>, %arg6: memref<2x10240x128xf32, #tpu.memory_space<hbm>>, %arg7: memref<10000xi32, #tpu.memory_space<vmem>>, %arg8: memref<125x80xi32, #tpu.memory_space<vmem>>, %arg9: memref<80x128xf32, #tpu.memory_space<vmem>>, %arg10: memref<80x128xf32, #tpu.memory_space<vmem>>, %arg11: memref<10240x128xf32, #tpu.memory_space<vmem_shared>>, %arg12: memref<!tpu.dma_semaphore, #tpu.memory_space<semaphore_mem>>, %arg13: memref<!tpu.dma_semaphore, #tpu.memory_space<semaphore_mem>>) attributes {dimension_semantics = [#tpu.dimension_semantics<core_parallel>, #tpu.dimension_semantics<subcore_parallel>], iteration_bounds = array<i64: 2, 16>, scalar_prefetch = 0 : i64, scratch_operands = 7 : i64, tpu.core_type = #tpu.core_type<sc_vector_subcore>, window_params = [{transform_indices = #map}, {transform_indices = #map1}, {transform_indices = #map2}, {transform_indices = #map}, {transform_indices = #map2}]} {
    %mul3A = arith.constant 2 : i32
    %mul3A_0 = arith.muli %arg1, %mul3A : i32
    %add3A = arith.addi %mul3A_0, %arg0 : i32
    %mul3A_1 = arith.constant 10000 : i32
    %mul3A_2 = arith.muli %add3A, %mul3A_1 : i32
    %dma_start3A = tpu.memref_slice %arg3[%mul3A_2] : memref<320000xi32, #tpu.memory_space<hbm>> -> memref<10000xi32, #tpu.memory_space<hbm>>
    %dma_start3A_3 = tpu.memref_slice %arg3[%mul3A_2] : memref<320000xi32, #tpu.memory_space<hbm>> -> memref<10000xi32, #tpu.memory_space<hbm>>
    tpu.enqueue_dma source(%dma_start3A_3 : memref<10000xi32, #tpu.memory_space<hbm>>) target(%arg7 : memref<10000xi32, #tpu.memory_space<vmem>>) target_semaphore(%arg12 : memref<!tpu.dma_semaphore, #tpu.memory_space<semaphore_mem>>)
    %dma_start3A_4 = arith.constant 0 : i32
    %dma_start3A_5 = arith.constant 0 : i32
    %dma_start3A_6 = tpu.memref_slice %arg4[%add3A, %dma_start3A_4, %dma_start3A_5] : memref<32x125x80xi32, #tpu.memory_space<hbm>> -> memref<1x125x80xi32, #tpu.memory_space<hbm>>
    %dma_start3A_7 = tpu.memref_squeeze %dma_start3A_6 : memref<1x125x80xi32, #tpu.memory_space<hbm>> -> memref<125x80xi32, #tpu.memory_space<hbm>>
    %dma_start3A_8 = arith.constant 0 : i32
    %dma_start3A_9 = arith.constant 0 : i32
    %dma_start3A_10 = tpu.memref_slice %arg4[%add3A, %dma_start3A_8, %dma_start3A_9] : memref<32x125x80xi32, #tpu.memory_space<hbm>> -> memref<1x125x80xi32, #tpu.memory_space<hbm>>
    %dma_start3A_11 = tpu.memref_squeeze %dma_start3A_10 : memref<1x125x80xi32, #tpu.memory_space<hbm>> -> memref<125x80xi32, #tpu.memory_space<hbm>>
    tpu.enqueue_dma source(%dma_start3A_11 : memref<125x80xi32, #tpu.memory_space<hbm>>) target(%arg8 : memref<125x80xi32, #tpu.memory_space<vmem>>) target_semaphore(%arg13 : memref<!tpu.dma_semaphore, #tpu.memory_space<semaphore_mem>>)
    %mul3A_12 = arith.constant 640 : i32
    %mul3A_13 = arith.muli %arg1, %mul3A_12 : i32
    "tpu.region"() ({
      %run_scoped3A_43 = tpu.sem_alloc : memref<!tpu.dma_semaphore, #tpu.memory_space<semaphore_mem>>
      %dma_start3A_44 = arith.constant 0 : i32
      %dma_start3A_45 = tpu.memref_slice %arg11[%mul3A_13, %dma_start3A_44] : memref<10240x128xf32, #tpu.memory_space<vmem_shared>> -> memref<640x128xf32, #tpu.memory_space<vmem_shared>>
      tpu.enqueue_dma source(%arg5 : memref<640x128xf32, #tpu.memory_space<hbm>>) target(%dma_start3A_45 : memref<640x128xf32, #tpu.memory_space<vmem_shared>>) target_semaphore(%run_scoped3A_43 : memref<!tpu.dma_semaphore, #tpu.memory_space<semaphore_mem>>)
      %dma_wait3A_46 = arith.constant 0 : i32
      %dma_wait3A_47 = tpu.memref_slice %arg11[%mul3A_13, %dma_wait3A_46] : memref<10240x128xf32, #tpu.memory_space<vmem_shared>> -> memref<640x128xf32, #tpu.memory_space<vmem_shared>>
      tpu.wait_dma2 semaphore(%run_scoped3A_43 : memref<!tpu.dma_semaphore, #tpu.memory_space<semaphore_mem>>) src(%arg5 : memref<640x128xf32, #tpu.memory_space<hbm>>) dst(%dma_wait3A_47 : memref<640x128xf32, #tpu.memory_space<vmem_shared>>)
      tpu.yield
    }) : () -> ()
    %dma_wait3A = tpu.memref_slice %arg3[%mul3A_2] : memref<320000xi32, #tpu.memory_space<hbm>> -> memref<10000xi32, #tpu.memory_space<hbm>>
    %dma_wait3A_14 = tpu.memref_slice %arg3[%mul3A_2] : memref<320000xi32, #tpu.memory_space<hbm>> -> memref<10000xi32, #tpu.memory_space<hbm>>
    tpu.wait_dma2 semaphore(%arg12 : memref<!tpu.dma_semaphore, #tpu.memory_space<semaphore_mem>>) src(%dma_wait3A_14 : memref<10000xi32, #tpu.memory_space<hbm>>) dst(%arg7 : memref<10000xi32, #tpu.memory_space<vmem>>)
    %dma_wait3A_15 = arith.constant 0 : i32
    %dma_wait3A_16 = arith.constant 0 : i32
    %dma_wait3A_17 = tpu.memref_slice %arg4[%add3A, %dma_wait3A_15, %dma_wait3A_16] : memref<32x125x80xi32, #tpu.memory_space<hbm>> -> memref<1x125x80xi32, #tpu.memory_space<hbm>>
    %dma_wait3A_18 = tpu.memref_squeeze %dma_wait3A_17 : memref<1x125x80xi32, #tpu.memory_space<hbm>> -> memref<125x80xi32, #tpu.memory_space<hbm>>
    %dma_wait3A_19 = arith.constant 0 : i32
    %dma_wait3A_20 = arith.constant 0 : i32
    %dma_wait3A_21 = tpu.memref_slice %arg4[%add3A, %dma_wait3A_19, %dma_wait3A_20] : memref<32x125x80xi32, #tpu.memory_space<hbm>> -> memref<1x125x80xi32, #tpu.memory_space<hbm>>
    %dma_wait3A_22 = tpu.memref_squeeze %dma_wait3A_21 : memref<1x125x80xi32, #tpu.memory_space<hbm>> -> memref<125x80xi32, #tpu.memory_space<hbm>>
    tpu.wait_dma2 semaphore(%arg13 : memref<!tpu.dma_semaphore, #tpu.memory_space<semaphore_mem>>) src(%dma_wait3A_22 : memref<125x80xi32, #tpu.memory_space<hbm>>) dst(%arg8 : memref<125x80xi32, #tpu.memory_space<vmem>>)
    %barrier3A = arith.constant 0 : index
    tpu.barrier barrier_id(%barrier3A)
    %dma_start3A_23 = arith.constant 0 : i32
    %dma_start3A_24 = tpu.memref_slice %arg7[%dma_start3A_23] : memref<10000xi32, #tpu.memory_space<vmem>> -> memref<80xi32, #tpu.memory_space<vmem>>
    %dma_start3A_25 = arith.constant 0 : i32
    %dma_start3A_26 = arith.constant 0 : i32
    %dma_start3A_27 = tpu.memref_slice %arg2[%dma_start3A_25, %dma_start3A_26] : memref<10000x128xf32, #tpu.memory_space<hbm>> -> memref<10000x128xf32, #tpu.memory_space<hbm>>
    tpu.enqueue_indirect_dma source(%dma_start3A_27 : memref<10000x128xf32, #tpu.memory_space<hbm>>) target(%arg9 : memref<80x128xf32, #tpu.memory_space<vmem>>) offsets(%dma_start3A_24 : memref<80xi32, #tpu.memory_space<vmem>>) semaphore(%arg12 : memref<!tpu.dma_semaphore, #tpu.memory_space<semaphore_mem>>)
    %scan3A = arith.constant 0 : i32
    %scan3A_28 = arith.constant 0 : i32
    %scan3A_29 = arith.constant 62 : i32
    %scan3A_30 = arith.addi %scan3A_28, %scan3A_29 : i32
    %scan3A_31 = arith.constant 1 : i32
    scf.for %scan3A_43 = %scan3A_28 to %scan3A_30 step %scan3A_31  : i32 {
      %mul3A_44 = arith.constant 2 : i32
      %mul3A_45 = arith.muli %mul3A_44, %scan3A_43 : i32
      %add3A_46 = arith.constant 0 : i32
      %add3A_47 = arith.addi %mul3A_45, %add3A_46 : i32
      %add3A_48 = arith.constant 1 : i32
      %add3A_49 = arith.addi %add3A_47, %add3A_48 : i32
      %mul3A_50 = arith.constant 80 : i32
      %mul3A_51 = arith.muli %add3A_49, %mul3A_50 : i32
      %dma_start3A_52 = tpu.memref_slice %arg7[%mul3A_51] : memref<10000xi32, #tpu.memory_space<vmem>> -> memref<80xi32, #tpu.memory_space<vmem>>
      %dma_start3A_53 = arith.constant 0 : i32
      %dma_start3A_54 = arith.constant 0 : i32
      %dma_start3A_55 = tpu.memref_slice %arg2[%dma_start3A_53, %dma_start3A_54] : memref<10000x128xf32, #tpu.memory_space<hbm>> -> memref<10000x128xf32, #tpu.memory_space<hbm>>
      tpu.enqueue_indirect_dma source(%dma_start3A_55 : memref<10000x128xf32, #tpu.memory_space<hbm>>) target(%arg10 : memref<80x128xf32, #tpu.memory_space<vmem>>) offsets(%dma_start3A_52 : memref<80xi32, #tpu.memory_space<vmem>>) semaphore(%arg13 : memref<!tpu.dma_semaphore, #tpu.memory_space<semaphore_mem>>)
      %mul3A_56 = arith.constant 80 : i32
      %mul3A_57 = arith.muli %add3A_47, %mul3A_56 : i32
      %dma_wait3A_58 = tpu.memref_slice %arg7[%mul3A_57] : memref<10000xi32, #tpu.memory_space<vmem>> -> memref<80xi32, #tpu.memory_space<vmem>>
      %dma_wait3A_59 = arith.constant 0 : i32
      %dma_wait3A_60 = arith.constant 0 : i32
      %dma_wait3A_61 = tpu.memref_slice %arg2[%dma_wait3A_59, %dma_wait3A_60] : memref<10000x128xf32, #tpu.memory_space<hbm>> -> memref<10000x128xf32, #tpu.memory_space<hbm>>
      tpu.wait_indirect_dma semaphore(%arg12 : memref<!tpu.dma_semaphore, #tpu.memory_space<semaphore_mem>>) src(%dma_wait3A_61 : memref<10000x128xf32, #tpu.memory_space<hbm>>) dst(%arg9 : memref<80x128xf32, #tpu.memory_space<vmem>>)
      "tpu.region"() ({
        %run_scoped3A_80 = tpu.sem_alloc : memref<!tpu.dma_semaphore, #tpu.memory_space<semaphore_mem>>
        %dma_start3A_81 = arith.constant 0 : i32
        %dma_start3A_82 = tpu.memref_slice %arg8[%add3A_47, %dma_start3A_81] : memref<125x80xi32, #tpu.memory_space<vmem>> -> memref<1x80xi32, #tpu.memory_space<vmem>>
        %dma_start3A_83 = tpu.memref_squeeze %dma_start3A_82 : memref<1x80xi32, #tpu.memory_space<vmem>> -> memref<80xi32, #tpu.memory_space<vmem>>
        %dma_start3A_84 = arith.constant 0 : i32
        %dma_start3A_85 = arith.constant 0 : i32
        %dma_start3A_86 = tpu.memref_slice %arg11[%dma_start3A_84, %dma_start3A_85] : memref<10240x128xf32, #tpu.memory_space<vmem_shared>> -> memref<10240x128xf32, #tpu.memory_space<vmem_shared>>
        tpu.enqueue_indirect_dma source(%arg9 : memref<80x128xf32, #tpu.memory_space<vmem>>) target(%dma_start3A_86 : memref<10240x128xf32, #tpu.memory_space<vmem_shared>>) offsets(%dma_start3A_83 : memref<80xi32, #tpu.memory_space<vmem>>) semaphore(%run_scoped3A_80 : memref<!tpu.dma_semaphore, #tpu.memory_space<semaphore_mem>>) {add = true}
        %dma_wait3A_87 = arith.constant 0 : i32
        %dma_wait3A_88 = tpu.memref_slice %arg8[%add3A_47, %dma_wait3A_87] : memref<125x80xi32, #tpu.memory_space<vmem>> -> memref<1x80xi32, #tpu.memory_space<vmem>>
        %dma_wait3A_89 = tpu.memref_squeeze %dma_wait3A_88 : memref<1x80xi32, #tpu.memory_space<vmem>> -> memref<80xi32, #tpu.memory_space<vmem>>
        %dma_wait3A_90 = arith.constant 0 : i32
        %dma_wait3A_91 = arith.constant 0 : i32
        %dma_wait3A_92 = tpu.memref_slice %arg11[%dma_wait3A_90, %dma_wait3A_91] : memref<10240x128xf32, #tpu.memory_space<vmem_shared>> -> memref<10240x128xf32, #tpu.memory_space<vmem_shared>>
        tpu.wait_indirect_dma semaphore(%run_scoped3A_80 : memref<!tpu.dma_semaphore, #tpu.memory_space<semaphore_mem>>) src(%arg9 : memref<80x128xf32, #tpu.memory_space<vmem>>) dst(%dma_wait3A_92 : memref<10240x128xf32, #tpu.memory_space<vmem_shared>>)
        tpu.yield
      }) : () -> ()
      %mul3A_62 = arith.constant 2 : i32
      %mul3A_63 = arith.muli %mul3A_62, %scan3A_43 : i32
      %add3A_64 = arith.constant 1 : i32
      %add3A_65 = arith.addi %mul3A_63, %add3A_64 : i32
      %add3A_66 = arith.constant 1 : i32
      %add3A_67 = arith.addi %add3A_65, %add3A_66 : i32
      %mul3A_68 = arith.constant 80 : i32
      %mul3A_69 = arith.muli %add3A_67, %mul3A_68 : i32
      %dma_start3A_70 = tpu.memref_slice %arg7[%mul3A_69] : memref<10000xi32, #tpu.memory_space<vmem>> -> memref<80xi32, #tpu.memory_space<vmem>>
      %dma_start3A_71 = arith.constant 0 : i32
      %dma_start3A_72 = arith.constant 0 : i32
      %dma_start3A_73 = tpu.memref_slice %arg2[%dma_start3A_71, %dma_start3A_72] : memref<10000x128xf32, #tpu.memory_space<hbm>> -> memref<10000x128xf32, #tpu.memory_space<hbm>>
      tpu.enqueue_indirect_dma source(%dma_start3A_73 : memref<10000x128xf32, #tpu.memory_space<hbm>>) target(%arg9 : memref<80x128xf32, #tpu.memory_space<vmem>>) offsets(%dma_start3A_70 : memref<80xi32, #tpu.memory_space<vmem>>) semaphore(%arg12 : memref<!tpu.dma_semaphore, #tpu.memory_space<semaphore_mem>>)
      %mul3A_74 = arith.constant 80 : i32
      %mul3A_75 = arith.muli %add3A_65, %mul3A_74 : i32
      %dma_wait3A_76 = tpu.memref_slice %arg7[%mul3A_75] : memref<10000xi32, #tpu.memory_space<vmem>> -> memref<80xi32, #tpu.memory_space<vmem>>
      %dma_wait3A_77 = arith.constant 0 : i32
      %dma_wait3A_78 = arith.constant 0 : i32
      %dma_wait3A_79 = tpu.memref_slice %arg2[%dma_wait3A_77, %dma_wait3A_78] : memref<10000x128xf32, #tpu.memory_space<hbm>> -> memref<10000x128xf32, #tpu.memory_space<hbm>>
      tpu.wait_indirect_dma semaphore(%arg13 : memref<!tpu.dma_semaphore, #tpu.memory_space<semaphore_mem>>) src(%dma_wait3A_79 : memref<10000x128xf32, #tpu.memory_space<hbm>>) dst(%arg10 : memref<80x128xf32, #tpu.memory_space<vmem>>)
      "tpu.region"() ({
        %run_scoped3A_80 = tpu.sem_alloc : memref<!tpu.dma_semaphore, #tpu.memory_space<semaphore_mem>>
        %dma_start3A_81 = arith.constant 0 : i32
        %dma_start3A_82 = tpu.memref_slice %arg8[%add3A_65, %dma_start3A_81] : memref<125x80xi32, #tpu.memory_space<vmem>> -> memref<1x80xi32, #tpu.memory_space<vmem>>
        %dma_start3A_83 = tpu.memref_squeeze %dma_start3A_82 : memref<1x80xi32, #tpu.memory_space<vmem>> -> memref<80xi32, #tpu.memory_space<vmem>>
        %dma_start3A_84 = arith.constant 0 : i32
        %dma_start3A_85 = arith.constant 0 : i32
        %dma_start3A_86 = tpu.memref_slice %arg11[%dma_start3A_84, %dma_start3A_85] : memref<10240x128xf32, #tpu.memory_space<vmem_shared>> -> memref<10240x128xf32, #tpu.memory_space<vmem_shared>>
        tpu.enqueue_indirect_dma source(%arg10 : memref<80x128xf32, #tpu.memory_space<vmem>>) target(%dma_start3A_86 : memref<10240x128xf32, #tpu.memory_space<vmem_shared>>) offsets(%dma_start3A_83 : memref<80xi32, #tpu.memory_space<vmem>>) semaphore(%run_scoped3A_80 : memref<!tpu.dma_semaphore, #tpu.memory_space<semaphore_mem>>) {add = true}
        %dma_wait3A_87 = arith.constant 0 : i32
        %dma_wait3A_88 = tpu.memref_slice %arg8[%add3A_65, %dma_wait3A_87] : memref<125x80xi32, #tpu.memory_space<vmem>> -> memref<1x80xi32, #tpu.memory_space<vmem>>
        %dma_wait3A_89 = tpu.memref_squeeze %dma_wait3A_88 : memref<1x80xi32, #tpu.memory_space<vmem>> -> memref<80xi32, #tpu.memory_space<vmem>>
        %dma_wait3A_90 = arith.constant 0 : i32
        %dma_wait3A_91 = arith.constant 0 : i32
        %dma_wait3A_92 = tpu.memref_slice %arg11[%dma_wait3A_90, %dma_wait3A_91] : memref<10240x128xf32, #tpu.memory_space<vmem_shared>> -> memref<10240x128xf32, #tpu.memory_space<vmem_shared>>
        tpu.wait_indirect_dma semaphore(%run_scoped3A_80 : memref<!tpu.dma_semaphore, #tpu.memory_space<semaphore_mem>>) src(%arg10 : memref<80x128xf32, #tpu.memory_space<vmem>>) dst(%dma_wait3A_92 : memref<10240x128xf32, #tpu.memory_space<vmem_shared>>)
        tpu.yield
      }) : () -> ()
    }
    %scan3A_32 = arith.constant 62 : i32
    %dma_wait3A_33 = arith.constant 9920 : i32
    %dma_wait3A_34 = tpu.memref_slice %arg7[%dma_wait3A_33] : memref<10000xi32, #tpu.memory_space<vmem>> -> memref<80xi32, #tpu.memory_space<vmem>>
    %dma_wait3A_35 = arith.constant 0 : i32
    %dma_wait3A_36 = arith.constant 0 : i32
    %dma_wait3A_37 = tpu.memref_slice %arg2[%dma_wait3A_35, %dma_wait3A_36] : memref<10000x128xf32, #tpu.memory_space<hbm>> -> memref<10000x128xf32, #tpu.memory_space<hbm>>
    tpu.wait_indirect_dma semaphore(%arg12 : memref<!tpu.dma_semaphore, #tpu.memory_space<semaphore_mem>>) src(%dma_wait3A_37 : memref<10000x128xf32, #tpu.memory_space<hbm>>) dst(%arg9 : memref<80x128xf32, #tpu.memory_space<vmem>>)
    %run_scoped3A = arith.constant 124 : i32
    "tpu.region"() ({
      %run_scoped3A_43 = tpu.sem_alloc : memref<!tpu.dma_semaphore, #tpu.memory_space<semaphore_mem>>
      %dma_start3A_44 = arith.constant 0 : i32
      %dma_start3A_45 = tpu.memref_slice %arg8[%run_scoped3A, %dma_start3A_44] : memref<125x80xi32, #tpu.memory_space<vmem>> -> memref<1x80xi32, #tpu.memory_space<vmem>>
      %dma_start3A_46 = tpu.memref_squeeze %dma_start3A_45 : memref<1x80xi32, #tpu.memory_space<vmem>> -> memref<80xi32, #tpu.memory_space<vmem>>
      %dma_start3A_47 = arith.constant 0 : i32
      %dma_start3A_48 = arith.constant 0 : i32
      %dma_start3A_49 = tpu.memref_slice %arg11[%dma_start3A_47, %dma_start3A_48] : memref<10240x128xf32, #tpu.memory_space<vmem_shared>> -> memref<10240x128xf32, #tpu.memory_space<vmem_shared>>
      tpu.enqueue_indirect_dma source(%arg9 : memref<80x128xf32, #tpu.memory_space<vmem>>) target(%dma_start3A_49 : memref<10240x128xf32, #tpu.memory_space<vmem_shared>>) offsets(%dma_start3A_46 : memref<80xi32, #tpu.memory_space<vmem>>) semaphore(%run_scoped3A_43 : memref<!tpu.dma_semaphore, #tpu.memory_space<semaphore_mem>>) {add = true}
      %dma_wait3A_50 = arith.constant 0 : i32
      %dma_wait3A_51 = tpu.memref_slice %arg8[%run_scoped3A, %dma_wait3A_50] : memref<125x80xi32, #tpu.memory_space<vmem>> -> memref<1x80xi32, #tpu.memory_space<vmem>>
      %dma_wait3A_52 = tpu.memref_squeeze %dma_wait3A_51 : memref<1x80xi32, #tpu.memory_space<vmem>> -> memref<80xi32, #tpu.memory_space<vmem>>
      %dma_wait3A_53 = arith.constant 0 : i32
      %dma_wait3A_54 = arith.constant 0 : i32
      %dma_wait3A_55 = tpu.memref_slice %arg11[%dma_wait3A_53, %dma_wait3A_54] : memref<10240x128xf32, #tpu.memory_space<vmem_shared>> -> memref<10240x128xf32, #tpu.memory_space<vmem_shared>>
      tpu.wait_indirect_dma semaphore(%run_scoped3A_43 : memref<!tpu.dma_semaphore, #tpu.memory_space<semaphore_mem>>) src(%arg9 : memref<80x128xf32, #tpu.memory_space<vmem>>) dst(%dma_wait3A_55 : memref<10240x128xf32, #tpu.memory_space<vmem_shared>>)
      tpu.yield
    }) : () -> ()
    %barrier3A_38 = arith.constant 0 : index
    tpu.barrier barrier_id(%barrier3A_38)
    %mul3A_39 = arith.constant 640 : i32
    %mul3A_40 = arith.muli %arg1, %mul3A_39 : i32
    %mul3A_41 = arith.constant 640 : i32
    %mul3A_42 = arith.muli %arg1, %mul3A_41 : i32
    "tpu.region"() ({
      %run_scoped3A_43 = tpu.sem_alloc : memref<!tpu.dma_semaphore, #tpu.memory_space<semaphore_mem>>
      %dma_start3A_44 = arith.constant 0 : i32
      %dma_start3A_45 = tpu.memref_slice %arg6[%arg0, %mul3A_42, %dma_start3A_44] : memref<2x10240x128xf32, #tpu.memory_space<hbm>> -> memref<1x640x128xf32, #tpu.memory_space<hbm>>
      %dma_start3A_46 = tpu.memref_squeeze %dma_start3A_45 : memref<1x640x128xf32, #tpu.memory_space<hbm>> -> memref<640x128xf32, #tpu.memory_space<hbm>>
      %dma_start3A_47 = arith.constant 0 : i32
      %dma_start3A_48 = tpu.memref_slice %arg11[%mul3A_40, %dma_start3A_47] : memref<10240x128xf32, #tpu.memory_space<vmem_shared>> -> memref<640x128xf32, #tpu.memory_space<vmem_shared>>
      tpu.enqueue_dma source(%dma_start3A_48 : memref<640x128xf32, #tpu.memory_space<vmem_shared>>) target(%dma_start3A_46 : memref<640x128xf32, #tpu.memory_space<hbm>>) target_semaphore(%run_scoped3A_43 : memref<!tpu.dma_semaphore, #tpu.memory_space<semaphore_mem>>)
      %dma_wait3A_49 = arith.constant 0 : i32
      %dma_wait3A_50 = tpu.memref_slice %arg6[%arg0, %mul3A_42, %dma_wait3A_49] : memref<2x10240x128xf32, #tpu.memory_space<hbm>> -> memref<1x640x128xf32, #tpu.memory_space<hbm>>
      %dma_wait3A_51 = tpu.memref_squeeze %dma_wait3A_50 : memref<1x640x128xf32, #tpu.memory_space<hbm>> -> memref<640x128xf32, #tpu.memory_space<hbm>>
      %dma_wait3A_52 = arith.constant 0 : i32
      %dma_wait3A_53 = tpu.memref_slice %arg11[%mul3A_40, %dma_wait3A_52] : memref<10240x128xf32, #tpu.memory_space<vmem_shared>> -> memref<640x128xf32, #tpu.memory_space<vmem_shared>>
      tpu.wait_dma2 semaphore(%run_scoped3A_43 : memref<!tpu.dma_semaphore, #tpu.memory_space<semaphore_mem>>) src(%dma_wait3A_53 : memref<640x128xf32, #tpu.memory_space<vmem_shared>>) dst(%dma_wait3A_51 : memref<640x128xf32, #tpu.memory_space<hbm>>)
      tpu.yield
    }) : () -> ()
    return
  }
}

#map = affine_map<(d0, d1) -> (0, 0)>
#map1 = affine_map<(d0, d1) -> (0)>
#map2 = affine_map<(d0, d1) -> (0, 0, 0)>
module attributes {stable_mosaic.version = 14 : i64} {
  func.func @_agg_sc(%arg0: i32, %arg1: i32, %arg2: memref<10000x128xf32, #tpu.memory_space<hbm>>, %arg3: memref<320000xi32, #tpu.memory_space<hbm>>, %arg4: memref<32x125x80xi32, #tpu.memory_space<hbm>>, %arg5: memref<640x128xf32, #tpu.memory_space<hbm>>, %arg6: memref<2x10240x128xf32, #tpu.memory_space<hbm>>, %arg7: memref<10000xi32, #tpu.memory_space<vmem>>, %arg8: memref<125x80xi32, #tpu.memory_space<vmem>>, %arg9: memref<80x128xf32, #tpu.memory_space<vmem>>, %arg10: memref<80x128xf32, #tpu.memory_space<vmem>>, %arg11: memref<10240x128xf32, #tpu.memory_space<vmem_shared>>, %arg12: memref<!tpu.dma_semaphore, #tpu.memory_space<semaphore_mem>>, %arg13: memref<!tpu.dma_semaphore, #tpu.memory_space<semaphore_mem>>) attributes {dimension_semantics = [#tpu.dimension_semantics<core_parallel>, #tpu.dimension_semantics<subcore_parallel>], iteration_bounds = array<i64: 2, 16>, scalar_prefetch = 0 : i64, scratch_operands = 7 : i64, tpu.core_type = #tpu.core_type<sc_vector_subcore>, window_params = [{transform_indices = #map}, {transform_indices = #map1}, {transform_indices = #map2}, {transform_indices = #map}, {transform_indices = #map2}]} {
    %mul3A = arith.constant 2 : i32
    %mul3A_0 = arith.muli %arg1, %mul3A : i32
    %add3A = arith.addi %mul3A_0, %arg0 : i32
    %mul3A_1 = arith.constant 10000 : i32
    %mul3A_2 = arith.muli %add3A, %mul3A_1 : i32
    %dma_start3A = tpu.memref_slice %arg3[%mul3A_2] : memref<320000xi32, #tpu.memory_space<hbm>> -> memref<10000xi32, #tpu.memory_space<hbm>>
    %dma_start3A_3 = tpu.memref_slice %arg3[%mul3A_2] : memref<320000xi32, #tpu.memory_space<hbm>> -> memref<10000xi32, #tpu.memory_space<hbm>>
    tpu.enqueue_dma source(%dma_start3A_3 : memref<10000xi32, #tpu.memory_space<hbm>>) target(%arg7 : memref<10000xi32, #tpu.memory_space<vmem>>) target_semaphore(%arg12 : memref<!tpu.dma_semaphore, #tpu.memory_space<semaphore_mem>>)
    %dma_start3A_4 = arith.constant 0 : i32
    %dma_start3A_5 = arith.constant 0 : i32
    %dma_start3A_6 = tpu.memref_slice %arg4[%add3A, %dma_start3A_4, %dma_start3A_5] : memref<32x125x80xi32, #tpu.memory_space<hbm>> -> memref<1x125x80xi32, #tpu.memory_space<hbm>>
    %dma_start3A_7 = tpu.memref_squeeze %dma_start3A_6 : memref<1x125x80xi32, #tpu.memory_space<hbm>> -> memref<125x80xi32, #tpu.memory_space<hbm>>
    %dma_start3A_8 = arith.constant 0 : i32
    %dma_start3A_9 = arith.constant 0 : i32
    %dma_start3A_10 = tpu.memref_slice %arg4[%add3A, %dma_start3A_8, %dma_start3A_9] : memref<32x125x80xi32, #tpu.memory_space<hbm>> -> memref<1x125x80xi32, #tpu.memory_space<hbm>>
    %dma_start3A_11 = tpu.memref_squeeze %dma_start3A_10 : memref<1x125x80xi32, #tpu.memory_space<hbm>> -> memref<125x80xi32, #tpu.memory_space<hbm>>
    tpu.enqueue_dma source(%dma_start3A_11 : memref<125x80xi32, #tpu.memory_space<hbm>>) target(%arg8 : memref<125x80xi32, #tpu.memory_space<vmem>>) target_semaphore(%arg13 : memref<!tpu.dma_semaphore, #tpu.memory_space<semaphore_mem>>)
    %mul3A_12 = arith.constant 640 : i32
    %mul3A_13 = arith.muli %arg1, %mul3A_12 : i32
    "tpu.region"() ({
      %run_scoped3A_43 = tpu.sem_alloc : memref<!tpu.dma_semaphore, #tpu.memory_space<semaphore_mem>>
      %dma_start3A_44 = arith.constant 0 : i32
      %dma_start3A_45 = tpu.memref_slice %arg11[%mul3A_13, %dma_start3A_44] : memref<10240x128xf32, #tpu.memory_space<vmem_shared>> -> memref<640x128xf32, #tpu.memory_space<vmem_shared>>
      tpu.enqueue_dma source(%arg5 : memref<640x128xf32, #tpu.memory_space<hbm>>) target(%dma_start3A_45 : memref<640x128xf32, #tpu.memory_space<vmem_shared>>) target_semaphore(%run_scoped3A_43 : memref<!tpu.dma_semaphore, #tpu.memory_space<semaphore_mem>>)
      %dma_wait3A_46 = arith.constant 0 : i32
      %dma_wait3A_47 = tpu.memref_slice %arg11[%mul3A_13, %dma_wait3A_46] : memref<10240x128xf32, #tpu.memory_space<vmem_shared>> -> memref<640x128xf32, #tpu.memory_space<vmem_shared>>
      tpu.wait_dma2 semaphore(%run_scoped3A_43 : memref<!tpu.dma_semaphore, #tpu.memory_space<semaphore_mem>>) src(%arg5 : memref<640x128xf32, #tpu.memory_space<hbm>>) dst(%dma_wait3A_47 : memref<640x128xf32, #tpu.memory_space<vmem_shared>>)
      tpu.yield
    }) : () -> ()
    %dma_wait3A = tpu.memref_slice %arg3[%mul3A_2] : memref<320000xi32, #tpu.memory_space<hbm>> -> memref<10000xi32, #tpu.memory_space<hbm>>
    %dma_wait3A_14 = tpu.memref_slice %arg3[%mul3A_2] : memref<320000xi32, #tpu.memory_space<hbm>> -> memref<10000xi32, #tpu.memory_space<hbm>>
    tpu.wait_dma2 semaphore(%arg12 : memref<!tpu.dma_semaphore, #tpu.memory_space<semaphore_mem>>) src(%dma_wait3A_14 : memref<10000xi32, #tpu.memory_space<hbm>>) dst(%arg7 : memref<10000xi32, #tpu.memory_space<vmem>>)
    %dma_wait3A_15 = arith.constant 0 : i32
    %dma_wait3A_16 = arith.constant 0 : i32
    %dma_wait3A_17 = tpu.memref_slice %arg4[%add3A, %dma_wait3A_15, %dma_wait3A_16] : memref<32x125x80xi32, #tpu.memory_space<hbm>> -> memref<1x125x80xi32, #tpu.memory_space<hbm>>
    %dma_wait3A_18 = tpu.memref_squeeze %dma_wait3A_17 : memref<1x125x80xi32, #tpu.memory_space<hbm>> -> memref<125x80xi32, #tpu.memory_space<hbm>>
    %dma_wait3A_19 = arith.constant 0 : i32
    %dma_wait3A_20 = arith.constant 0 : i32
    %dma_wait3A_21 = tpu.memref_slice %arg4[%add3A, %dma_wait3A_19, %dma_wait3A_20] : memref<32x125x80xi32, #tpu.memory_space<hbm>> -> memref<1x125x80xi32, #tpu.memory_space<hbm>>
    %dma_wait3A_22 = tpu.memref_squeeze %dma_wait3A_21 : memref<1x125x80xi32, #tpu.memory_space<hbm>> -> memref<125x80xi32, #tpu.memory_space<hbm>>
    tpu.wait_dma2 semaphore(%arg13 : memref<!tpu.dma_semaphore, #tpu.memory_space<semaphore_mem>>) src(%dma_wait3A_22 : memref<125x80xi32, #tpu.memory_space<hbm>>) dst(%arg8 : memref<125x80xi32, #tpu.memory_space<vmem>>)
    %barrier3A = arith.constant 0 : index
    tpu.barrier barrier_id(%barrier3A)
    %dma_start3A_23 = arith.constant 0 : i32
    %dma_start3A_24 = tpu.memref_slice %arg7[%dma_start3A_23] : memref<10000xi32, #tpu.memory_space<vmem>> -> memref<80xi32, #tpu.memory_space<vmem>>
    %dma_start3A_25 = arith.constant 0 : i32
    %dma_start3A_26 = arith.constant 0 : i32
    %dma_start3A_27 = tpu.memref_slice %arg2[%dma_start3A_25, %dma_start3A_26] : memref<10000x128xf32, #tpu.memory_space<hbm>> -> memref<10000x128xf32, #tpu.memory_space<hbm>>
    tpu.enqueue_indirect_dma source(%dma_start3A_27 : memref<10000x128xf32, #tpu.memory_space<hbm>>) target(%arg9 : memref<80x128xf32, #tpu.memory_space<vmem>>) offsets(%dma_start3A_24 : memref<80xi32, #tpu.memory_space<vmem>>) semaphore(%arg12 : memref<!tpu.dma_semaphore, #tpu.memory_space<semaphore_mem>>)
    %scan3A = arith.constant 0 : i32
    %scan3A_28 = arith.constant 0 : i32
    %scan3A_29 = arith.constant 62 : i32
    %scan3A_30 = arith.addi %scan3A_28, %scan3A_29 : i32
    %scan3A_31 = arith.constant 1 : i32
    scf.for %scan3A_43 = %scan3A_28 to %scan3A_30 step %scan3A_31  : i32 {
      %mul3A_44 = arith.constant 2 : i32
      %mul3A_45 = arith.muli %mul3A_44, %scan3A_43 : i32
      %add3A_46 = arith.constant 0 : i32
      %add3A_47 = arith.addi %mul3A_45, %add3A_46 : i32
      %add3A_48 = arith.constant 1 : i32
      %add3A_49 = arith.addi %add3A_47, %add3A_48 : i32
      %mul3A_50 = arith.constant 80 : i32
      %mul3A_51 = arith.muli %add3A_49, %mul3A_50 : i32
      %dma_start3A_52 = tpu.memref_slice %arg7[%mul3A_51] : memref<10000xi32, #tpu.memory_space<vmem>> -> memref<80xi32, #tpu.memory_space<vmem>>
      %dma_start3A_53 = arith.constant 0 : i32
      %dma_start3A_54 = arith.constant 0 : i32
      %dma_start3A_55 = tpu.memref_slice %arg2[%dma_start3A_53, %dma_start3A_54] : memref<10000x128xf32, #tpu.memory_space<hbm>> -> memref<10000x128xf32, #tpu.memory_space<hbm>>
      tpu.enqueue_indirect_dma source(%dma_start3A_55 : memref<10000x128xf32, #tpu.memory_space<hbm>>) target(%arg10 : memref<80x128xf32, #tpu.memory_space<vmem>>) offsets(%dma_start3A_52 : memref<80xi32, #tpu.memory_space<vmem>>) semaphore(%arg13 : memref<!tpu.dma_semaphore, #tpu.memory_space<semaphore_mem>>)
      %mul3A_56 = arith.constant 80 : i32
      %mul3A_57 = arith.muli %add3A_47, %mul3A_56 : i32
      %dma_wait3A_58 = tpu.memref_slice %arg7[%mul3A_57] : memref<10000xi32, #tpu.memory_space<vmem>> -> memref<80xi32, #tpu.memory_space<vmem>>
      %dma_wait3A_59 = arith.constant 0 : i32
      %dma_wait3A_60 = arith.constant 0 : i32
      %dma_wait3A_61 = tpu.memref_slice %arg2[%dma_wait3A_59, %dma_wait3A_60] : memref<10000x128xf32, #tpu.memory_space<hbm>> -> memref<10000x128xf32, #tpu.memory_space<hbm>>
      tpu.wait_indirect_dma semaphore(%arg12 : memref<!tpu.dma_semaphore, #tpu.memory_space<semaphore_mem>>) src(%dma_wait3A_61 : memref<10000x128xf32, #tpu.memory_space<hbm>>) dst(%arg9 : memref<80x128xf32, #tpu.memory_space<vmem>>)
      "tpu.region"() ({
        %run_scoped3A_80 = tpu.sem_alloc : memref<!tpu.dma_semaphore, #tpu.memory_space<semaphore_mem>>
        %dma_start3A_81 = arith.constant 0 : i32
        %dma_start3A_82 = tpu.memref_slice %arg8[%add3A_47, %dma_start3A_81] : memref<125x80xi32, #tpu.memory_space<vmem>> -> memref<1x80xi32, #tpu.memory_space<vmem>>
        %dma_start3A_83 = tpu.memref_squeeze %dma_start3A_82 : memref<1x80xi32, #tpu.memory_space<vmem>> -> memref<80xi32, #tpu.memory_space<vmem>>
        %dma_start3A_84 = arith.constant 0 : i32
        %dma_start3A_85 = arith.constant 0 : i32
        %dma_start3A_86 = tpu.memref_slice %arg11[%dma_start3A_84, %dma_start3A_85] : memref<10240x128xf32, #tpu.memory_space<vmem_shared>> -> memref<10240x128xf32, #tpu.memory_space<vmem_shared>>
        tpu.enqueue_indirect_dma source(%arg9 : memref<80x128xf32, #tpu.memory_space<vmem>>) target(%dma_start3A_86 : memref<10240x128xf32, #tpu.memory_space<vmem_shared>>) offsets(%dma_start3A_83 : memref<80xi32, #tpu.memory_space<vmem>>) semaphore(%run_scoped3A_80 : memref<!tpu.dma_semaphore, #tpu.memory_space<semaphore_mem>>) {add = true}
        %dma_wait3A_87 = arith.constant 0 : i32
        %dma_wait3A_88 = tpu.memref_slice %arg8[%add3A_47, %dma_wait3A_87] : memref<125x80xi32, #tpu.memory_space<vmem>> -> memref<1x80xi32, #tpu.memory_space<vmem>>
        %dma_wait3A_89 = tpu.memref_squeeze %dma_wait3A_88 : memref<1x80xi32, #tpu.memory_space<vmem>> -> memref<80xi32, #tpu.memory_space<vmem>>
        %dma_wait3A_90 = arith.constant 0 : i32
        %dma_wait3A_91 = arith.constant 0 : i32
        %dma_wait3A_92 = tpu.memref_slice %arg11[%dma_wait3A_90, %dma_wait3A_91] : memref<10240x128xf32, #tpu.memory_space<vmem_shared>> -> memref<10240x128xf32, #tpu.memory_space<vmem_shared>>
        tpu.wait_indirect_dma semaphore(%run_scoped3A_80 : memref<!tpu.dma_semaphore, #tpu.memory_space<semaphore_mem>>) src(%arg9 : memref<80x128xf32, #tpu.memory_space<vmem>>) dst(%dma_wait3A_92 : memref<10240x128xf32, #tpu.memory_space<vmem_shared>>)
        tpu.yield
      }) : () -> ()
      %mul3A_62 = arith.constant 2 : i32
      %mul3A_63 = arith.muli %mul3A_62, %scan3A_43 : i32
      %add3A_64 = arith.constant 1 : i32
      %add3A_65 = arith.addi %mul3A_63, %add3A_64 : i32
      %add3A_66 = arith.constant 1 : i32
      %add3A_67 = arith.addi %add3A_65, %add3A_66 : i32
      %mul3A_68 = arith.constant 80 : i32
      %mul3A_69 = arith.muli %add3A_67, %mul3A_68 : i32
      %dma_start3A_70 = tpu.memref_slice %arg7[%mul3A_69] : memref<10000xi32, #tpu.memory_space<vmem>> -> memref<80xi32, #tpu.memory_space<vmem>>
      %dma_start3A_71 = arith.constant 0 : i32
      %dma_start3A_72 = arith.constant 0 : i32
      %dma_start3A_73 = tpu.memref_slice %arg2[%dma_start3A_71, %dma_start3A_72] : memref<10000x128xf32, #tpu.memory_space<hbm>> -> memref<10000x128xf32, #tpu.memory_space<hbm>>
      tpu.enqueue_indirect_dma source(%dma_start3A_73 : memref<10000x128xf32, #tpu.memory_space<hbm>>) target(%arg9 : memref<80x128xf32, #tpu.memory_space<vmem>>) offsets(%dma_start3A_70 : memref<80xi32, #tpu.memory_space<vmem>>) semaphore(%arg12 : memref<!tpu.dma_semaphore, #tpu.memory_space<semaphore_mem>>)
      %mul3A_74 = arith.constant 80 : i32
      %mul3A_75 = arith.muli %add3A_65, %mul3A_74 : i32
      %dma_wait3A_76 = tpu.memref_slice %arg7[%mul3A_75] : memref<10000xi32, #tpu.memory_space<vmem>> -> memref<80xi32, #tpu.memory_space<vmem>>
      %dma_wait3A_77 = arith.constant 0 : i32
      %dma_wait3A_78 = arith.constant 0 : i32
      %dma_wait3A_79 = tpu.memref_slice %arg2[%dma_wait3A_77, %dma_wait3A_78] : memref<10000x128xf32, #tpu.memory_space<hbm>> -> memref<10000x128xf32, #tpu.memory_space<hbm>>
      tpu.wait_indirect_dma semaphore(%arg13 : memref<!tpu.dma_semaphore, #tpu.memory_space<semaphore_mem>>) src(%dma_wait3A_79 : memref<10000x128xf32, #tpu.memory_space<hbm>>) dst(%arg10 : memref<80x128xf32, #tpu.memory_space<vmem>>)
      "tpu.region"() ({
        %run_scoped3A_80 = tpu.sem_alloc : memref<!tpu.dma_semaphore, #tpu.memory_space<semaphore_mem>>
        %dma_start3A_81 = arith.constant 0 : i32
        %dma_start3A_82 = tpu.memref_slice %arg8[%add3A_65, %dma_start3A_81] : memref<125x80xi32, #tpu.memory_space<vmem>> -> memref<1x80xi32, #tpu.memory_space<vmem>>
        %dma_start3A_83 = tpu.memref_squeeze %dma_start3A_82 : memref<1x80xi32, #tpu.memory_space<vmem>> -> memref<80xi32, #tpu.memory_space<vmem>>
        %dma_start3A_84 = arith.constant 0 : i32
        %dma_start3A_85 = arith.constant 0 : i32
        %dma_start3A_86 = tpu.memref_slice %arg11[%dma_start3A_84, %dma_start3A_85] : memref<10240x128xf32, #tpu.memory_space<vmem_shared>> -> memref<10240x128xf32, #tpu.memory_space<vmem_shared>>
        tpu.enqueue_indirect_dma source(%arg10 : memref<80x128xf32, #tpu.memory_space<vmem>>) target(%dma_start3A_86 : memref<10240x128xf32, #tpu.memory_space<vmem_shared>>) offsets(%dma_start3A_83 : memref<80xi32, #tpu.memory_space<vmem>>) semaphore(%run_scoped3A_80 : memref<!tpu.dma_semaphore, #tpu.memory_space<semaphore_mem>>) {add = true}
        %dma_wait3A_87 = arith.constant 0 : i32
        %dma_wait3A_88 = tpu.memref_slice %arg8[%add3A_65, %dma_wait3A_87] : memref<125x80xi32, #tpu.memory_space<vmem>> -> memref<1x80xi32, #tpu.memory_space<vmem>>
        %dma_wait3A_89 = tpu.memref_squeeze %dma_wait3A_88 : memref<1x80xi32, #tpu.memory_space<vmem>> -> memref<80xi32, #tpu.memory_space<vmem>>
        %dma_wait3A_90 = arith.constant 0 : i32
        %dma_wait3A_91 = arith.constant 0 : i32
        %dma_wait3A_92 = tpu.memref_slice %arg11[%dma_wait3A_90, %dma_wait3A_91] : memref<10240x128xf32, #tpu.memory_space<vmem_shared>> -> memref<10240x128xf32, #tpu.memory_space<vmem_shared>>
        tpu.wait_indirect_dma semaphore(%run_scoped3A_80 : memref<!tpu.dma_semaphore, #tpu.memory_space<semaphore_mem>>) src(%arg10 : memref<80x128xf32, #tpu.memory_space<vmem>>) dst(%dma_wait3A_92 : memref<10240x128xf32, #tpu.memory_space<vmem_shared>>)
        tpu.yield
      }) : () -> ()
    }
    %scan3A_32 = arith.constant 62 : i32
    %dma_wait3A_33 = arith.constant 9920 : i32
    %dma_wait3A_34 = tpu.memref_slice %arg7[%dma_wait3A_33] : memref<10000xi32, #tpu.memory_space<vmem>> -> memref<80xi32, #tpu.memory_space<vmem>>
    %dma_wait3A_35 = arith.constant 0 : i32
    %dma_wait3A_36 = arith.constant 0 : i32
    %dma_wait3A_37 = tpu.memref_slice %arg2[%dma_wait3A_35, %dma_wait3A_36] : memref<10000x128xf32, #tpu.memory_space<hbm>> -> memref<10000x128xf32, #tpu.memory_space<hbm>>
    tpu.wait_indirect_dma semaphore(%arg12 : memref<!tpu.dma_semaphore, #tpu.memory_space<semaphore_mem>>) src(%dma_wait3A_37 : memref<10000x128xf32, #tpu.memory_space<hbm>>) dst(%arg9 : memref<80x128xf32, #tpu.memory_space<vmem>>)
    %run_scoped3A = arith.constant 124 : i32
    "tpu.region"() ({
      %run_scoped3A_43 = tpu.sem_alloc : memref<!tpu.dma_semaphore, #tpu.memory_space<semaphore_mem>>
      %dma_start3A_44 = arith.constant 0 : i32
      %dma_start3A_45 = tpu.memref_slice %arg8[%run_scoped3A, %dma_start3A_44] : memref<125x80xi32, #tpu.memory_space<vmem>> -> memref<1x80xi32, #tpu.memory_space<vmem>>
      %dma_start3A_46 = tpu.memref_squeeze %dma_start3A_45 : memref<1x80xi32, #tpu.memory_space<vmem>> -> memref<80xi32, #tpu.memory_space<vmem>>
      %dma_start3A_47 = arith.constant 0 : i32
      %dma_start3A_48 = arith.constant 0 : i32
      %dma_start3A_49 = tpu.memref_slice %arg11[%dma_start3A_47, %dma_start3A_48] : memref<10240x128xf32, #tpu.memory_space<vmem_shared>> -> memref<10240x128xf32, #tpu.memory_space<vmem_shared>>
      tpu.enqueue_indirect_dma source(%arg9 : memref<80x128xf32, #tpu.memory_space<vmem>>) target(%dma_start3A_49 : memref<10240x128xf32, #tpu.memory_space<vmem_shared>>) offsets(%dma_start3A_46 : memref<80xi32, #tpu.memory_space<vmem>>) semaphore(%run_scoped3A_43 : memref<!tpu.dma_semaphore, #tpu.memory_space<semaphore_mem>>) {add = true}
      %dma_wait3A_50 = arith.constant 0 : i32
      %dma_wait3A_51 = tpu.memref_slice %arg8[%run_scoped3A, %dma_wait3A_50] : memref<125x80xi32, #tpu.memory_space<vmem>> -> memref<1x80xi32, #tpu.memory_space<vmem>>
      %dma_wait3A_52 = tpu.memref_squeeze %dma_wait3A_51 : memref<1x80xi32, #tpu.memory_space<vmem>> -> memref<80xi32, #tpu.memory_space<vmem>>
      %dma_wait3A_53 = arith.constant 0 : i32
      %dma_wait3A_54 = arith.constant 0 : i32
      %dma_wait3A_55 = tpu.memref_slice %arg11[%dma_wait3A_53, %dma_wait3A_54] : memref<10240x128xf32, #tpu.memory_space<vmem_shared>> -> memref<10240x128xf32, #tpu.memory_space<vmem_shared>>
      tpu.wait_indirect_dma semaphore(%run_scoped3A_43 : memref<!tpu.dma_semaphore, #tpu.memory_space<semaphore_mem>>) src(%arg9 : memref<80x128xf32, #tpu.memory_space<vmem>>) dst(%dma_wait3A_55 : memref<10240x128xf32, #tpu.memory_space<vmem_shared>>)
      tpu.yield
    }) : () -> ()
    %barrier3A_38 = arith.constant 0 : index
    tpu.barrier barrier_id(%barrier3A_38)
    %mul3A_39 = arith.constant 640 : i32
    %mul3A_40 = arith.muli %arg1, %mul3A_39 : i32
    %mul3A_41 = arith.constant 640 : i32
    %mul3A_42 = arith.muli %arg1, %mul3A_41 : i32
    "tpu.region"() ({
      %run_scoped3A_43 = tpu.sem_alloc : memref<!tpu.dma_semaphore, #tpu.memory_space<semaphore_mem>>
      %dma_start3A_44 = arith.constant 0 : i32
      %dma_start3A_45 = tpu.memref_slice %arg6[%arg0, %mul3A_42, %dma_start3A_44] : memref<2x10240x128xf32, #tpu.memory_space<hbm>> -> memref<1x640x128xf32, #tpu.memory_space<hbm>>
      %dma_start3A_46 = tpu.memref_squeeze %dma_start3A_45 : memref<1x640x128xf32, #tpu.memory_space<hbm>> -> memref<640x128xf32, #tpu.memory_space<hbm>>
      %dma_start3A_47 = arith.constant 0 : i32
      %dma_start3A_48 = tpu.memref_slice %arg11[%mul3A_40, %dma_start3A_47] : memref<10240x128xf32, #tpu.memory_space<vmem_shared>> -> memref<640x128xf32, #tpu.memory_space<vmem_shared>>
      tpu.enqueue_dma source(%dma_start3A_48 : memref<640x128xf32, #tpu.memory_space<vmem_shared>>) target(%dma_start3A_46 : memref<640x128xf32, #tpu.memory_space<hbm>>) target_semaphore(%run_scoped3A_43 : memref<!tpu.dma_semaphore, #tpu.memory_space<semaphore_mem>>)
      %dma_wait3A_49 = arith.constant 0 : i32
      %dma_wait3A_50 = tpu.memref_slice %arg6[%arg0, %mul3A_42, %dma_wait3A_49] : memref<2x10240x128xf32, #tpu.memory_space<hbm>> -> memref<1x640x128xf32, #tpu.memory_space<hbm>>
      %dma_wait3A_51 = tpu.memref_squeeze %dma_wait3A_50 : memref<1x640x128xf32, #tpu.memory_space<hbm>> -> memref<640x128xf32, #tpu.memory_space<hbm>>
      %dma_wait3A_52 = arith.constant 0 : i32
      %dma_wait3A_53 = tpu.memref_slice %arg11[%mul3A_40, %dma_wait3A_52] : memref<10240x128xf32, #tpu.memory_space<vmem_shared>> -> memref<640x128xf32, #tpu.memory_space<vmem_shared>>
      tpu.wait_dma2 semaphore(%run_scoped3A_43 : memref<!tpu.dma_semaphore, #tpu.memory_space<semaphore_mem>>) src(%dma_wait3A_53 : memref<640x128xf32, #tpu.memory_space<vmem_shared>>) dst(%dma_wait3A_51 : memref<640x128xf32, #tpu.memory_space<hbm>>)
      tpu.yield
    }) : () -> ()
    return
  }
}

module attributes {stable_mosaic.version = 14 : i64} {
  func.func @_mm_scale_body(%arg0: i32, %arg1: memref<1000x128xf32, #tpu.memory_space<vmem>>, %arg2: memref<128x128xf32, #tpu.memory_space<vmem>>, %arg3: memref<2x1000x1xf32, #tpu.memory_space<vmem>>, %arg4: memref<1000x128xf32, #tpu.memory_space<vmem>>, %arg5: memref<1000x128xf32, #tpu.memory_space<vmem>>) attributes {dimension_semantics = [#tpu.dimension_semantics<arbitrary>], iteration_bounds = array<i64: 10>, scalar_prefetch = 0 : i64, scratch_operands = 0 : i64, tpu.core_type = #tpu.core_type<tc>, window_params = [{transform_indices = @transform_0, window_bounds = array<i64: 1000, 128>}, {pipeline_mode = #tpu.pipeline_mode<synchronous>, transform_indices = @transform_1, window_bounds = array<i64: 128, 128>}, {transform_indices = @transform_2, window_bounds = array<i64: 2, 1000, 1>}, {transform_indices = @transform_3, window_bounds = array<i64: 1000, 128>}, {transform_indices = @transform_4, window_bounds = array<i64: 1000, 128>}]} {
    %get3A = arith.constant 0 : index
    %get3A_0 = arith.constant 0 : index
    %get3A_1 = arith.constant 0 : index
    %get3A_2 = vector.load %arg3[%get3A, %get3A_0, %get3A_1] : memref<2x1000x1xf32, #tpu.memory_space<vmem>>, vector<2x1000x1xf32>
    %slice3A = vector.extract_strided_slice %get3A_2 {offsets = [0, 0, 0], sizes = [1, 1000, 1], strides = [1, 1, 1]} : vector<2x1000x1xf32> to vector<1x1000x1xf32>
    %squeeze3A = vector.shape_cast %slice3A : vector<1x1000x1xf32> to vector<1000x1xf32>
    %slice3A_3 = vector.extract_strided_slice %get3A_2 {offsets = [1, 0, 0], sizes = [1, 1000, 1], strides = [1, 1, 1]} : vector<2x1000x1xf32> to vector<1x1000x1xf32>
    %squeeze3A_4 = vector.shape_cast %slice3A_3 : vector<1x1000x1xf32> to vector<1000x1xf32>
    %add3A = arith.addf %squeeze3A, %squeeze3A_4 : vector<1000x1xf32>
    %add3A_5 = arith.constant 1.000000e+00 : f32
    %add3A_6 = vector.broadcast %add3A_5 : f32 to vector<1000x1xf32>
    %add3A_7 = arith.addf %add3A, %add3A_6 : vector<1000x1xf32>
    %rsqrt3A = math.rsqrt %add3A_7 : vector<1000x1xf32>
    %broadcast_in_dim3A = vector.shape_cast %rsqrt3A : vector<1000x1xf32> to vector<1000x1xf32>
    %broadcast_in_dim3A_8 = vector.broadcast %broadcast_in_dim3A : vector<1000x1xf32> to vector<1000x128xf32>
    %swap3A = arith.constant 0 : index
    %swap3A_9 = arith.constant 0 : index
    %swap3A_10 = vector.load %arg5[%swap3A, %swap3A_9] : memref<1000x128xf32, #tpu.memory_space<vmem>>, vector<1000x128xf32>
    tpu.vector_store %arg5[%swap3A, %swap3A_9], %broadcast_in_dim3A_8 {strides = array<i32>} : memref<1000x128xf32, #tpu.memory_space<vmem>>, vector<1000x128xf32>,
    %get3A_11 = arith.constant 0 : index
    %get3A_12 = arith.constant 0 : index
    %get3A_13 = vector.load %arg1[%get3A_11, %get3A_12] : memref<1000x128xf32, #tpu.memory_space<vmem>>, vector<1000x128xf32>
    %get3A_14 = arith.constant 0 : index
    %get3A_15 = arith.constant 0 : index
    %get3A_16 = vector.load %arg2[%get3A_14, %get3A_15] : memref<128x128xf32, #tpu.memory_space<vmem>>, vector<128x128xf32>
    %dot_general3A = arith.constant dense<0.000000e+00> : vector<1000x128xf32>
    %dot_general3A_17 = tpu.matmul %get3A_13, %get3A_16, %dot_general3A {dimension_numbers = #tpu.dot_dimension_numbers<[1], [0], [0], [1], [0, 0, 1, 1], [], []>, transpose_lhs_hint = false} : vector<1000x128xf32>, vector<128x128xf32>, vector<1000x128xf32> -> vector<1000x128xf32>
    %mul3A = vector.broadcast %rsqrt3A : vector<1000x1xf32> to vector<1000x128xf32>
    %mul3A_18 = arith.mulf %dot_general3A_17, %mul3A : vector<1000x128xf32>
    %swap3A_19 = arith.constant 0 : index
    %swap3A_20 = arith.constant 0 : index
    %swap3A_21 = vector.load %arg4[%swap3A_19, %swap3A_20] : memref<1000x128xf32, #tpu.memory_space<vmem>>, vector<1000x128xf32>
    tpu.vector_store %arg4[%swap3A_19, %swap3A_20], %mul3A_18 {strides = array<i32>} : memref<1000x128xf32, #tpu.memory_space<vmem>>, vector<1000x128xf32>,
    return
  }
  func.func @transform_0(%arg0: i32) -> (i32, i32) {
    %c0_i32 = arith.constant 0 : i32
    %c0_i32_0 = arith.constant 0 : i32
    return %arg0, %c0_i32 : i32, i32
  }
  func.func @transform_1(%arg0: i32) -> (i32, i32) {
    %c0_i32 = arith.constant 0 : i32
    %c0_i32_0 = arith.constant 0 : i32
    %c0_i32_1 = arith.constant 0 : i32
    return %c0_i32, %c0_i32_0 : i32, i32
  }
  func.func @transform_2(%arg0: i32) -> (i32, i32, i32) {
    %c0_i32 = arith.constant 0 : i32
    %c0_i32_0 = arith.constant 0 : i32
    %c0_i32_1 = arith.constant 0 : i32
    return %c0_i32, %arg0, %c0_i32_0 : i32, i32, i32
  }
  func.func @transform_3(%arg0: i32) -> (i32, i32) {
    %c0_i32 = arith.constant 0 : i32
    %c0_i32_0 = arith.constant 0 : i32
    return %arg0, %c0_i32 : i32, i32
  }
  func.func @transform_4(%arg0: i32) -> (i32, i32) {
    %c0_i32 = arith.constant 0 : i32
    %c0_i32_0 = arith.constant 0 : i32
    return %arg0, %c0_i32 : i32, i32
  }
}

module attributes {stable_mosaic.version = 14 : i64} {
  func.func @_layer_body(%arg0: i32, %arg1: memref<2x1000x128xf32, #tpu.memory_space<vmem>>, %arg2: memref<1000x128xf32, #tpu.memory_space<vmem>>, %arg3: memref<1000x128xf32, #tpu.memory_space<vmem>>, %arg4: memref<1x128xf32, #tpu.memory_space<vmem>>, %arg5: memref<128x128xf32, #tpu.memory_space<vmem>>, %arg6: memref<1000x128xf32, #tpu.memory_space<vmem>>) attributes {dimension_semantics = [#tpu.dimension_semantics<arbitrary>], iteration_bounds = array<i64: 10>, scalar_prefetch = 0 : i64, scratch_operands = 0 : i64, tpu.core_type = #tpu.core_type<tc>, window_params = [{transform_indices = @transform_0, window_bounds = array<i64: 2, 1000, 128>}, {transform_indices = @transform_1, window_bounds = array<i64: 1000, 128>}, {transform_indices = @transform_2, window_bounds = array<i64: 1000, 128>}, {pipeline_mode = #tpu.pipeline_mode<synchronous>, transform_indices = @transform_3, window_bounds = array<i64: 1, 128>}, {pipeline_mode = #tpu.pipeline_mode<synchronous>, transform_indices = @transform_4, window_bounds = array<i64: 128, 128>}, {transform_indices = @transform_5, window_bounds = array<i64: 1000, 128>}]} {
    %get3A = arith.constant 0 : index
    %get3A_0 = arith.constant 0 : index
    %get3A_1 = vector.load %arg3[%get3A, %get3A_0] : memref<1000x128xf32, #tpu.memory_space<vmem>>, vector<1000x128xf32>
    %get3A_2 = arith.constant 0 : index
    %get3A_3 = arith.constant 0 : index
    %get3A_4 = arith.constant 0 : index
    %get3A_5 = vector.load %arg1[%get3A_2, %get3A_3, %get3A_4] : memref<2x1000x128xf32, #tpu.memory_space<vmem>>, vector<2x1000x128xf32>
    %slice3A = vector.extract_strided_slice %get3A_5 {offsets = [0, 0, 0], sizes = [1, 1000, 128], strides = [1, 1, 1]} : vector<2x1000x128xf32> to vector<1x1000x128xf32>
    %squeeze3A = vector.shape_cast %slice3A : vector<1x1000x128xf32> to vector<1000x128xf32>
    %slice3A_6 = vector.extract_strided_slice %get3A_5 {offsets = [1, 0, 0], sizes = [1, 1000, 128], strides = [1, 1, 1]} : vector<2x1000x128xf32> to vector<1x1000x128xf32>
    %squeeze3A_7 = vector.shape_cast %slice3A_6 : vector<1x1000x128xf32> to vector<1000x128xf32>
    %add3A = arith.addf %squeeze3A, %squeeze3A_7 : vector<1000x128xf32>
    %get3A_8 = arith.constant 0 : index
    %get3A_9 = arith.constant 0 : index
    %get3A_10 = vector.load %arg2[%get3A_8, %get3A_9] : memref<1000x128xf32, #tpu.memory_space<vmem>>, vector<1000x128xf32>
    %add3A_11 = arith.addf %add3A, %get3A_10 : vector<1000x128xf32>
    %mul3A = arith.mulf %add3A_11, %get3A_1 : vector<1000x128xf32>
    %get3A_12 = arith.constant 0 : index
    %get3A_13 = arith.constant 0 : index
    %get3A_14 = vector.load %arg4[%get3A_12, %get3A_13] : memref<1x128xf32, #tpu.memory_space<vmem>>, vector<1x128xf32>
    %add3A_15 = vector.broadcast %get3A_14 : vector<1x128xf32> to vector<1000x128xf32>
    %add3A_16 = arith.addf %mul3A, %add3A_15 : vector<1000x128xf32>
    %max3A = arith.constant 0.000000e+00 : f32
    %max3A_17 = vector.broadcast %max3A : f32 to vector<1000x128xf32>
    %max3A_18 = arith.maximumf %add3A_16, %max3A_17 : vector<1000x128xf32>
    %get3A_19 = arith.constant 0 : index
    %get3A_20 = arith.constant 0 : index
    %get3A_21 = vector.load %arg5[%get3A_19, %get3A_20] : memref<128x128xf32, #tpu.memory_space<vmem>>, vector<128x128xf32>
    %dot_general3A = arith.constant dense<0.000000e+00> : vector<1000x128xf32>
    %dot_general3A_22 = tpu.matmul %max3A_18, %get3A_21, %dot_general3A {dimension_numbers = #tpu.dot_dimension_numbers<[1], [0], [0], [1], [0, 0, 1, 1], [], []>, transpose_lhs_hint = false} : vector<1000x128xf32>, vector<128x128xf32>, vector<1000x128xf32> -> vector<1000x128xf32>
    %mul3A_23 = arith.mulf %dot_general3A_22, %get3A_1 : vector<1000x128xf32>
    %swap3A = arith.constant 0 : index
    %swap3A_24 = arith.constant 0 : index
    %swap3A_25 = vector.load %arg6[%swap3A, %swap3A_24] : memref<1000x128xf32, #tpu.memory_space<vmem>>, vector<1000x128xf32>
    tpu.vector_store %arg6[%swap3A, %swap3A_24], %mul3A_23 {strides = array<i32>} : memref<1000x128xf32, #tpu.memory_space<vmem>>, vector<1000x128xf32>,
    return
  }
  func.func @transform_0(%arg0: i32) -> (i32, i32, i32) {
    %c0_i32 = arith.constant 0 : i32
    %c0_i32_0 = arith.constant 0 : i32
    %c0_i32_1 = arith.constant 0 : i32
    return %c0_i32, %arg0, %c0_i32_0 : i32, i32, i32
  }
  func.func @transform_1(%arg0: i32) -> (i32, i32) {
    %c0_i32 = arith.constant 0 : i32
    %c0_i32_0 = arith.constant 0 : i32
    return %arg0, %c0_i32 : i32, i32
  }
  func.func @transform_2(%arg0: i32) -> (i32, i32) {
    %c0_i32 = arith.constant 0 : i32
    %c0_i32_0 = arith.constant 0 : i32
    return %arg0, %c0_i32 : i32, i32
  }
  func.func @transform_3(%arg0: i32) -> (i32, i32) {
    %c0_i32 = arith.constant 0 : i32
    %c0_i32_0 = arith.constant 0 : i32
    %c0_i32_1 = arith.constant 0 : i32
    return %c0_i32, %c0_i32_0 : i32, i32
  }
  func.func @transform_4(%arg0: i32) -> (i32, i32) {
    %c0_i32 = arith.constant 0 : i32
    %c0_i32_0 = arith.constant 0 : i32
    %c0_i32_1 = arith.constant 0 : i32
    return %c0_i32, %c0_i32_0 : i32, i32
  }
  func.func @transform_5(%arg0: i32) -> (i32, i32) {
    %c0_i32 = arith.constant 0 : i32
    %c0_i32_0 = arith.constant 0 : i32
    return %arg0, %c0_i32 : i32, i32
  }
}

module attributes {stable_mosaic.version = 14 : i64} {
  func.func @_final_body(%arg0: i32, %arg1: memref<2x2000x128xf32, #tpu.memory_space<vmem>>, %arg2: memref<2000x128xf32, #tpu.memory_space<vmem>>, %arg3: memref<2000x128xf32, #tpu.memory_space<vmem>>, %arg4: memref<1x128xf32, #tpu.memory_space<vmem>>, %arg5: memref<2000x1xi32, #tpu.memory_space<vmem>>, %arg6: memref<128x256xf32, #tpu.memory_space<vmem>>, %arg7: memref<1x256xf32, #tpu.memory_space<vmem>>, %arg8: memref<256x128xf32, #tpu.memory_space<vmem>>, %arg9: memref<1x128xf32, #tpu.memory_space<vmem>>, %arg10: memref<64x128xf32, #tpu.memory_space<vmem>>, %arg11: memref<64x128xf32, #tpu.memory_space<vmem>>, %arg12: memref<64x128xf32, #tpu.memory_space<vmem>>) attributes {dimension_semantics = [#tpu.dimension_semantics<arbitrary>], iteration_bounds = array<i64: 5>, scalar_prefetch = 0 : i64, scratch_operands = 2 : i64, tpu.core_type = #tpu.core_type<tc>, window_params = [{transform_indices = @transform_0, window_bounds = array<i64: 2, 2000, 128>}, {transform_indices = @transform_1, window_bounds = array<i64: 2000, 128>}, {transform_indices = @transform_2, window_bounds = array<i64: 2000, 128>}, {pipeline_mode = #tpu.pipeline_mode<synchronous>, transform_indices = @transform_3, window_bounds = array<i64: 1, 128>}, {transform_indices = @transform_4, window_bounds = array<i64: 2000, 1>}, {pipeline_mode = #tpu.pipeline_mode<synchronous>, transform_indices = @transform_5, window_bounds = array<i64: 128, 256>}, {pipeline_mode = #tpu.pipeline_mode<synchronous>, transform_indices = @transform_6, window_bounds = array<i64: 1, 256>}, {pipeline_mode = #tpu.pipeline_mode<synchronous>, transform_indices = @transform_7, window_bounds = array<i64: 256, 128>}, {pipeline_mode = #tpu.pipeline_mode<synchronous>, transform_indices = @transform_8, window_bounds = array<i64: 1, 128>}, {pipeline_mode = #tpu.pipeline_mode<synchronous>, transform_indices = @transform_9, window_bounds = array<i64: 64, 128>}]} {
    %eq3A = arith.constant 0 : i32
    %eq3A_0 = arith.cmpi eq, %arg0, %eq3A : i32
    %convert_element_type3A = arith.extui %eq3A_0 : i1 to i32
    %cond3A = arith.constant 0 : i32
    %cond3A_1 = arith.cmpi ne, %convert_element_type3A, %cond3A : i32
    scf.if %cond3A_1 {
      %broadcast_in_dim3A_50 = arith.constant 0.000000e+00 : f32
      %broadcast_in_dim3A_51 = vector.broadcast %broadcast_in_dim3A_50 : f32 to vector<64x128xf32>
      %swap3A_52 = arith.constant 0 : index
      %swap3A_53 = arith.constant 0 : index
      %swap3A_54 = vector.load %arg11[%swap3A_52, %swap3A_53] : memref<64x128xf32, #tpu.memory_space<vmem>>, vector<64x128xf32>
      tpu.vector_store %arg11[%swap3A_52, %swap3A_53], %broadcast_in_dim3A_51 {strides = array<i32>} : memref<64x128xf32, #tpu.memory_space<vmem>>, vector<64x128xf32>,
      %broadcast_in_dim3A_55 = arith.constant 0.000000e+00 : f32
      %broadcast_in_dim3A_56 = vector.broadcast %broadcast_in_dim3A_55 : f32 to vector<64x128xf32>
      %swap3A_57 = arith.constant 0 : index
      %swap3A_58 = arith.constant 0 : index
      %swap3A_59 = vector.load %arg12[%swap3A_57, %swap3A_58] : memref<64x128xf32, #tpu.memory_space<vmem>>, vector<64x128xf32>
      tpu.vector_store %arg12[%swap3A_57, %swap3A_58], %broadcast_in_dim3A_56 {strides = array<i32>} : memref<64x128xf32, #tpu.memory_space<vmem>>, vector<64x128xf32>,
    } else {
    }
    %get3A = arith.constant 0 : index
    %get3A_2 = arith.constant 0 : index
    %get3A_3 = vector.load %arg3[%get3A, %get3A_2] : memref<2000x128xf32, #tpu.memory_space<vmem>>, vector<2000x128xf32>
    %get3A_4 = arith.constant 0 : index
    %get3A_5 = arith.constant 0 : index
    %get3A_6 = arith.constant 0 : index
    %get3A_7 = vector.load %arg1[%get3A_4, %get3A_5, %get3A_6] : memref<2x2000x128xf32, #tpu.memory_space<vmem>>, vector<2x2000x128xf32>
    %slice3A = vector.extract_strided_slice %get3A_7 {offsets = [0, 0, 0], sizes = [1, 2000, 128], strides = [1, 1, 1]} : vector<2x2000x128xf32> to vector<1x2000x128xf32>
    %squeeze3A = vector.shape_cast %slice3A : vector<1x2000x128xf32> to vector<2000x128xf32>
    %slice3A_8 = vector.extract_strided_slice %get3A_7 {offsets = [1, 0, 0], sizes = [1, 2000, 128], strides = [1, 1, 1]} : vector<2x2000x128xf32> to vector<1x2000x128xf32>
    %squeeze3A_9 = vector.shape_cast %slice3A_8 : vector<1x2000x128xf32> to vector<2000x128xf32>
    %add3A = arith.addf %squeeze3A, %squeeze3A_9 : vector<2000x128xf32>
    %get3A_10 = arith.constant 0 : index
    %get3A_11 = arith.constant 0 : index
    %get3A_12 = vector.load %arg2[%get3A_10, %get3A_11] : memref<2000x128xf32, #tpu.memory_space<vmem>>, vector<2000x128xf32>
    %add3A_13 = arith.addf %add3A, %get3A_12 : vector<2000x128xf32>
    %mul3A = arith.mulf %add3A_13, %get3A_3 : vector<2000x128xf32>
    %get3A_14 = arith.constant 0 : index
    %get3A_15 = arith.constant 0 : index
    %get3A_16 = vector.load %arg4[%get3A_14, %get3A_15] : memref<1x128xf32, #tpu.memory_space<vmem>>, vector<1x128xf32>
    %add3A_17 = vector.broadcast %get3A_16 : vector<1x128xf32> to vector<2000x128xf32>
    %add3A_18 = arith.addf %mul3A, %add3A_17 : vector<2000x128xf32>
    %max3A = arith.constant 0.000000e+00 : f32
    %max3A_19 = vector.broadcast %max3A : f32 to vector<2000x128xf32>
    %max3A_20 = arith.maximumf %add3A_18, %max3A_19 : vector<2000x128xf32>
    %iota3A = tpu.iota {dimensions = array<i32: 1>} : vector<2000x64xi32>
    %get3A_21 = arith.constant 0 : index
    %get3A_22 = arith.constant 0 : index
    %get3A_23 = vector.load %arg5[%get3A_21, %get3A_22] : memref<2000x1xi32, #tpu.memory_space<vmem>>, vector<2000x1xi32>
    %eq3A_24 = vector.broadcast %get3A_23 : vector<2000x1xi32> to vector<2000x64xi32>
    %eq3A_25 = arith.cmpi eq, %eq3A_24, %iota3A : vector<2000x64xi32>
    %convert_element_type3A_26 = arith.extui %eq3A_25 : vector<2000x64xi1> to vector<2000x64xi32>
    %convert_element_type3A_27 = arith.sitofp %convert_element_type3A_26 : vector<2000x64xi32> to vector<2000x64xf32>
    %get3A_28 = arith.constant 0 : index
    %get3A_29 = arith.constant 0 : index
    %get3A_30 = vector.load %arg11[%get3A_28, %get3A_29] : memref<64x128xf32, #tpu.memory_space<vmem>>, vector<64x128xf32>
    %dot_general3A = arith.constant dense<0.000000e+00> : vector<64x128xf32>
    %dot_general3A_31 = tpu.matmul %convert_element_type3A_27, %max3A_20, %dot_general3A {dimension_numbers = #tpu.dot_dimension_numbers<[0], [0], [1], [1], [0, 1, 1, 1], [], []>, transpose_lhs_hint = false} : vector<2000x64xf32>, vector<2000x128xf32>, vector<64x128xf32> -> vector<64x128xf32>
    %add3A_32 = arith.addf %get3A_30, %dot_general3A_31 : vector<64x128xf32>
    %swap3A = arith.constant 0 : index
    %swap3A_33 = arith.constant 0 : index
    %swap3A_34 = vector.load %arg11[%swap3A, %swap3A_33] : memref<64x128xf32, #tpu.memory_space<vmem>>, vector<64x128xf32>
    tpu.vector_store %arg11[%swap3A, %swap3A_33], %add3A_32 {strides = array<i32>} : memref<64x128xf32, #tpu.memory_space<vmem>>, vector<64x128xf32>,
    %get3A_35 = arith.constant 0 : index
    %get3A_36 = arith.constant 0 : index
    %get3A_37 = vector.load %arg12[%get3A_35, %get3A_36] : memref<64x128xf32, #tpu.memory_space<vmem>>, vector<64x128xf32>
    %reduce_sum3A = arith.constant dense<0.000000e+00> : vector<64xf32>
    %reduce_sum3A_38 = vector.multi_reduction <add>, %convert_element_type3A_27, %reduce_sum3A [0] : vector<2000x64xf32> to vector<64xf32>
    %broadcast_in_dim3A = vector.shape_cast %reduce_sum3A_38 : vector<64xf32> to vector<64x1xf32>
    %broadcast_in_dim3A_39 = vector.shape_cast %broadcast_in_dim3A : vector<64x1xf32> to vector<64x1xf32>
    %broadcast_in_dim3A_40 = vector.broadcast %broadcast_in_dim3A_39 : vector<64x1xf32> to vector<64x128xf32>
    %add3A_41 = arith.addf %get3A_37, %broadcast_in_dim3A_40 : vector<64x128xf32>
    %swap3A_42 = arith.constant 0 : index
    %swap3A_43 = arith.constant 0 : index
    %swap3A_44 = vector.load %arg12[%swap3A_42, %swap3A_43] : memref<64x128xf32, #tpu.memory_space<vmem>>, vector<64x128xf32>
    tpu.vector_store %arg12[%swap3A_42, %swap3A_43], %add3A_41 {strides = array<i32>} : memref<64x128xf32, #tpu.memory_space<vmem>>, vector<64x128xf32>,
    %eq3A_45 = arith.constant 4 : i32
    %eq3A_46 = arith.cmpi eq, %arg0, %eq3A_45 : i32
    %convert_element_type3A_47 = arith.extui %eq3A_46 : i1 to i32
    %cond3A_48 = arith.constant 0 : i32
    %cond3A_49 = arith.cmpi ne, %convert_element_type3A_47, %cond3A_48 : i32
    scf.if %cond3A_49 {
      %get3A_50 = arith.constant 0 : index
      %get3A_51 = arith.constant 0 : index
      %get3A_52 = vector.load %arg11[%get3A_50, %get3A_51] : memref<64x128xf32, #tpu.memory_space<vmem>>, vector<64x128xf32>
      %get3A_53 = arith.constant 0 : index
      %get3A_54 = arith.constant 0 : index
      %get3A_55 = vector.load %arg12[%get3A_53, %get3A_54] : memref<64x128xf32, #tpu.memory_space<vmem>>, vector<64x128xf32>
      %max3A_56 = arith.constant 1.000000e+00 : f32
      %max3A_57 = vector.broadcast %max3A_56 : f32 to vector<64x128xf32>
      %max3A_58 = arith.maximumf %get3A_55, %max3A_57 : vector<64x128xf32>
      %div3A = arith.divf %get3A_52, %max3A_58 : vector<64x128xf32>
      %get3A_59 = arith.constant 0 : index
      %get3A_60 = arith.constant 0 : index
      %get3A_61 = vector.load %arg6[%get3A_59, %get3A_60] : memref<128x256xf32, #tpu.memory_space<vmem>>, vector<128x256xf32>
      %dot_general3A_62 = arith.constant dense<0.000000e+00> : vector<64x256xf32>
      %dot_general3A_63 = tpu.matmul %div3A, %get3A_61, %dot_general3A_62 {dimension_numbers = #tpu.dot_dimension_numbers<[1], [0], [0], [1], [0, 0, 1, 1], [], []>, transpose_lhs_hint = false} : vector<64x128xf32>, vector<128x256xf32>, vector<64x256xf32> -> vector<64x256xf32>
      %get3A_64 = arith.constant 0 : index
      %get3A_65 = arith.constant 0 : index
      %get3A_66 = vector.load %arg7[%get3A_64, %get3A_65] : memref<1x256xf32, #tpu.memory_space<vmem>>, vector<1x256xf32>
      %add3A_67 = vector.broadcast %get3A_66 : vector<1x256xf32> to vector<64x256xf32>
      %add3A_68 = arith.addf %dot_general3A_63, %add3A_67 : vector<64x256xf32>
      %max3A_69 = arith.constant 0.000000e+00 : f32
      %max3A_70 = vector.broadcast %max3A_69 : f32 to vector<64x256xf32>
      %max3A_71 = arith.maximumf %add3A_68, %max3A_70 : vector<64x256xf32>
      %get3A_72 = arith.constant 0 : index
      %get3A_73 = arith.constant 0 : index
      %get3A_74 = vector.load %arg8[%get3A_72, %get3A_73] : memref<256x128xf32, #tpu.memory_space<vmem>>, vector<256x128xf32>
      %dot_general3A_75 = arith.constant dense<0.000000e+00> : vector<64x128xf32>
      %dot_general3A_76 = tpu.matmul %max3A_71, %get3A_74, %dot_general3A_75 {dimension_numbers = #tpu.dot_dimension_numbers<[1], [0], [0], [1], [0, 0, 1, 1], [], []>, transpose_lhs_hint = false} : vector<64x256xf32>, vector<256x128xf32>, vector<64x128xf32> -> vector<64x128xf32>
      %get3A_77 = arith.constant 0 : index
      %get3A_78 = arith.constant 0 : index
      %get3A_79 = vector.load %arg9[%get3A_77, %get3A_78] : memref<1x128xf32, #tpu.memory_space<vmem>>, vector<1x128xf32>
      %add3A_80 = vector.broadcast %get3A_79 : vector<1x128xf32> to vector<64x128xf32>
      %add3A_81 = arith.addf %dot_general3A_76, %add3A_80 : vector<64x128xf32>
      %swap3A_82 = arith.constant 0 : index
      %swap3A_83 = arith.constant 0 : index
      %swap3A_84 = vector.load %arg10[%swap3A_82, %swap3A_83] : memref<64x128xf32, #tpu.memory_space<vmem>>, vector<64x128xf32>
      tpu.vector_store %arg10[%swap3A_82, %swap3A_83], %add3A_81 {strides = array<i32>} : memref<64x128xf32, #tpu.memory_space<vmem>>, vector<64x128xf32>,
    } else {
    }
    return
  }
  func.func @transform_0(%arg0: i32) -> (i32, i32, i32) {
    %c0_i32 = arith.constant 0 : i32
    %c0_i32_0 = arith.constant 0 : i32
    %c0_i32_1 = arith.constant 0 : i32
    return %c0_i32, %arg0, %c0_i32_0 : i32, i32, i32
  }
  func.func @transform_1(%arg0: i32) -> (i32, i32) {
    %c0_i32 = arith.constant 0 : i32
    %c0_i32_0 = arith.constant 0 : i32
    return %arg0, %c0_i32 : i32, i32
  }
  func.func @transform_2(%arg0: i32) -> (i32, i32) {
    %c0_i32 = arith.constant 0 : i32
    %c0_i32_0 = arith.constant 0 : i32
    return %arg0, %c0_i32 : i32, i32
  }
  func.func @transform_3(%arg0: i32) -> (i32, i32) {
    %c0_i32 = arith.constant 0 : i32
    %c0_i32_0 = arith.constant 0 : i32
    %c0_i32_1 = arith.constant 0 : i32
    return %c0_i32, %c0_i32_0 : i32, i32
  }
  func.func @transform_4(%arg0: i32) -> (i32, i32) {
    %c0_i32 = arith.constant 0 : i32
    %c0_i32_0 = arith.constant 0 : i32
    return %arg0, %c0_i32 : i32, i32
  }
  func.func @transform_5(%arg0: i32) -> (i32, i32) {
    %c0_i32 = arith.constant 0 : i32
    %c0_i32_0 = arith.constant 0 : i32
    %c0_i32_1 = arith.constant 0 : i32
    return %c0_i32, %c0_i32_0 : i32, i32
  }
  func.func @transform_6(%arg0: i32) -> (i32, i32) {
    %c0_i32 = arith.constant 0 : i32
    %c0_i32_0 = arith.constant 0 : i32
    %c0_i32_1 = arith.constant 0 : i32
    return %c0_i32, %c0_i32_0 : i32, i32
  }
  func.func @transform_7(%arg0: i32) -> (i32, i32) {
    %c0_i32 = arith.constant 0 : i32
    %c0_i32_0 = arith.constant 0 : i32
    %c0_i32_1 = arith.constant 0 : i32
    return %c0_i32, %c0_i32_0 : i32, i32
  }
  func.func @transform_8(%arg0: i32) -> (i32, i32) {
    %c0_i32 = arith.constant 0 : i32
    %c0_i32_0 = arith.constant 0 : i32
    %c0_i32_1 = arith.constant 0 : i32
    return %c0_i32, %c0_i32_0 : i32, i32
  }
  func.func @transform_9(%arg0: i32) -> (i32, i32) {
    %c0_i32 = arith.constant 0 : i32
    %c0_i32_0 = arith.constant 0 : i32
    %c0_i32_1 = arith.constant 0 : i32
    return %c0_i32, %c0_i32_0 : i32, i32
  }
}

</mosaic_0001>

<sc_bundles>
// kernel: kernel.12.cloned.1.call-start
scs
__scs_entry_jumppad:
0x0: {  	(pc) =	sbr.rel $0x88, $3  }
0x1: {  	(tag) =	ssettag $0x0;
	lr =	simm.s32 $0x1  }
0x2: {  	[smem:$0x3F92] =	sst lr;
	_ =	strace $0xD0000000  }
0x3: {  	_ = 	snop  }
0x4: {  	_ = 	snop  }
0x5: {  	_ = 	snop  }
0x6: {  	_ = 	snop  }
0x7: {  	_ = 	snop  }
__scs_overlays_trampoline_lowered:
0x8: {  	[smem:$0x3FA1] =	sst s0  }
0x9: {  	[smem:$0x3FA2] =	sst s1  }
0xa: {  	[smem:$0x3FA3] =	sst s2  }
0xb: {  	[smem:$0x3FA4] =	sst s3  }
0xc: {  	[smem:$0x3FA5] =	sst s4  }
0xd: {  	[smem:$0x3FA6] =	sst s5  }
0xe: {  	[smem:$0x3FA7] =	sst s6  }
0xf: {  	[smem:$0x3FA8] =	sst s7  }
0x10: {  	[smem:$0x3FA9] =	sst s8  }
0x11: {  	[smem:$0x3FAA] =	sst s9;
	s0 =	simm.s32 @!p0 $0x0  }
0x12: {  	s1 =	sld [smem:$0x3F90];
	s0 =	simm.s32 @p0 $0x1  }
0x13: {  	[smem:$0x3FAB] =	sst s0;
	s0 =	simm.s32 @!p1 $0x0  }
0x14: {  	s2 =	sld [smem:$0x3F8F];
	s0 =	simm.s32 @p1 $0x1  }
0x15: {  	[smem:$0x3FAC] =	sst s0;
	s0 =	simm.s32 @!p2 $0x0  }
0x16: {  	s3 =	sld [smem:$0x3FDB];
	s0 =	simm.s32 @p2 $0x1  }
0x17: {  	s4 =	simm.s32 $0x1BF5;
	[smem:$0x3FAE] =	sst s0  }
0x18: {  	s0 =	sld [smem:$0x3F91];
	_ =	swait.ge [sflag:s4], $0x0  }
0x19: {  	s7 =	sld [smem:$0x3F92]  }
0x1a: {  	s8 =	sadd.s32 $0xFFFFE003, lr  }
0x1b: {  	s9 =	sadd.s32 $0xFFFFFEF7, lr;
	s5 =	simm.s32 $0xFFFFFFFF;
	p2 =	slt.u32 s8, $0xFFFFF086  }
0x1c: {  	p1 =	slt.u32 s9, $0xF7A;
	s5 =	simm.s32 @!p2 $0x0  }
0x1d: {  	s5 =	simm.s32 @p1 $0x1;
	p0 =	seq.s32 s7, s2  }
0x1e: {  	s7 =	smul.u32 @!p0 $0xF7A, s2;
	p2 =	seq.s32 @!p0 s5, $0x0  }
0x1f: {  	s9 =	smul.u32 $0xF7A, s1;
	s8 =	simm.s32 @!p0 $0x1BF5;
	p2 =	por !p2, p0  }
0x20: {  	[sflag:s8] =	ssyncset.s32 @!p0 $0xFFFFF086;
	s6 =	sadd.s32 @!p0 s3, s7;
	s7 =	simm.s32 @!p0 $0x108  }
0x21: {  	s3 =	sadd.s32 s3, s9;
	s6 =	sadd.s32 @!p0 $0x88, s6;
	s7 =	simm.s32 @p2 $0x1082  }
0x22: {  	[simem:s7], [sflag:s8] =	dma.local @!p0 [hbm:s6], $0xF7A  }
0x23: {  	s9 =	sor.u32 $0xD0000000, s2;
	s6 =	simm.s32 $0x108;
	_ =	swait.ge @!p0 [sflag:s8], $0x0  }
0x24: {  	s3 =	sadd.s32 $0x88, s3;
	s6 =	simm.s32 @!p1 $0x1082;
	[sflag:s4] =	ssyncset.s32 $0xFFFFF086  }
0x25: {  	[simem:s6], [sflag:s4] =	dma.local [hbm:s3], $0xF7A  }
0x26: {  	[smem:$0x3F92] =	sst s1;
	(tag) =	ssettag s2;
	_ =	strace s9  }
0x27: {  	s1 =	sld [smem:$0x3FA2]  }
0x28: {  	s2 =	sld [smem:$0x3FA3]  }
0x29: {  	s4 =	sld [smem:$0x3FA5]  }
0x2a: {  	p0 =	seq.s32 s5, $0x0;
	s5 =	sld [smem:$0x3FA6]  }
0x2b: {  	s6 =	sld [smem:$0x3FA7]  }
0x2c: {  	s7 =	sld [smem:$0x3FA8]  }
0x2d: {  	s3 =	simm.s32 $0x108;
	s8 =	sld [smem:$0x3FA9]  }
0x2e: {  	s3 =	simm.s32 @!p0 $0x1082;
	s9 =	sld [smem:$0x3FAA]  }
0x2f: {  	lr =	sadd.s32 s0, s3;
	s0 =	sld [smem:$0x3FA1]  }
0x30: {  	s3 =	sld [smem:$0x3FA4]  }
0x31: {  	[smem:$0x3FAD] =	sst s10  }
0x32: {  	s10 =	sld [smem:$0x3FAB];
	_ =	sdelay $0x3  }
0x33: {  	p0 =	seq.s32 s10, $0x1;
	s10 =	sld [smem:$0x3FAD];
	_ =	sdelay $0x3  }
0x34: {  	[smem:$0x3FAD] =	sst s10  }
0x35: {  	s10 =	sld [smem:$0x3FAC];
	_ =	sdelay $0x3  }
0x36: {  	p1 =	seq.s32 s10, $0x1;
	s10 =	sld [smem:$0x3FAD];
	_ =	sdelay $0x3  }
0x37: {  	[smem:$0x3FAD] =	sst s10  }
0x38: {  	s10 =	sld [smem:$0x3FAE]  }
0x39: {  	_ = 	snop;
	(pc) =	sbr.ind lr, $3  }
0x3a: {  	_ = 	snop  }
0x3b: {  	_ = 	snop  }
0x3c: {  	p2 =	seq.s32 s10, $0x1;
	s10 =	sld [smem:$0x3FAD]  }
0x3d: {  	_ =	shalt  }
0x3e: {  	_ =	shalt  }
0x3f: {  	_ =	shalt  }
0x40: {  	_ =	shalt  }
0x41: {  	_ =	shalt  }
0x42: {  	_ =	shalt  }
0x43: {  	_ =	shalt  }
0x44: {  	_ =	shalt  }
0x45: {  	_ =	shalt  }
0x46: {  	_ =	shalt  }
0x47: {  	_ =	shalt  }
0x48: {  	_ =	shalt  }
0x49: {  	_ =	shalt  }
0x4a: {  	_ =	shalt  }
0x4b: {  	_ =	shalt  }
0x4c: {  	_ =	shalt  }
0x4d: {  	_ =	shalt  }
0x4e: {  	_ =	shalt  }
0x4f: {  	_ =	shalt  }
0x50: {  	_ =	shalt  }
0x51: {  	_ =	shalt  }
0x52: {  	_ =	shalt  }
0x53: {  	_ =	shalt  }
0x54: {  	_ =	shalt  }
0x55: {  	_ =	shalt  }
0x56: {  	_ =	shalt  }
0x57: {  	_ =	shalt  }
0x58: {  	_ =	shalt  }
0x59: {  	_ =	shalt  }
0x5a: {  	_ =	shalt  }
0x5b: {  	_ =	shalt  }
0x5c: {  	_ =	shalt  }
0x5d: {  	_ =	shalt  }
0x5e: {  	_ =	shalt  }
0x5f: {  	_ =	shalt  }
0x60: {  	_ =	shalt  }
0x61: {  	_ =	shalt  }
0x62: {  	_ =	shalt  }
0x63: {  	_ =	shalt  }
0x64: {  	_ =	shalt  }
0x65: {  	_ =	shalt  }
0x66: {  	_ =	shalt  }
0x67: {  	_ =	shalt  }
0x68: {  	_ =	shalt  }
0x69: {  	_ =	shalt  }
0x6a: {  	_ =	shalt  }
0x6b: {  	_ =	shalt  }
0x6c: {  	_ =	shalt  }
0x6d: {  	_ =	shalt  }
0x6e: {  	_ =	shalt  }
0x6f: {  	_ =	shalt  }
0x70: {  	_ =	shalt  }
0x71: {  	_ =	shalt  }
0x72: {  	_ =	shalt  }
0x73: {  	_ =	shalt  }
0x74: {  	_ =	shalt  }
0x75: {  	_ =	shalt  }
0x76: {  	_ =	shalt  }
0x77: {  	_ =	shalt  }
0x78: {  	_ =	shalt  }
0x79: {  	_ =	shalt  }
0x7a: {  	_ =	shalt  }
0x7b: {  	_ =	shalt  }
0x7c: {  	_ =	shalt  }
0x7d: {  	_ =	shalt  }
0x7e: {  	_ =	shalt  }
0x7f: {  	_ =	shalt  }
0x80: {  	_ =	shalt  }
0x81: {  	_ =	shalt  }
0x82: {  	_ =	shalt  }
0x83: {  	_ =	shalt  }
0x84: {  	_ =	shalt  }
0x85: {  	_ =	shalt  }
0x86: {  	_ =	shalt  }
0x87: {  	_ =	shalt  }
.Lfunc_end0:
.L_simem_size_0:
called_computation_lowered:
.L_overlay_start_0:
0x88: {  	s2 =	sld [smem:$0x3FD9]  }
0x89: {  	s3 =	sld [smem:$0x3FFE];
	_ =	sdelay $0x1  }
0x8a: {  	s1 =	srdreg.scid  }
0x8b: {  	s0 =	sand.u32 $0x1, s1  }
0x8c: {  	s16 =	sshll.u32 s0, $0xA;
	s2 =	sadd.s32 s3, s2  }
0x8d: {  	s2 =	sadd.s32 s2, s16  }
0x8e: {  	[smem:$0x3FB9] =	sst s2  }
0x8f: {  	_ = 	snop  }
0x90: {  	(tm) =	ssettm $0x1  }
0x91: {  	s17 =	sld [smem:$0x3FFB];
	_ =	sdelay $0x3  }
0x92: {  	_ =	strace s17  }
0x93: {  	s2 =	sld [smem:$0x3FFC];
	_ =	sdelay $0x3  }
0x94: {  	_ =	strace s2  }
0x95: {  	s2 =	sld [smem:$0x3FFD];
	_ =	sdelay $0x3  }
0x96: {  	_ =	strace s2  }
0x97: {  	_ =	strace $0x8FFFFFFF  }
0x98: {  	s18 =	sld [smem:$0x3FDB];
	_ =	sdelay $0x1  }
0x99: {  	s19 =	simm.s32 $_scs_section_size  }
0x9a: {  	s4 =	simm.s32 $_size__tile_overlayer_lowered;
	s5 =	simm.s32 $_tile_overlayer_lowered  }
0x9b: {  	s22 =	simm.s32 $0x1BFF;
	s21 =	sshll.u32 s5, $0x1;
	s2 =	sadd.s32 s19, s18  }
0x9c: {  	s6 =	simm.s32 $0x0;
	s20 =	sshll.u32 s4, $0x1;
	s4 =	sadd.s32 s21, s2  }
0x9d: {  	[timem:s6], [sflag:s22] =	dma.local [hbm:s4], s20  }
0x9e: {  	_ =	swait.ge [sflag:s22], s20  }
0x9f: {  	s3 =	ssub.s32 $0x0, s20;
	[sflag:s22] =	ssyncset.done $0x0  }
0xa0: {  	[sflag:s22] =	ssyncadd.s32 s3;
	_ =	sdelay $0x1  }
0xa1: {  	s23 =	simm.s32 $0x1B8B  }
0xa2: {  	_ =	swait.ge [sflag:s23], $0x1  }
0xa3: {  	[sflag:s23] =	ssyncset.done $0x0  }
0xa4: {  	s25 =	simm.s32 $0x1B8E;
	s24 =	sld [smem:$0x3FFE];
	[sflag:s23] =	ssyncadd.s32 $0xFFFFFFFF  }
0xa5: {  	s26 =	simm.s32 $execute0_lowered;
	[smem:$0x3FD2] =	sst s25  }
0xa6: {  	s4 =	sshll.u32 s26, $0x1;
	_ =	strace $0x80000046;
	[dreg:$0x1] =	wrdreg $0xFFFFFFFF  }
0xa7: {  	s28 =	simm.s32 $_size_execute0_lowered;
	s2 =	sadd.s32 s2, s4;
	[dreg:$0x0] =	wrdreg $0x0  }
0xa8: {  	s4 =	sshll.u32 s28, $0x1;
	[dreg:$0x2] =	wrdreg s2  }
0xa9: {  	[dreg:$0x3] =	wrdreg s4  }
0xaa: {  	[dreg:$0x4] =	wrdreg $0xC0  }
0xab: {  	_ =	task [dreg:s6], $0x5FFFF  }
0xac: {  	[dreg:$0x1] =	wrdreg $0xFFFFFFFF  }
0xad: {  	[dreg:$0x0] =	wrdreg $0x60  }
0xae: {  	[dreg:$0x2] =	wrdreg s24  }
0xaf: {  	[dreg:$0x3] =	wrdreg $0x43000  }
0xb0: {  	[dreg:$0x4] =	wrdreg $0x9  }
0xb1: {  	_ =	task.clear_ibuf [dreg:s6], $0x5FFFF;
	_ =	strace $0x90000046  }
0xb2: {  	s29 =	simm.s32 $0x9;
	_ =	strace $0x80000048  }
0xb3: {  	_ =	swait.ge [sflag:s29], $0x1  }
0xb4: {  	[sflag:s29] =	ssyncadd.s32 $0xFFFFFFFF  }
0xb5: {  	_ =	strace $0x90000048  }
0xb6: {  	_ =	sfence  }
0xb7: {  	s30 =	sld [smem:$0x0];
	_ =	sdelay $0x2  }
0xb8: {  	s31 =	sshll.u32 s1, $0xD;
	s1 =	sshrl.u32 s1, $0x2  }
0xb9: {  	s3 =	sand.u32 $0x4000, s31;
	s1 =	sadd.s32 s1, s30  }
0xba: {  	s0 =	sor.u32 s3, s0;
	s1 =	sshll.u32 s1, $0x11  }
0xbb: {  	s0 =	sor.u32 s1, s0  }
0xbc: {  	s0 =	sadd.s32 $0x8F2B, s0  }
0xbd: {  	[sflag:s0] =	ssyncadd.remote.s32 $0x1  }
0xbe: {  	_ =	sfence.sel $0xFFFF  }
0xbf: {  	[dreg:$0x0] =	wrdreg $0xFFFFFFFF;
	(pc) =	sbr.abs _section_cstart, $3  }
0xc0: {  	[dreg:$0x1] =	wrdreg $0xFFFFFFFF  }
0xc1: {  	_ =	task.clear_ibuf [dreg:s6], $0x2FFFF;
	_ =	strace $0x9FFFFFFF  }
0xc2: {  	(tm) =	ssettm $0x7FFFFFFF  }
0xc3: {  	_ =	shalt  }
tec
execute0_lowered:
.L_overlay_start_1:
0x0: {  	(tag) =	ssettag $0x1  }
0x1: {  	s4 =	rddreg [dreg:$0x0]  }
0x2: {  	s2 =	rddreg [dreg:$0x1]  }
0x3: {  	s0 =	rddreg [dreg:$0x2]  }
0x4: {  	s5 =	srdreg.scid;
	s1 =	stileid.u32;
	s3 =	simm.s32 $0x0  }
0x5: {  	s11 =	simm.s32 $0x4000;
	s14 =	simm.s32 $0x0;
	s5 =	sand.u32 $0x1, s5  }
0x6: {  	s6 =	smul.u32 $0x280, s1;
	[smem:$0x7FF] =	sst s3;
	s10 =	sshll.u32 s1, $0xC  }
0x7: {  	s12 =	sshll.u32 s1, $0x6;
	s7 =	smul.u32 $0x2800, s5;
	_ =	strace $0x80000047  }
0x8: {  	s8 =	sshll.u32 s5, $0xB;
	s5 =	ssub.s32 $0x2, s5;
	s12 =	sor.u32 $0x1C01, s12  }
0x9: {  	s8 =	sadd.s32 s8, s4;
	s9 =	sshrl.u32 s5, $0x1;
	s7 =	sadd.s32 s6, s7  }
0xa: {  	s9 =	ssub.s32 s5, s9;
	s31 =	sadd.s32 s10, s8;
	s5 =	sadd.s32 s6, s2  }
0xb: {  	s8 =	simm.s32 $0x1;
	s10 =	simm.s32 $0x50;
	s7 =	sshrl.u32 s7, $0x3  }
0xc: {  	s13 =	sshrl.u32 s5, $0x3;
	s7 =	sadd.s32 s7, s4;
	s4 =	sadd.s32 $0xDE00, s31  }
0xd: {  	v0 =	vimm.f32 $1.000000000e+00;
	v1 =	vimm.f32 $0.0e+00;
	s6 =	sadd.s32 $0x1DE00, s7;
	s7 =	smax.u32 s9, $0x1;
	s9 =	simm.s32 $0x4080  }
.LBB2_1:
0xe: {  	[tilespmem:s3], [sflag:$0x1] =	stream.linear.gather [hbm4b:s4+s3], $0x3E80, $0x38;
	[tilespmem:$0x4580] =	vst v63  }
0xf: {  	_ =	swait.ge [sflag:s8], $0x3E80  }
0x10: {  	[sflag:s8] =	ssyncset.done $0x0  }
0x11: {  	[sflag:s8] =	ssyncadd.s32 $0xFFFFC180  }
0x12: {  	[tilespmem:$0x4000] =	vst v0  }
0x13: {  	[tilespmem:$0x4010] =	vst v0  }
0x14: {  	[tilespmem:$0x4020] =	vst v0  }
0x15: {  	[tilespmem:$0x4030] =	vst v0  }
0x16: {  	[tilespmem:$0x4040] =	vst v0  }
0x17: {  	[tilespmem:$0x4080] =	vst v1  }
0x18: {  	[tilespmem:$0x4090] =	vst v1  }
0x19: {  	[tilespmem:$0x40A0] =	vst v1  }
0x1a: {  	[tilespmem:$0x40B0] =	vst v1  }
0x1b: {  	[tilespmem:$0x40C0] =	vst v1  }
0x1c: {  	[tilespmem:$0x40D0] =	vst v1  }
0x1d: {  	[tilespmem:$0x40E0] =	vst v1  }
0x1e: {  	[tilespmem:$0x40F0] =	vst v1  }
0x1f: {  	[tilespmem:$0x4100] =	vst v1  }
0x20: {  	[tilespmem:$0x4110] =	vst v1  }
0x21: {  	[tilespmem:$0x4120] =	vst v1  }
0x22: {  	[tilespmem:$0x4130] =	vst v1  }
0x23: {  	[tilespmem:$0x4140] =	vst v1  }
0x24: {  	[tilespmem:$0x4150] =	vst v1  }
0x25: {  	[tilespmem:$0x4160] =	vst v1  }
0x26: {  	[tilespmem:$0x4170] =	vst v1  }
0x27: {  	[tilespmem:$0x4180] =	vst v1  }
0x28: {  	[tilespmem:$0x4190] =	vst v1  }
0x29: {  	[tilespmem:$0x41A0] =	vst v1  }
0x2a: {  	[tilespmem:$0x41B0] =	vst v1  }
0x2b: {  	[tilespmem:$0x41C0] =	vst v1  }
0x2c: {  	[tilespmem:$0x41D0] =	vst v1  }
0x2d: {  	[tilespmem:$0x41E0] =	vst v1  }
0x2e: {  	[tilespmem:$0x41F0] =	vst v1  }
0x2f: {  	[tilespmem:$0x4200] =	vst v1  }
0x30: {  	[tilespmem:$0x4210] =	vst v1  }
0x31: {  	[tilespmem:$0x4220] =	vst v1  }
0x32: {  	[tilespmem:$0x4230] =	vst v1  }
0x33: {  	[tilespmem:$0x4240] =	vst v1  }
0x34: {  	[tilespmem:$0x4250] =	vst v1  }
0x35: {  	[tilespmem:$0x4260] =	vst v1  }
0x36: {  	[tilespmem:$0x4270] =	vst v1  }
0x37: {  	[tilespmem:$0x4280] =	vst v1  }
0x38: {  	[tilespmem:$0x4290] =	vst v1  }
0x39: {  	[tilespmem:$0x42A0] =	vst v1  }
0x3a: {  	[tilespmem:$0x42B0] =	vst v1  }
0x3b: {  	[tilespmem:$0x42C0] =	vst v1  }
0x3c: {  	[tilespmem:$0x42D0] =	vst v1  }
0x3d: {  	[tilespmem:$0x42E0] =	vst v1  }
0x3e: {  	[tilespmem:$0x42F0] =	vst v1  }
0x3f: {  	[spmem:s5] =	stream.linear.scatter [tilespmem:s9], [sflag:$0x1], $0x280, $0x38;
	[tilespmem:$0x4580] =	vst v63  }
0x40: {  	_ =	swait.ge [sflag:s8], $0x280  }
0x41: {  	[sflag:s8] =	ssyncset.done $0x0  }
0x42: {  	[sflag:s8] =	ssyncadd.s32 $0xFFFFFD80  }
0x43: {  	s15 =	simm.s32 $0x0;
	[bflag:$0x0] =	sbarrier.arrive $0xFFFF  }
0x44: {  	[spmem:s2] =	stream.indirect.scatter.add.f32 [tilespmem:s11], [sflag:$0x1], $0x1, s15, s10, $0xb8;
	[tilespmem:$0x4580] =	vst v63  }
0x45: {  	_ =	swait.ge [sflag:s8], $0x50  }
0x46: {  	s15 =	simm.s32 $0x200;
	[sflag:s8] =	ssyncset.done $0x0  }
.LBB2_2:
0x47: {  	s16 =	sshra.s32 s15, $0x2;
	[sflag:s8] =	ssyncadd.s32 $0xFFFFFFB0;
	p0 =	sne.s32 s15, $0xF800  }
0x48: {  	[spmem:s2] =	stream.indirect.scatter.add.f32 [tilespmem:s11], [sflag:$0x1], $0x1, s16, s10, $0xb8;
	[tilespmem:$0x4580] =	vst v63  }
.Ltmp0:
0x49: {  	_ = 	snop;
	(pc) =	sbr.rel @p0 .LBB2_2-.Ltmp0, $4  }
0x4a: {  	_ = 	snop  }
0x4b: {  	s15 =	sadd.s32 $0x200, s15  }
0x4c: {  	_ =	swait.ge [sflag:s8], $0x50  }
0x4d: {  	[sflag:s8] =	ssyncset.done $0x0  }
0x4e: {  	s14 =	sadd.s32 $0x1, s14  }
0x4f: {  	[sflag:s8] =	ssyncadd.s32 $0xFFFFFFB0;
	p0 =	sne.s32 s14, s7  }
.Ltmp1:
0x50: {  	[bflag:$0x0] =	sbarrier.arrive $0xFFFF;
	(pc) =	sbr.rel @p0 .LBB2_1-.Ltmp1, $4  }
0x51: {  	[hbm:s6], [sflag:s12] =	dma.local [spmem:s13], $0x50  }
0x52: {  	_ =	swait.ge [sflag:s8], $0x50  }
0x53: {  	[sflag:s8] =	ssyncset.done $0x0  }
0x54: {  	[sflag:s8] =	ssyncadd.s32 $0xFFFFFFB0  }
0x55: {  	_ =	sfence.sel $0x180000  }
0x56: {  	[bflag:$0x0] =	sbarrier.arrive $0xFFFF  }
0x57: {  	p0 =	sne.s32 s1, $0x0;
	_ =	strace $0x90000047  }
0x58: {  	s0 =	sadd.s32 @!p0 $0x100000, s0;
	[bflag:$0x2] =	sbarrier.arrive $0xFFFF  }
0x59: {  	[sflag:s0] =	ssyncadd.tile.s32 @!p0 $0x1;
	_ =	shalt  }
.Lfunc_end2:
_tile_overlayer_lowered:
.L_overlay_start_2:
0x5a: {  	(tag) =	ssettag $0x2  }
0x5b: {  	s0 =	rddreg [dreg:$0x0];
	s2 =	stileid.u32  }
0x5c: {  	s1 =	rddreg [dreg:$0x1];
	p0 =	sne.s32 s2, $0x0  }
0x5d: {  	s3 =	rddreg [dreg:$0x2];
	[bflag:$0x3] =	sbarrier.arrive $0xFFFF;
	s2 =	simm.s32 @!p0 $0x1C01  }
0x5e: {  	[timem:s3], [sflag:s2] =	dma.local @!p0 [hbm:s0], s1  }
0x5f: {  	s0 =	simm.s32 @!p0 $0x1  }
0x60: {  	_ =	swait.ge @!p0 [sflag:s0], s1  }
0x61: {  	s1 =	ssub.s32 @!p0 $0x0, s1;
	[sflag:s0] =	ssyncset.done @!p0 $0x0  }
0x62: {  	[sflag:s0] =	ssyncadd.s32 @!p0 s1  }
0x63: {  	[bflag:$0x3] =	sbarrier.arrive $0xFFFF  }
0x64: {  	_ =	shalt  }

// kernel: kernel.15.cloned.1.call-start
scs
__scs_entry_jumppad:
0x0: {  	(pc) =	sbr.rel $0x88, $3  }
0x1: {  	(tag) =	ssettag $0x0;
	lr =	simm.s32 $0x1  }
0x2: {  	[smem:$0x3F92] =	sst lr;
	_ =	strace $0xD0000000  }
0x3: {  	_ = 	snop  }
0x4: {  	_ = 	snop  }
0x5: {  	_ = 	snop  }
0x6: {  	_ = 	snop  }
0x7: {  	_ = 	snop  }
__scs_overlays_trampoline_lowered:
0x8: {  	[smem:$0x3FA1] =	sst s0  }
0x9: {  	[smem:$0x3FA2] =	sst s1  }
0xa: {  	[smem:$0x3FA3] =	sst s2  }
0xb: {  	[smem:$0x3FA4] =	sst s3  }
0xc: {  	[smem:$0x3FA5] =	sst s4  }
0xd: {  	[smem:$0x3FA6] =	sst s5  }
0xe: {  	[smem:$0x3FA7] =	sst s6  }
0xf: {  	[smem:$0x3FA8] =	sst s7  }
0x10: {  	[smem:$0x3FA9] =	sst s8  }
0x11: {  	[smem:$0x3FAA] =	sst s9;
	s0 =	simm.s32 @!p0 $0x0  }
0x12: {  	s1 =	sld [smem:$0x3F90];
	s0 =	simm.s32 @p0 $0x1  }
0x13: {  	[smem:$0x3FAB] =	sst s0;
	s0 =	simm.s32 @!p1 $0x0  }
0x14: {  	s2 =	sld [smem:$0x3F8F];
	s0 =	simm.s32 @p1 $0x1  }
0x15: {  	[smem:$0x3FAC] =	sst s0;
	s0 =	simm.s32 @!p2 $0x0  }
0x16: {  	s3 =	sld [smem:$0x3FDB];
	s0 =	simm.s32 @p2 $0x1  }
0x17: {  	s4 =	simm.s32 $0x1BF5;
	[smem:$0x3FAE] =	sst s0  }
0x18: {  	s0 =	sld [smem:$0x3F91];
	_ =	swait.ge [sflag:s4], $0x0  }
0x19: {  	s7 =	sld [smem:$0x3F92]  }
0x1a: {  	s8 =	sadd.s32 $0xFFFFE003, lr  }
0x1b: {  	s9 =	sadd.s32 $0xFFFFFEF7, lr;
	s5 =	simm.s32 $0xFFFFFFFF;
	p2 =	slt.u32 s8, $0xFFFFF086  }
0x1c: {  	p1 =	slt.u32 s9, $0xF7A;
	s5 =	simm.s32 @!p2 $0x0  }
0x1d: {  	s5 =	simm.s32 @p1 $0x1;
	p0 =	seq.s32 s7, s2  }
0x1e: {  	s7 =	smul.u32 @!p0 $0xF7A, s2;
	p2 =	seq.s32 @!p0 s5, $0x0  }
0x1f: {  	s9 =	smul.u32 $0xF7A, s1;
	s8 =	simm.s32 @!p0 $0x1BF5;
	p2 =	por !p2, p0  }
0x20: {  	[sflag:s8] =	ssyncset.s32 @!p0 $0xFFFFF086;
	s6 =	sadd.s32 @!p0 s3, s7;
	s7 =	simm.s32 @!p0 $0x108  }
0x21: {  	s3 =	sadd.s32 s3, s9;
	s6 =	sadd.s32 @!p0 $0x88, s6;
	s7 =	simm.s32 @p2 $0x1082  }
0x22: {  	[simem:s7], [sflag:s8] =	dma.local @!p0 [hbm:s6], $0xF7A  }
0x23: {  	s9 =	sor.u32 $0xD0000000, s2;
	s6 =	simm.s32 $0x108;
	_ =	swait.ge @!p0 [sflag:s8], $0x0  }
0x24: {  	s3 =	sadd.s32 $0x88, s3;
	s6 =	simm.s32 @!p1 $0x1082;
	[sflag:s4] =	ssyncset.s32 $0xFFFFF086  }
0x25: {  	[simem:s6], [sflag:s4] =	dma.local [hbm:s3], $0xF7A  }
0x26: {  	[smem:$0x3F92] =	sst s1;
	(tag) =	ssettag s2;
	_ =	strace s9  }
0x27: {  	s1 =	sld [smem:$0x3FA2]  }
0x28: {  	s2 =	sld [smem:$0x3FA3]  }
0x29: {  	s4 =	sld [smem:$0x3FA5]  }
0x2a: {  	p0 =	seq.s32 s5, $0x0;
	s5 =	sld [smem:$0x3FA6]  }
0x2b: {  	s6 =	sld [smem:$0x3FA7]  }
0x2c: {  	s7 =	sld [smem:$0x3FA8]  }
0x2d: {  	s3 =	simm.s32 $0x108;
	s8 =	sld [smem:$0x3FA9]  }
0x2e: {  	s3 =	simm.s32 @!p0 $0x1082;
	s9 =	sld [smem:$0x3FAA]  }
0x2f: {  	lr =	sadd.s32 s0, s3;
	s0 =	sld [smem:$0x3FA1]  }
0x30: {  	s3 =	sld [smem:$0x3FA4]  }
0x31: {  	[smem:$0x3FAD] =	sst s10  }
0x32: {  	s10 =	sld [smem:$0x3FAB];
	_ =	sdelay $0x3  }
0x33: {  	p0 =	seq.s32 s10, $0x1;
	s10 =	sld [smem:$0x3FAD];
	_ =	sdelay $0x3  }
0x34: {  	[smem:$0x3FAD] =	sst s10  }
0x35: {  	s10 =	sld [smem:$0x3FAC];
	_ =	sdelay $0x3  }
0x36: {  	p1 =	seq.s32 s10, $0x1;
	s10 =	sld [smem:$0x3FAD];
	_ =	sdelay $0x3  }
0x37: {  	[smem:$0x3FAD] =	sst s10  }
0x38: {  	s10 =	sld [smem:$0x3FAE]  }
0x39: {  	_ = 	snop;
	(pc) =	sbr.ind lr, $3  }
0x3a: {  	_ = 	snop  }
0x3b: {  	_ = 	snop  }
0x3c: {  	p2 =	seq.s32 s10, $0x1;
	s10 =	sld [smem:$0x3FAD]  }
0x3d: {  	_ =	shalt  }
0x3e: {  	_ =	shalt  }
0x3f: {  	_ =	shalt  }
0x40: {  	_ =	shalt  }
0x41: {  	_ =	shalt  }
0x42: {  	_ =	shalt  }
0x43: {  	_ =	shalt  }
0x44: {  	_ =	shalt  }
0x45: {  	_ =	shalt  }
0x46: {  	_ =	shalt  }
0x47: {  	_ =	shalt  }
0x48: {  	_ =	shalt  }
0x49: {  	_ =	shalt  }
0x4a: {  	_ =	shalt  }
0x4b: {  	_ =	shalt  }
0x4c: {  	_ =	shalt  }
0x4d: {  	_ =	shalt  }
0x4e: {  	_ =	shalt  }
0x4f: {  	_ =	shalt  }
0x50: {  	_ =	shalt  }
0x51: {  	_ =	shalt  }
0x52: {  	_ =	shalt  }
0x53: {  	_ =	shalt  }
0x54: {  	_ =	shalt  }
0x55: {  	_ =	shalt  }
0x56: {  	_ =	shalt  }
0x57: {  	_ =	shalt  }
0x58: {  	_ =	shalt  }
0x59: {  	_ =	shalt  }
0x5a: {  	_ =	shalt  }
0x5b: {  	_ =	shalt  }
0x5c: {  	_ =	shalt  }
0x5d: {  	_ =	shalt  }
0x5e: {  	_ =	shalt  }
0x5f: {  	_ =	shalt  }
0x60: {  	_ =	shalt  }
0x61: {  	_ =	shalt  }
0x62: {  	_ =	shalt  }
0x63: {  	_ =	shalt  }
0x64: {  	_ =	shalt  }
0x65: {  	_ =	shalt  }
0x66: {  	_ =	shalt  }
0x67: {  	_ =	shalt  }
0x68: {  	_ =	shalt  }
0x69: {  	_ =	shalt  }
0x6a: {  	_ =	shalt  }
0x6b: {  	_ =	shalt  }
0x6c: {  	_ =	shalt  }
0x6d: {  	_ =	shalt  }
0x6e: {  	_ =	shalt  }
0x6f: {  	_ =	shalt  }
0x70: {  	_ =	shalt  }
0x71: {  	_ =	shalt  }
0x72: {  	_ =	shalt  }
0x73: {  	_ =	shalt  }
0x74: {  	_ =	shalt  }
0x75: {  	_ =	shalt  }
0x76: {  	_ =	shalt  }
0x77: {  	_ =	shalt  }
0x78: {  	_ =	shalt  }
0x79: {  	_ =	shalt  }
0x7a: {  	_ =	shalt  }
0x7b: {  	_ =	shalt  }
0x7c: {  	_ =	shalt  }
0x7d: {  	_ =	shalt  }
0x7e: {  	_ =	shalt  }
0x7f: {  	_ =	shalt  }
0x80: {  	_ =	shalt  }
0x81: {  	_ =	shalt  }
0x82: {  	_ =	shalt  }
0x83: {  	_ =	shalt  }
0x84: {  	_ =	shalt  }
0x85: {  	_ =	shalt  }
0x86: {  	_ =	shalt  }
0x87: {  	_ =	shalt  }
.Lfunc_end0:
.L_simem_size_0:
called_computation.1_lowered:
.L_overlay_start_0:
0x88: {  	s2 =	sld [smem:$0x3FD9]  }
0x89: {  	s3 =	sld [smem:$0x3FFE];
	_ =	sdelay $0x1  }
0x8a: {  	s1 =	srdreg.scid  }
0x8b: {  	s0 =	sand.u32 $0x1, s1  }
0x8c: {  	s16 =	sshll.u32 s0, $0xA;
	s2 =	sadd.s32 s3, s2  }
0x8d: {  	s2 =	sadd.s32 s2, s16  }
0x8e: {  	[smem:$0x3FB9] =	sst s2  }
0x8f: {  	_ = 	snop  }
0x90: {  	(tm) =	ssettm $0x1  }
0x91: {  	s17 =	sld [smem:$0x3FFB];
	_ =	sdelay $0x3  }
0x92: {  	_ =	strace s17  }
0x93: {  	s2 =	sld [smem:$0x3FFC];
	_ =	sdelay $0x3  }
0x94: {  	_ =	strace s2  }
0x95: {  	s2 =	sld [smem:$0x3FFD];
	_ =	sdelay $0x3  }
0x96: {  	_ =	strace s2  }
0x97: {  	_ =	strace $0x8FFFFFFF  }
0x98: {  	s18 =	sld [smem:$0x3FDB];
	_ =	sdelay $0x1  }
0x99: {  	s19 =	simm.s32 $_scs_section_size  }
0x9a: {  	s4 =	simm.s32 $_size__tile_overlayer_lowered;
	s5 =	simm.s32 $_tile_overlayer_lowered  }
0x9b: {  	s22 =	simm.s32 $0x1BFF;
	s21 =	sshll.u32 s5, $0x1;
	s2 =	sadd.s32 s19, s18  }
0x9c: {  	s6 =	simm.s32 $0x0;
	s20 =	sshll.u32 s4, $0x1;
	s4 =	sadd.s32 s21, s2  }
0x9d: {  	[timem:s6], [sflag:s22] =	dma.local [hbm:s4], s20  }
0x9e: {  	_ =	swait.ge [sflag:s22], s20  }
0x9f: {  	s3 =	ssub.s32 $0x0, s20;
	[sflag:s22] =	ssyncset.done $0x0  }
0xa0: {  	[sflag:s22] =	ssyncadd.s32 s3;
	_ =	sdelay $0x1  }
0xa1: {  	s23 =	simm.s32 $0x1B8B  }
0xa2: {  	_ =	swait.ge [sflag:s23], $0x1  }
0xa3: {  	[sflag:s23] =	ssyncset.done $0x0  }
0xa4: {  	s25 =	simm.s32 $0x1B8E;
	s24 =	sld [smem:$0x3FFE];
	[sflag:s23] =	ssyncadd.s32 $0xFFFFFFFF  }
0xa5: {  	s26 =	simm.s32 $execute0_lowered;
	[smem:$0x3FD2] =	sst s25  }
0xa6: {  	s4 =	sshll.u32 s26, $0x1;
	_ =	strace $0x80000049;
	[dreg:$0x1] =	wrdreg $0xFFFFFFFF  }
0xa7: {  	s28 =	simm.s32 $_size_execute0_lowered;
	s2 =	sadd.s32 s2, s4;
	[dreg:$0x0] =	wrdreg $0x0  }
0xa8: {  	s4 =	sshll.u32 s28, $0x1;
	[dreg:$0x2] =	wrdreg s2  }
0xa9: {  	[dreg:$0x3] =	wrdreg s4  }
0xaa: {  	[dreg:$0x4] =	wrdreg $0xC0  }
0xab: {  	_ =	task [dreg:s6], $0x5FFFF  }
0xac: {  	[dreg:$0x1] =	wrdreg $0xFFFFFFFF  }
0xad: {  	[dreg:$0x0] =	wrdreg $0x60  }
0xae: {  	[dreg:$0x2] =	wrdreg s24  }
0xaf: {  	[dreg:$0x3] =	wrdreg $0xB7800  }
0xb0: {  	[dreg:$0x4] =	wrdreg $0x9  }
0xb1: {  	_ =	task.clear_ibuf [dreg:s6], $0x5FFFF;
	_ =	strace $0x90000049  }
0xb2: {  	s29 =	simm.s32 $0x9;
	_ =	strace $0x8000004B  }
0xb3: {  	_ =	swait.ge [sflag:s29], $0x1  }
0xb4: {  	[sflag:s29] =	ssyncadd.s32 $0xFFFFFFFF  }
0xb5: {  	_ =	strace $0x9000004B  }
0xb6: {  	_ =	sfence  }
0xb7: {  	s30 =	sld [smem:$0x0];
	_ =	sdelay $0x2  }
0xb8: {  	s31 =	sshll.u32 s1, $0xD;
	s1 =	sshrl.u32 s1, $0x2  }
0xb9: {  	s3 =	sand.u32 $0x4000, s31;
	s1 =	sadd.s32 s1, s30  }
0xba: {  	s0 =	sor.u32 s3, s0;
	s1 =	sshll.u32 s1, $0x11  }
0xbb: {  	s0 =	sor.u32 s1, s0  }
0xbc: {  	s0 =	sadd.s32 $0x8F2B, s0  }
0xbd: {  	[sflag:s0] =	ssyncadd.remote.s32 $0x1  }
0xbe: {  	_ =	sfence.sel $0xFFFF  }
0xbf: {  	[dreg:$0x0] =	wrdreg $0xFFFFFFFF;
	(pc) =	sbr.abs _section_cstart, $3  }
0xc0: {  	[dreg:$0x1] =	wrdreg $0xFFFFFFFF  }
0xc1: {  	_ =	task.clear_ibuf [dreg:s6], $0x2FFFF;
	_ =	strace $0x9FFFFFFF  }
0xc2: {  	(tm) =	ssettm $0x7FFFFFFF  }
0xc3: {  	_ =	shalt  }
tec
execute0_lowered:
.L_overlay_start_1:
0x0: {  	(tag) =	ssettag $0x1  }
0x1: {  	s1 =	srdreg.scid;
	s6 =	rddreg [dreg:$0x0]  }
0x2: {  	s0 =	stileid.u32;
	s2 =	rddreg [dreg:$0x1];
	s3 =	simm.s32 $0x0  }
0x3: {  	s13 =	simm.s32 $0x3;
	s14 =	simm.s32 $0x1;
	s15 =	simm.s32 $0x2  }
0x4: {  	s16 =	simm.s32 $0x50;
	s17 =	simm.s32 $0x6780;
	s18 =	simm.s32 $0x8F80  }
0x5: {  	s19 =	simm.s32 $0x6580;
	s20 =	simm.s32 $0x0;
	s5 =	sand.u32 $0x1, s1  }
0x6: {  	s28 =	sshll.u32 s0, $0x1;
	s1 =	rddreg [dreg:$0x2];
	s10 =	smul.u32 $0x14000, s0  }
0x7: {  	[smem:$0x7FF] =	sst s3;
	s4 =	sadd.s32 $0x1DE00, s6;
	s12 =	smul.u32 $0x50000, s0  }
0x8: {  	s31 =	sshll.u32 s0, $0x6;
	s7 =	sor.u32 s5, s28;
	s9 =	smul.u32 $0x140000, s5  }
0x9: {  	_ =	strace $0x8000004A;
	s29 =	ssub.s32 $0x2, s5;
	s5 =	sadd.s32 $0x45000, s6  }
0xa: {  	s8 =	smul.u32 $0x4E2, s7;
	s7 =	sshll.u32 s7, $0xB;
	s11 =	sshrl.u32 s29, $0x1  }
0xb: {  	s30 =	sshrl.u32 s12, $0x2;
	s7 =	sadd.s32 s7, s6;
	s9 =	sadd.s32 s10, s9  }
0xc: {  	s10 =	ssub.s32 s29, s11;
	s12 =	sadd.s32 s30, s2;
	s11 =	simm.s32 $0x2780  }
0xd: {  	s8 =	sadd.s32 s8, s6;
	s9 =	sshrl.u32 s9, $0x3;
	s7 =	sadd.s32 $0xDE00, s7  }
0xe: {  	s10 =	smax.u32 s10, $0x1;
	s12 =	sshrl.u32 s12, $0x3;
	s9 =	sadd.s32 s9, s6  }
0xf: {  	s6 =	sadd.s32 $0x4000, s8;
	s8 =	sor.u32 $0x1C03, s31;
	s9 =	sadd.s32 $0x47800, s9  }
.LBB2_1:
0x10: {  	[tilespmem:s3], [sflag:$0x1] =	stream.linear.gather [hbm4b:s6+s3], $0x2710, $0x38;
	[tilespmem:$0x1F780] =	vst v63  }
0x11: {  	_ = 	snop  }
0x12: {  	[tilespmem:s11], [sflag:$0x2] =	stream.linear.gather [hbm4b:s7+s3], $0x3E80, $0x38;
	[tilespmem:$0x1F780] =	vst v63  }
0x13: {  	[spmem:s12], [sflag:s8] =	dma.local [hbm:s5], $0x2800  }
0x14: {  	_ =	swait.ge [sflag:s13], $0x2800  }
0x15: {  	[sflag:s13] =	ssyncset.done $0x0  }
0x16: {  	[sflag:s13] =	ssyncadd.s32 $0xFFFFD800  }
0x17: {  	_ =	swait.ge [sflag:s14], $0x2710  }
0x18: {  	[sflag:s14] =	ssyncset.done $0x0  }
0x19: {  	[sflag:s14] =	ssyncadd.s32 $0xFFFFD8F0  }
0x1a: {  	_ =	swait.ge [sflag:s15], $0x3E80  }
0x1b: {  	[sflag:s15] =	ssyncset.done $0x0  }
0x1c: {  	[sflag:s15] =	ssyncadd.s32 $0xFFFFC180  }
0x1d: {  	[bflag:$0x0] =	sbarrier.arrive $0xFFFF  }
0x1e: {  	[tilespmem:s17], [sflag:$0x1] =	stream.indirect.gather [hbm4b:s4+s16], $0x80, s3, s16, $0xb8;
	[tilespmem:$0x1F780] =	vst v63  }
0x1f: {  	s21 =	simm.s32 $0x50  }
0x20: {  	[tilespmem:s18], [sflag:$0x2] =	stream.indirect.gather [hbm4b:s4+s16], $0x80, s21, s16, $0xb8;
	[tilespmem:$0x1F780] =	vst v63  }
0x21: {  	_ =	swait.ge [sflag:s14], $0x2800  }
0x22: {  	[sflag:s14] =	ssyncset.done $0x0  }
0x23: {  	s29 =	simm.s32 $0x2780;
	[sflag:s14] =	ssyncadd.s32 $0xFFFFD800  }
0x24: {  	[spmem:s2] =	stream.indirect.scatter.add.f32 [tilespmem:s17], [sflag:$0x3], $0x80, s29, s16, $0xb8;
	[tilespmem:$0x1F780] =	vst v63  }
0x25: {  	_ =	swait.ge [sflag:s13], $0x2800  }
0x26: {  	[sflag:s13] =	ssyncset.done $0x0  }
0x27: {  	s30 =	simm.s32 $0xA0;
	[sflag:s13] =	ssyncadd.s32 $0xFFFFD800  }
0x28: {  	[tilespmem:s17], [sflag:$0x1] =	stream.indirect.gather [hbm4b:s4+s16], $0x80, s30, s16, $0xb8;
	[tilespmem:$0x1F780] =	vst v63  }
0x29: {  	_ =	swait.ge [sflag:s15], $0x2800  }
0x2a: {  	[sflag:s15] =	ssyncset.done $0x0  }
0x2b: {  	s31 =	simm.s32 $0x2800;
	[sflag:s15] =	ssyncadd.s32 $0xFFFFD800  }
0x2c: {  	[spmem:s2] =	stream.indirect.scatter.add.f32 [tilespmem:s18], [sflag:$0x3], $0x80, s31, s16, $0xb8;
	[tilespmem:$0x1F780] =	vst v63  }
0x2d: {  	s22 =	simm.s32 $0x400;
	_ =	swait.ge [sflag:s13], $0x2800  }
0x2e: {  	s23 =	simm.s32 $0x800;
	s21 =	simm.s32 $0x140;
	[sflag:s13] =	ssyncset.done $0x0  }
.LBB2_2:
0x2f: {  	p0 =	sne.s32 s23, $0xF400;
	s24 =	sadd.s32 $0xFFFFFFB0, s21;
	[sflag:s13] =	ssyncadd.s32 $0xFFFFD800  }
0x30: {  	[tilespmem:s18], [sflag:$0x2] =	stream.indirect.gather [hbm4b:s4+s16], $0x80, s24, s16, $0xb8;
	[tilespmem:$0x1F780] =	vst v63  }
0x31: {  	s24 =	smov.u32 s23;
	s23 =	sadd.s32 $0x400, s23;
	_ =	swait.ge [sflag:s14], $0x2800  }
0x32: {  	s25 =	sshra.s32 s22, $0x2;
	s22 =	smov.u32 s24;
	[sflag:s14] =	ssyncset.done $0x0  }
0x33: {  	s24 =	sadd.s32 $0x2780, s25;
	[sflag:s14] =	ssyncadd.s32 $0xFFFFD800  }
0x34: {  	[spmem:s2] =	stream.indirect.scatter.add.f32 [tilespmem:s17], [sflag:$0x3], $0x80, s24, s16, $0xb8;
	[tilespmem:$0x1F780] =	vst v63  }
0x35: {  	_ =	swait.ge [sflag:s13], $0x2800  }
0x36: {  	[sflag:s13] =	ssyncset.done $0x0  }
0x37: {  	[sflag:s13] =	ssyncadd.s32 $0xFFFFD800  }
0x38: {  	[tilespmem:s17], [sflag:$0x1] =	stream.indirect.gather [hbm4b:s4+s16], $0x80, s21, s16, $0xb8;
	[tilespmem:$0x1F780] =	vst v63  }
0x39: {  	_ =	swait.ge [sflag:s15], $0x2800  }
.Ltmp0:
0x3a: {  	[sflag:s15] =	ssyncset.done $0x0;
	(pc) =	sbr.rel @p0 .LBB2_2-.Ltmp0, $4  }
0x3b: {  	s24 =	sadd.s32 $0x2800, s25;
	[sflag:s15] =	ssyncadd.s32 $0xFFFFD800  }
0x3c: {  	[spmem:s2] =	stream.indirect.scatter.add.f32 [tilespmem:s18], [sflag:$0x3], $0x80, s24, s16, $0xb8;
	[tilespmem:$0x1F780] =	vst v63  }
0x3d: {  	_ =	swait.ge [sflag:s13], $0x2800  }
0x3e: {  	s21 =	sadd.s32 $0xA0, s21;
	[sflag:s13] =	ssyncset.done $0x0  }
0x3f: {  	s23 =	sadd.s32 $0xFFFFFFB0, s21;
	[sflag:s13] =	ssyncadd.s32 $0xFFFFD800  }
0x40: {  	[tilespmem:s18], [sflag:$0x2] =	stream.indirect.gather [hbm4b:s4+s16], $0x80, s23, s16, $0xb8;
	[tilespmem:$0x1F780] =	vst v63  }
0x41: {  	_ =	swait.ge [sflag:s14], $0x2800  }
0x42: {  	s22 =	sshra.s32 s22, $0x2;
	[sflag:s14] =	ssyncset.done $0x0  }
0x43: {  	s30 =	sadd.s32 $0x2780, s22;
	[sflag:s14] =	ssyncadd.s32 $0xFFFFD800  }
0x44: {  	[spmem:s2] =	stream.indirect.scatter.add.f32 [tilespmem:s17], [sflag:$0x3], $0x80, s30, s16, $0xb8;
	[tilespmem:$0x1F780] =	vst v63  }
0x45: {  	_ =	swait.ge [sflag:s13], $0x2800  }
0x46: {  	[sflag:s13] =	ssyncset.done $0x0  }
0x47: {  	[sflag:s13] =	ssyncadd.s32 $0xFFFFD800  }
0x48: {  	[tilespmem:s17], [sflag:$0x1] =	stream.indirect.gather [hbm4b:s4+s16], $0x80, s21, s16, $0xb8;
	[tilespmem:$0x1F780] =	vst v63  }
0x49: {  	_ =	swait.ge [sflag:s15], $0x2800  }
0x4a: {  	[sflag:s15] =	ssyncset.done $0x0  }
0x4b: {  	s31 =	sadd.s32 $0x2800, s22;
	[sflag:s15] =	ssyncadd.s32 $0xFFFFD800  }
0x4c: {  	[spmem:s2] =	stream.indirect.scatter.add.f32 [tilespmem:s18], [sflag:$0x3], $0x80, s31, s16, $0xb8;
	[tilespmem:$0x1F780] =	vst v63  }
0x4d: {  	_ =	swait.ge [sflag:s13], $0x2800  }
0x4e: {  	[sflag:s13] =	ssyncset.done $0x0  }
0x4f: {  	[sflag:s13] =	ssyncadd.s32 $0xFFFFD800  }
0x50: {  	_ =	swait.ge [sflag:s14], $0x2800  }
0x51: {  	[sflag:s14] =	ssyncset.done $0x0  }
0x52: {  	[sflag:s14] =	ssyncadd.s32 $0xFFFFD800  }
0x53: {  	[spmem:s2] =	stream.indirect.scatter.add.f32 [tilespmem:s17], [sflag:$0x3], $0x80, s19, s16, $0xb8;
	[tilespmem:$0x1F780] =	vst v63  }
0x54: {  	_ =	swait.ge [sflag:s13], $0x2800  }
0x55: {  	s20 =	sadd.s32 $0x1, s20;
	[sflag:s13] =	ssyncset.done $0x0  }
0x56: {  	p0 =	sne.s32 s20, s10;
	[sflag:s13] =	ssyncadd.s32 $0xFFFFD800  }
.Ltmp1:
0x57: {  	[bflag:$0x0] =	sbarrier.arrive $0xFFFF;
	(pc) =	sbr.rel @p0 .LBB2_1-.Ltmp1, $4  }
0x58: {  	[hbm:s9], [sflag:s8] =	dma.local [spmem:s12], $0x2800  }
0x59: {  	_ =	swait.ge [sflag:s13], $0x2800  }
0x5a: {  	[sflag:s13] =	ssyncset.done $0x0  }
0x5b: {  	[sflag:s13] =	ssyncadd.s32 $0xFFFFD800  }
0x5c: {  	_ =	sfence.sel $0x180000  }
0x5d: {  	[bflag:$0x0] =	sbarrier.arrive $0xFFFF  }
0x5e: {  	p0 =	sne.s32 s0, $0x0;
	_ =	strace $0x9000004A  }
0x5f: {  	s0 =	sadd.s32 @!p0 $0x100000, s1;
	[bflag:$0x2] =	sbarrier.arrive $0xFFFF  }
0x60: {  	[sflag:s0] =	ssyncadd.tile.s32 @!p0 $0x1;
	_ =	shalt  }
.Lfunc_end2:
_tile_overlayer_lowered:
.L_overlay_start_2:
0x61: {  	(tag) =	ssettag $0x2  }
0x62: {  	s0 =	rddreg [dreg:$0x0];
	s2 =	stileid.u32  }
0x63: {  	s1 =	rddreg [dreg:$0x1];
	p0 =	sne.s32 s2, $0x0  }
0x64: {  	s3 =	rddreg [dreg:$0x2];
	[bflag:$0x3] =	sbarrier.arrive $0xFFFF;
	s2 =	simm.s32 @!p0 $0x1C03  }
0x65: {  	[timem:s3], [sflag:s2] =	dma.local @!p0 [hbm:s0], s1  }
0x66: {  	s0 =	simm.s32 @!p0 $0x3  }
0x67: {  	_ =	swait.ge @!p0 [sflag:s0], s1  }
0x68: {  	s1 =	ssub.s32 @!p0 $0x0, s1;
	[sflag:s0] =	ssyncset.done @!p0 $0x0  }
0x69: {  	[sflag:s0] =	ssyncadd.s32 @!p0 s1  }
0x6a: {  	[bflag:$0x3] =	sbarrier.arrive $0xFFFF  }
0x6b: {  	_ =	shalt  }

// kernel: kernel.18.cloned.1.call-start
scs
__scs_entry_jumppad:
0x0: {  	(pc) =	sbr.rel $0x88, $3  }
0x1: {  	(tag) =	ssettag $0x0;
	lr =	simm.s32 $0x1  }
0x2: {  	[smem:$0x3F92] =	sst lr;
	_ =	strace $0xD0000000  }
0x3: {  	_ = 	snop  }
0x4: {  	_ = 	snop  }
0x5: {  	_ = 	snop  }
0x6: {  	_ = 	snop  }
0x7: {  	_ = 	snop  }
__scs_overlays_trampoline_lowered:
0x8: {  	[smem:$0x3FA1] =	sst s0  }
0x9: {  	[smem:$0x3FA2] =	sst s1  }
0xa: {  	[smem:$0x3FA3] =	sst s2  }
0xb: {  	[smem:$0x3FA4] =	sst s3  }
0xc: {  	[smem:$0x3FA5] =	sst s4  }
0xd: {  	[smem:$0x3FA6] =	sst s5  }
0xe: {  	[smem:$0x3FA7] =	sst s6  }
0xf: {  	[smem:$0x3FA8] =	sst s7  }
0x10: {  	[smem:$0x3FA9] =	sst s8  }
0x11: {  	[smem:$0x3FAA] =	sst s9;
	s0 =	simm.s32 @!p0 $0x0  }
0x12: {  	s1 =	sld [smem:$0x3F90];
	s0 =	simm.s32 @p0 $0x1  }
0x13: {  	[smem:$0x3FAB] =	sst s0;
	s0 =	simm.s32 @!p1 $0x0  }
0x14: {  	s2 =	sld [smem:$0x3F8F];
	s0 =	simm.s32 @p1 $0x1  }
0x15: {  	[smem:$0x3FAC] =	sst s0;
	s0 =	simm.s32 @!p2 $0x0  }
0x16: {  	s3 =	sld [smem:$0x3FDB];
	s0 =	simm.s32 @p2 $0x1  }
0x17: {  	s4 =	simm.s32 $0x1BF5;
	[smem:$0x3FAE] =	sst s0  }
0x18: {  	s0 =	sld [smem:$0x3F91];
	_ =	swait.ge [sflag:s4], $0x0  }
0x19: {  	s7 =	sld [smem:$0x3F92]  }
0x1a: {  	s8 =	sadd.s32 $0xFFFFE003, lr  }
0x1b: {  	s9 =	sadd.s32 $0xFFFFFEF7, lr;
	s5 =	simm.s32 $0xFFFFFFFF;
	p2 =	slt.u32 s8, $0xFFFFF086  }
0x1c: {  	p1 =	slt.u32 s9, $0xF7A;
	s5 =	simm.s32 @!p2 $0x0  }
0x1d: {  	s5 =	simm.s32 @p1 $0x1;
	p0 =	seq.s32 s7, s2  }
0x1e: {  	s7 =	smul.u32 @!p0 $0xF7A, s2;
	p2 =	seq.s32 @!p0 s5, $0x0  }
0x1f: {  	s9 =	smul.u32 $0xF7A, s1;
	s8 =	simm.s32 @!p0 $0x1BF5;
	p2 =	por !p2, p0  }
0x20: {  	[sflag:s8] =	ssyncset.s32 @!p0 $0xFFFFF086;
	s6 =	sadd.s32 @!p0 s3, s7;
	s7 =	simm.s32 @!p0 $0x108  }
0x21: {  	s3 =	sadd.s32 s3, s9;
	s6 =	sadd.s32 @!p0 $0x88, s6;
	s7 =	simm.s32 @p2 $0x1082  }
0x22: {  	[simem:s7], [sflag:s8] =	dma.local @!p0 [hbm:s6], $0xF7A  }
0x23: {  	s9 =	sor.u32 $0xD0000000, s2;
	s6 =	simm.s32 $0x108;
	_ =	swait.ge @!p0 [sflag:s8], $0x0  }
0x24: {  	s3 =	sadd.s32 $0x88, s3;
	s6 =	simm.s32 @!p1 $0x1082;
	[sflag:s4] =	ssyncset.s32 $0xFFFFF086  }
0x25: {  	[simem:s6], [sflag:s4] =	dma.local [hbm:s3], $0xF7A  }
0x26: {  	[smem:$0x3F92] =	sst s1;
	(tag) =	ssettag s2;
	_ =	strace s9  }
0x27: {  	s1 =	sld [smem:$0x3FA2]  }
0x28: {  	s2 =	sld [smem:$0x3FA3]  }
0x29: {  	s4 =	sld [smem:$0x3FA5]  }
0x2a: {  	p0 =	seq.s32 s5, $0x0;
	s5 =	sld [smem:$0x3FA6]  }
0x2b: {  	s6 =	sld [smem:$0x3FA7]  }
0x2c: {  	s7 =	sld [smem:$0x3FA8]  }
0x2d: {  	s3 =	simm.s32 $0x108;
	s8 =	sld [smem:$0x3FA9]  }
0x2e: {  	s3 =	simm.s32 @!p0 $0x1082;
	s9 =	sld [smem:$0x3FAA]  }
0x2f: {  	lr =	sadd.s32 s0, s3;
	s0 =	sld [smem:$0x3FA1]  }
0x30: {  	s3 =	sld [smem:$0x3FA4]  }
0x31: {  	[smem:$0x3FAD] =	sst s10  }
0x32: {  	s10 =	sld [smem:$0x3FAB];
	_ =	sdelay $0x3  }
0x33: {  	p0 =	seq.s32 s10, $0x1;
	s10 =	sld [smem:$0x3FAD];
	_ =	sdelay $0x3  }
0x34: {  	[smem:$0x3FAD] =	sst s10  }
0x35: {  	s10 =	sld [smem:$0x3FAC];
	_ =	sdelay $0x3  }
0x36: {  	p1 =	seq.s32 s10, $0x1;
	s10 =	sld [smem:$0x3FAD];
	_ =	sdelay $0x3  }
0x37: {  	[smem:$0x3FAD] =	sst s10  }
0x38: {  	s10 =	sld [smem:$0x3FAE]  }
0x39: {  	_ = 	snop;
	(pc) =	sbr.ind lr, $3  }
0x3a: {  	_ = 	snop  }
0x3b: {  	_ = 	snop  }
0x3c: {  	p2 =	seq.s32 s10, $0x1;
	s10 =	sld [smem:$0x3FAD]  }
0x3d: {  	_ =	shalt  }
0x3e: {  	_ =	shalt  }
0x3f: {  	_ =	shalt  }
0x40: {  	_ =	shalt  }
0x41: {  	_ =	shalt  }
0x42: {  	_ =	shalt  }
0x43: {  	_ =	shalt  }
0x44: {  	_ =	shalt  }
0x45: {  	_ =	shalt  }
0x46: {  	_ =	shalt  }
0x47: {  	_ =	shalt  }
0x48: {  	_ =	shalt  }
0x49: {  	_ =	shalt  }
0x4a: {  	_ =	shalt  }
0x4b: {  	_ =	shalt  }
0x4c: {  	_ =	shalt  }
0x4d: {  	_ =	shalt  }
0x4e: {  	_ =	shalt  }
0x4f: {  	_ =	shalt  }
0x50: {  	_ =	shalt  }
0x51: {  	_ =	shalt  }
0x52: {  	_ =	shalt  }
0x53: {  	_ =	shalt  }
0x54: {  	_ =	shalt  }
0x55: {  	_ =	shalt  }
0x56: {  	_ =	shalt  }
0x57: {  	_ =	shalt  }
0x58: {  	_ =	shalt  }
0x59: {  	_ =	shalt  }
0x5a: {  	_ =	shalt  }
0x5b: {  	_ =	shalt  }
0x5c: {  	_ =	shalt  }
0x5d: {  	_ =	shalt  }
0x5e: {  	_ =	shalt  }
0x5f: {  	_ =	shalt  }
0x60: {  	_ =	shalt  }
0x61: {  	_ =	shalt  }
0x62: {  	_ =	shalt  }
0x63: {  	_ =	shalt  }
0x64: {  	_ =	shalt  }
0x65: {  	_ =	shalt  }
0x66: {  	_ =	shalt  }
0x67: {  	_ =	shalt  }
0x68: {  	_ =	shalt  }
0x69: {  	_ =	shalt  }
0x6a: {  	_ =	shalt  }
0x6b: {  	_ =	shalt  }
0x6c: {  	_ =	shalt  }
0x6d: {  	_ =	shalt  }
0x6e: {  	_ =	shalt  }
0x6f: {  	_ =	shalt  }
0x70: {  	_ =	shalt  }
0x71: {  	_ =	shalt  }
0x72: {  	_ =	shalt  }
0x73: {  	_ =	shalt  }
0x74: {  	_ =	shalt  }
0x75: {  	_ =	shalt  }
0x76: {  	_ =	shalt  }
0x77: {  	_ =	shalt  }
0x78: {  	_ =	shalt  }
0x79: {  	_ =	shalt  }
0x7a: {  	_ =	shalt  }
0x7b: {  	_ =	shalt  }
0x7c: {  	_ =	shalt  }
0x7d: {  	_ =	shalt  }
0x7e: {  	_ =	shalt  }
0x7f: {  	_ =	shalt  }
0x80: {  	_ =	shalt  }
0x81: {  	_ =	shalt  }
0x82: {  	_ =	shalt  }
0x83: {  	_ =	shalt  }
0x84: {  	_ =	shalt  }
0x85: {  	_ =	shalt  }
0x86: {  	_ =	shalt  }
0x87: {  	_ =	shalt  }
.Lfunc_end0:
.L_simem_size_0:
called_computation.2_lowered:
.L_overlay_start_0:
0x88: {  	s2 =	sld [smem:$0x3FD9]  }
0x89: {  	s3 =	sld [smem:$0x3FFE];
	_ =	sdelay $0x1  }
0x8a: {  	s1 =	srdreg.scid  }
0x8b: {  	s0 =	sand.u32 $0x1, s1  }
0x8c: {  	s16 =	sshll.u32 s0, $0xA;
	s2 =	sadd.s32 s3, s2  }
0x8d: {  	s2 =	sadd.s32 s2, s16  }
0x8e: {  	[smem:$0x3FB9] =	sst s2  }
0x8f: {  	_ = 	snop  }
0x90: {  	(tm) =	ssettm $0x1  }
0x91: {  	s17 =	sld [smem:$0x3FFB];
	_ =	sdelay $0x3  }
0x92: {  	_ =	strace s17  }
0x93: {  	s2 =	sld [smem:$0x3FFC];
	_ =	sdelay $0x3  }
0x94: {  	_ =	strace s2  }
0x95: {  	s2 =	sld [smem:$0x3FFD];
	_ =	sdelay $0x3  }
0x96: {  	_ =	strace s2  }
0x97: {  	_ =	strace $0x8FFFFFFF  }
0x98: {  	s18 =	sld [smem:$0x3FDB];
	_ =	sdelay $0x1  }
0x99: {  	s19 =	simm.s32 $_scs_section_size  }
0x9a: {  	s4 =	simm.s32 $_size__tile_overlayer_lowered;
	s5 =	simm.s32 $_tile_overlayer_lowered  }
0x9b: {  	s22 =	simm.s32 $0x1BFF;
	s21 =	sshll.u32 s5, $0x1;
	s2 =	sadd.s32 s19, s18  }
0x9c: {  	s6 =	simm.s32 $0x0;
	s20 =	sshll.u32 s4, $0x1;
	s4 =	sadd.s32 s21, s2  }
0x9d: {  	[timem:s6], [sflag:s22] =	dma.local [hbm:s4], s20  }
0x9e: {  	_ =	swait.ge [sflag:s22], s20  }
0x9f: {  	s3 =	ssub.s32 $0x0, s20;
	[sflag:s22] =	ssyncset.done $0x0  }
0xa0: {  	[sflag:s22] =	ssyncadd.s32 s3;
	_ =	sdelay $0x1  }
0xa1: {  	s23 =	simm.s32 $0x1B8B  }
0xa2: {  	_ =	swait.ge [sflag:s23], $0x1  }
0xa3: {  	[sflag:s23] =	ssyncset.done $0x0  }
0xa4: {  	s25 =	simm.s32 $0x1B8E;
	s24 =	sld [smem:$0x3FFE];
	[sflag:s23] =	ssyncadd.s32 $0xFFFFFFFF  }
0xa5: {  	s26 =	simm.s32 $execute0_lowered;
	[smem:$0x3FD2] =	sst s25  }
0xa6: {  	s4 =	sshll.u32 s26, $0x1;
	_ =	strace $0x8000004C;
	[dreg:$0x1] =	wrdreg $0xFFFFFFFF  }
0xa7: {  	s28 =	simm.s32 $_size_execute0_lowered;
	s2 =	sadd.s32 s2, s4;
	[dreg:$0x0] =	wrdreg $0x0  }
0xa8: {  	s4 =	sshll.u32 s28, $0x1;
	[dreg:$0x2] =	wrdreg s2  }
0xa9: {  	[dreg:$0x3] =	wrdreg s4  }
0xaa: {  	[dreg:$0x4] =	wrdreg $0xC0  }
0xab: {  	_ =	task [dreg:s6], $0x5FFFF  }
0xac: {  	[dreg:$0x1] =	wrdreg $0xFFFFFFFF  }
0xad: {  	[dreg:$0x0] =	wrdreg $0x60  }
0xae: {  	[dreg:$0x2] =	wrdreg s24  }
0xaf: {  	[dreg:$0x3] =	wrdreg $0xB7800  }
0xb0: {  	[dreg:$0x4] =	wrdreg $0x9  }
0xb1: {  	_ =	task.clear_ibuf [dreg:s6], $0x5FFFF;
	_ =	strace $0x9000004C  }
0xb2: {  	s29 =	simm.s32 $0x9;
	_ =	strace $0x8000004E  }
0xb3: {  	_ =	swait.ge [sflag:s29], $0x1  }
0xb4: {  	[sflag:s29] =	ssyncadd.s32 $0xFFFFFFFF  }
0xb5: {  	_ =	strace $0x9000004E  }
0xb6: {  	_ =	sfence  }
0xb7: {  	s30 =	sld [smem:$0x0];
	_ =	sdelay $0x2  }
0xb8: {  	s31 =	sshll.u32 s1, $0xD;
	s1 =	sshrl.u32 s1, $0x2  }
0xb9: {  	s3 =	sand.u32 $0x4000, s31;
	s1 =	sadd.s32 s1, s30  }
0xba: {  	s0 =	sor.u32 s3, s0;
	s1 =	sshll.u32 s1, $0x11  }
0xbb: {  	s0 =	sor.u32 s1, s0  }
0xbc: {  	s0 =	sadd.s32 $0x8F2B, s0  }
0xbd: {  	[sflag:s0] =	ssyncadd.remote.s32 $0x1  }
0xbe: {  	_ =	sfence.sel $0xFFFF  }
0xbf: {  	[dreg:$0x0] =	wrdreg $0xFFFFFFFF;
	(pc) =	sbr.abs _section_cstart, $3  }
0xc0: {  	[dreg:$0x1] =	wrdreg $0xFFFFFFFF  }
0xc1: {  	_ =	task.clear_ibuf [dreg:s6], $0x2FFFF;
	_ =	strace $0x9FFFFFFF  }
0xc2: {  	(tm) =	ssettm $0x7FFFFFFF  }
0xc3: {  	_ =	shalt  }
tec
execute0_lowered:
.L_overlay_start_1:
0x0: {  	(tag) =	ssettag $0x1  }
0x1: {  	s1 =	srdreg.scid;
	s6 =	rddreg [dreg:$0x0]  }
0x2: {  	s0 =	stileid.u32;
	s2 =	rddreg [dreg:$0x1];
	s3 =	simm.s32 $0x0  }
0x3: {  	s13 =	simm.s32 $0x3;
	s14 =	simm.s32 $0x1;
	s15 =	simm.s32 $0x2  }
0x4: {  	s16 =	simm.s32 $0x50;
	s17 =	simm.s32 $0x6780;
	s18 =	simm.s32 $0x8F80  }
0x5: {  	s19 =	simm.s32 $0x6580;
	s20 =	simm.s32 $0x0;
	s5 =	sand.u32 $0x1, s1  }
0x6: {  	s28 =	sshll.u32 s0, $0x1;
	s1 =	rddreg [dreg:$0x2];
	s10 =	smul.u32 $0x14000, s0  }
0x7: {  	[smem:$0x7FF] =	sst s3;
	s4 =	sadd.s32 $0x1DE00, s6;
	s12 =	smul.u32 $0x50000, s0  }
0x8: {  	s31 =	sshll.u32 s0, $0x6;
	s7 =	sor.u32 s5, s28;
	s9 =	smul.u32 $0x140000, s5  }
0x9: {  	_ =	strace $0x8000004D;
	s29 =	ssub.s32 $0x2, s5;
	s5 =	sadd.s32 $0x45000, s6  }
0xa: {  	s8 =	smul.u32 $0x4E2, s7;
	s7 =	sshll.u32 s7, $0xB;
	s11 =	sshrl.u32 s29, $0x1  }
0xb: {  	s30 =	sshrl.u32 s12, $0x2;
	s7 =	sadd.s32 s7, s6;
	s9 =	sadd.s32 s10, s9  }
0xc: {  	s10 =	ssub.s32 s29, s11;
	s12 =	sadd.s32 s30, s2;
	s11 =	simm.s32 $0x2780  }
0xd: {  	s8 =	sadd.s32 s8, s6;
	s9 =	sshrl.u32 s9, $0x3;
	s7 =	sadd.s32 $0xDE00, s7  }
0xe: {  	s10 =	smax.u32 s10, $0x1;
	s12 =	sshrl.u32 s12, $0x3;
	s9 =	sadd.s32 s9, s6  }
0xf: {  	s6 =	sadd.s32 $0x4000, s8;
	s8 =	sor.u32 $0x1C03, s31;
	s9 =	sadd.s32 $0x47800, s9  }
.LBB2_1:
0x10: {  	[tilespmem:s3], [sflag:$0x1] =	stream.linear.gather [hbm4b:s6+s3], $0x2710, $0x38;
	[tilespmem:$0x1F780] =	vst v63  }
0x11: {  	_ = 	snop  }
0x12: {  	[tilespmem:s11], [sflag:$0x2] =	stream.linear.gather [hbm4b:s7+s3], $0x3E80, $0x38;
	[tilespmem:$0x1F780] =	vst v63  }
0x13: {  	[spmem:s12], [sflag:s8] =	dma.local [hbm:s5], $0x2800  }
0x14: {  	_ =	swait.ge [sflag:s13], $0x2800  }
0x15: {  	[sflag:s13] =	ssyncset.done $0x0  }
0x16: {  	[sflag:s13] =	ssyncadd.s32 $0xFFFFD800  }
0x17: {  	_ =	swait.ge [sflag:s14], $0x2710  }
0x18: {  	[sflag:s14] =	ssyncset.done $0x0  }
0x19: {  	[sflag:s14] =	ssyncadd.s32 $0xFFFFD8F0  }
0x1a: {  	_ =	swait.ge [sflag:s15], $0x3E80  }
0x1b: {  	[sflag:s15] =	ssyncset.done $0x0  }
0x1c: {  	[sflag:s15] =	ssyncadd.s32 $0xFFFFC180  }
0x1d: {  	[bflag:$0x0] =	sbarrier.arrive $0xFFFF  }
0x1e: {  	[tilespmem:s17], [sflag:$0x1] =	stream.indirect.gather [hbm4b:s4+s16], $0x80, s3, s16, $0xb8;
	[tilespmem:$0x1F780] =	vst v63  }
0x1f: {  	s21 =	simm.s32 $0x50  }
0x20: {  	[tilespmem:s18], [sflag:$0x2] =	stream.indirect.gather [hbm4b:s4+s16], $0x80, s21, s16, $0xb8;
	[tilespmem:$0x1F780] =	vst v63  }
0x21: {  	_ =	swait.ge [sflag:s14], $0x2800  }
0x22: {  	[sflag:s14] =	ssyncset.done $0x0  }
0x23: {  	s29 =	simm.s32 $0x2780;
	[sflag:s14] =	ssyncadd.s32 $0xFFFFD800  }
0x24: {  	[spmem:s2] =	stream.indirect.scatter.add.f32 [tilespmem:s17], [sflag:$0x3], $0x80, s29, s16, $0xb8;
	[tilespmem:$0x1F780] =	vst v63  }
0x25: {  	_ =	swait.ge [sflag:s13], $0x2800  }
0x26: {  	[sflag:s13] =	ssyncset.done $0x0  }
0x27: {  	s30 =	simm.s32 $0xA0;
	[sflag:s13] =	ssyncadd.s32 $0xFFFFD800  }
0x28: {  	[tilespmem:s17], [sflag:$0x1] =	stream.indirect.gather [hbm4b:s4+s16], $0x80, s30, s16, $0xb8;
	[tilespmem:$0x1F780] =	vst v63  }
0x29: {  	_ =	swait.ge [sflag:s15], $0x2800  }
0x2a: {  	[sflag:s15] =	ssyncset.done $0x0  }
0x2b: {  	s31 =	simm.s32 $0x2800;
	[sflag:s15] =	ssyncadd.s32 $0xFFFFD800  }
0x2c: {  	[spmem:s2] =	stream.indirect.scatter.add.f32 [tilespmem:s18], [sflag:$0x3], $0x80, s31, s16, $0xb8;
	[tilespmem:$0x1F780] =	vst v63  }
0x2d: {  	s22 =	simm.s32 $0x400;
	_ =	swait.ge [sflag:s13], $0x2800  }
0x2e: {  	s23 =	simm.s32 $0x800;
	s21 =	simm.s32 $0x140;
	[sflag:s13] =	ssyncset.done $0x0  }
.LBB2_2:
0x2f: {  	p0 =	sne.s32 s23, $0xF400;
	s24 =	sadd.s32 $0xFFFFFFB0, s21;
	[sflag:s13] =	ssyncadd.s32 $0xFFFFD800  }
0x30: {  	[tilespmem:s18], [sflag:$0x2] =	stream.indirect.gather [hbm4b:s4+s16], $0x80, s24, s16, $0xb8;
	[tilespmem:$0x1F780] =	vst v63  }
0x31: {  	s24 =	smov.u32 s23;
	s23 =	sadd.s32 $0x400, s23;
	_ =	swait.ge [sflag:s14], $0x2800  }
0x32: {  	s25 =	sshra.s32 s22, $0x2;
	s22 =	smov.u32 s24;
	[sflag:s14] =	ssyncset.done $0x0  }
0x33: {  	s24 =	sadd.s32 $0x2780, s25;
	[sflag:s14] =	ssyncadd.s32 $0xFFFFD800  }
0x34: {  	[spmem:s2] =	stream.indirect.scatter.add.f32 [tilespmem:s17], [sflag:$0x3], $0x80, s24, s16, $0xb8;
	[tilespmem:$0x1F780] =	vst v63  }
0x35: {  	_ =	swait.ge [sflag:s13], $0x2800  }
0x36: {  	[sflag:s13] =	ssyncset.done $0x0  }
0x37: {  	[sflag:s13] =	ssyncadd.s32 $0xFFFFD800  }
0x38: {  	[tilespmem:s17], [sflag:$0x1] =	stream.indirect.gather [hbm4b:s4+s16], $0x80, s21, s16, $0xb8;
	[tilespmem:$0x1F780] =	vst v63  }
0x39: {  	_ =	swait.ge [sflag:s15], $0x2800  }
.Ltmp0:
0x3a: {  	[sflag:s15] =	ssyncset.done $0x0;
	(pc) =	sbr.rel @p0 .LBB2_2-.Ltmp0, $4  }
0x3b: {  	s24 =	sadd.s32 $0x2800, s25;
	[sflag:s15] =	ssyncadd.s32 $0xFFFFD800  }
0x3c: {  	[spmem:s2] =	stream.indirect.scatter.add.f32 [tilespmem:s18], [sflag:$0x3], $0x80, s24, s16, $0xb8;
	[tilespmem:$0x1F780] =	vst v63  }
0x3d: {  	_ =	swait.ge [sflag:s13], $0x2800  }
0x3e: {  	s21 =	sadd.s32 $0xA0, s21;
	[sflag:s13] =	ssyncset.done $0x0  }
0x3f: {  	s23 =	sadd.s32 $0xFFFFFFB0, s21;
	[sflag:s13] =	ssyncadd.s32 $0xFFFFD800  }
0x40: {  	[tilespmem:s18], [sflag:$0x2] =	stream.indirect.gather [hbm4b:s4+s16], $0x80, s23, s16, $0xb8;
	[tilespmem:$0x1F780] =	vst v63  }
0x41: {  	_ =	swait.ge [sflag:s14], $0x2800  }
0x42: {  	s22 =	sshra.s32 s22, $0x2;
	[sflag:s14] =	ssyncset.done $0x0  }
0x43: {  	s30 =	sadd.s32 $0x2780, s22;
	[sflag:s14] =	ssyncadd.s32 $0xFFFFD800  }
0x44: {  	[spmem:s2] =	stream.indirect.scatter.add.f32 [tilespmem:s17], [sflag:$0x3], $0x80, s30, s16, $0xb8;
	[tilespmem:$0x1F780] =	vst v63  }
0x45: {  	_ =	swait.ge [sflag:s13], $0x2800  }
0x46: {  	[sflag:s13] =	ssyncset.done $0x0  }
0x47: {  	[sflag:s13] =	ssyncadd.s32 $0xFFFFD800  }
0x48: {  	[tilespmem:s17], [sflag:$0x1] =	stream.indirect.gather [hbm4b:s4+s16], $0x80, s21, s16, $0xb8;
	[tilespmem:$0x1F780] =	vst v63  }
0x49: {  	_ =	swait.ge [sflag:s15], $0x2800  }
0x4a: {  	[sflag:s15] =	ssyncset.done $0x0  }
0x4b: {  	s31 =	sadd.s32 $0x2800, s22;
	[sflag:s15] =	ssyncadd.s32 $0xFFFFD800  }
0x4c: {  	[spmem:s2] =	stream.indirect.scatter.add.f32 [tilespmem:s18], [sflag:$0x3], $0x80, s31, s16, $0xb8;
	[tilespmem:$0x1F780] =	vst v63  }
0x4d: {  	_ =	swait.ge [sflag:s13], $0x2800  }
0x4e: {  	[sflag:s13] =	ssyncset.done $0x0  }
0x4f: {  	[sflag:s13] =	ssyncadd.s32 $0xFFFFD800  }
0x50: {  	_ =	swait.ge [sflag:s14], $0x2800  }
0x51: {  	[sflag:s14] =	ssyncset.done $0x0  }
0x52: {  	[sflag:s14] =	ssyncadd.s32 $0xFFFFD800  }
0x53: {  	[spmem:s2] =	stream.indirect.scatter.add.f32 [tilespmem:s17], [sflag:$0x3], $0x80, s19, s16, $0xb8;
	[tilespmem:$0x1F780] =	vst v63  }
0x54: {  	_ =	swait.ge [sflag:s13], $0x2800  }
0x55: {  	s20 =	sadd.s32 $0x1, s20;
	[sflag:s13] =	ssyncset.done $0x0  }
0x56: {  	p0 =	sne.s32 s20, s10;
	[sflag:s13] =	ssyncadd.s32 $0xFFFFD800  }
.Ltmp1:
0x57: {  	[bflag:$0x0] =	sbarrier.arrive $0xFFFF;
	(pc) =	sbr.rel @p0 .LBB2_1-.Ltmp1, $4  }
0x58: {  	[hbm:s9], [sflag:s8] =	dma.local [spmem:s12], $0x2800  }
0x59: {  	_ =	swait.ge [sflag:s13], $0x2800  }
0x5a: {  	[sflag:s13] =	ssyncset.done $0x0  }
0x5b: {  	[sflag:s13] =	ssyncadd.s32 $0xFFFFD800  }
0x5c: {  	_ =	sfence.sel $0x180000  }
0x5d: {  	[bflag:$0x0] =	sbarrier.arrive $0xFFFF  }
0x5e: {  	p0 =	sne.s32 s0, $0x0;
	_ =	strace $0x9000004D  }
0x5f: {  	s0 =	sadd.s32 @!p0 $0x100000, s1;
	[bflag:$0x2] =	sbarrier.arrive $0xFFFF  }
0x60: {  	[sflag:s0] =	ssyncadd.tile.s32 @!p0 $0x1;
	_ =	shalt  }
.Lfunc_end2:
_tile_overlayer_lowered:
.L_overlay_start_2:
0x61: {  	(tag) =	ssettag $0x2  }
0x62: {  	s0 =	rddreg [dreg:$0x0];
	s2 =	stileid.u32  }
0x63: {  	s1 =	rddreg [dreg:$0x1];
	p0 =	sne.s32 s2, $0x0  }
0x64: {  	s3 =	rddreg [dreg:$0x2];
	[bflag:$0x3] =	sbarrier.arrive $0xFFFF;
	s2 =	simm.s32 @!p0 $0x1C03  }
0x65: {  	[timem:s3], [sflag:s2] =	dma.local @!p0 [hbm:s0], s1  }
0x66: {  	s0 =	simm.s32 @!p0 $0x3  }
0x67: {  	_ =	swait.ge @!p0 [sflag:s0], s1  }
0x68: {  	s1 =	ssub.s32 @!p0 $0x0, s1;
	[sflag:s0] =	ssyncset.done @!p0 $0x0  }
0x69: {  	[sflag:s0] =	ssyncadd.s32 @!p0 s1  }
0x6a: {  	[bflag:$0x3] =	sbarrier.arrive $0xFFFF  }
0x6b: {  	_ =	shalt  }

// kernel: kernel.21.cloned.1.call-start
scs
__scs_entry_jumppad:
0x0: {  	(pc) =	sbr.rel $0x88, $3  }
0x1: {  	(tag) =	ssettag $0x0;
	lr =	simm.s32 $0x1  }
0x2: {  	[smem:$0x3F92] =	sst lr;
	_ =	strace $0xD0000000  }
0x3: {  	_ = 	snop  }
0x4: {  	_ = 	snop  }
0x5: {  	_ = 	snop  }
0x6: {  	_ = 	snop  }
0x7: {  	_ = 	snop  }
__scs_overlays_trampoline_lowered:
0x8: {  	[smem:$0x3FA1] =	sst s0  }
0x9: {  	[smem:$0x3FA2] =	sst s1  }
0xa: {  	[smem:$0x3FA3] =	sst s2  }
0xb: {  	[smem:$0x3FA4] =	sst s3  }
0xc: {  	[smem:$0x3FA5] =	sst s4  }
0xd: {  	[smem:$0x3FA6] =	sst s5  }
0xe: {  	[smem:$0x3FA7] =	sst s6  }
0xf: {  	[smem:$0x3FA8] =	sst s7  }
0x10: {  	[smem:$0x3FA9] =	sst s8  }
0x11: {  	[smem:$0x3FAA] =	sst s9;
	s0 =	simm.s32 @!p0 $0x0  }
0x12: {  	s1 =	sld [smem:$0x3F90];
	s0 =	simm.s32 @p0 $0x1  }
0x13: {  	[smem:$0x3FAB] =	sst s0;
	s0 =	simm.s32 @!p1 $0x0  }
0x14: {  	s2 =	sld [smem:$0x3F8F];
	s0 =	simm.s32 @p1 $0x1  }
0x15: {  	[smem:$0x3FAC] =	sst s0;
	s0 =	simm.s32 @!p2 $0x0  }
0x16: {  	s3 =	sld [smem:$0x3FDB];
	s0 =	simm.s32 @p2 $0x1  }
0x17: {  	s4 =	simm.s32 $0x1BF5;
	[smem:$0x3FAE] =	sst s0  }
0x18: {  	s0 =	sld [smem:$0x3F91];
	_ =	swait.ge [sflag:s4], $0x0  }
0x19: {  	s7 =	sld [smem:$0x3F92]  }
0x1a: {  	s8 =	sadd.s32 $0xFFFFE003, lr  }
0x1b: {  	s9 =	sadd.s32 $0xFFFFFEF7, lr;
	s5 =	simm.s32 $0xFFFFFFFF;
	p2 =	slt.u32 s8, $0xFFFFF086  }
0x1c: {  	p1 =	slt.u32 s9, $0xF7A;
	s5 =	simm.s32 @!p2 $0x0  }
0x1d: {  	s5 =	simm.s32 @p1 $0x1;
	p0 =	seq.s32 s7, s2  }
0x1e: {  	s7 =	smul.u32 @!p0 $0xF7A, s2;
	p2 =	seq.s32 @!p0 s5, $0x0  }
0x1f: {  	s9 =	smul.u32 $0xF7A, s1;
	s8 =	simm.s32 @!p0 $0x1BF5;
	p2 =	por !p2, p0  }
0x20: {  	[sflag:s8] =	ssyncset.s32 @!p0 $0xFFFFF086;
	s6 =	sadd.s32 @!p0 s3, s7;
	s7 =	simm.s32 @!p0 $0x108  }
0x21: {  	s3 =	sadd.s32 s3, s9;
	s6 =	sadd.s32 @!p0 $0x88, s6;
	s7 =	simm.s32 @p2 $0x1082  }
0x22: {  	[simem:s7], [sflag:s8] =	dma.local @!p0 [hbm:s6], $0xF7A  }
0x23: {  	s9 =	sor.u32 $0xD0000000, s2;
	s6 =	simm.s32 $0x108;
	_ =	swait.ge @!p0 [sflag:s8], $0x0  }
0x24: {  	s3 =	sadd.s32 $0x88, s3;
	s6 =	simm.s32 @!p1 $0x1082;
	[sflag:s4] =	ssyncset.s32 $0xFFFFF086  }
0x25: {  	[simem:s6], [sflag:s4] =	dma.local [hbm:s3], $0xF7A  }
0x26: {  	[smem:$0x3F92] =	sst s1;
	(tag) =	ssettag s2;
	_ =	strace s9  }
0x27: {  	s1 =	sld [smem:$0x3FA2]  }
0x28: {  	s2 =	sld [smem:$0x3FA3]  }
0x29: {  	s4 =	sld [smem:$0x3FA5]  }
0x2a: {  	p0 =	seq.s32 s5, $0x0;
	s5 =	sld [smem:$0x3FA6]  }
0x2b: {  	s6 =	sld [smem:$0x3FA7]  }
0x2c: {  	s7 =	sld [smem:$0x3FA8]  }
0x2d: {  	s3 =	simm.s32 $0x108;
	s8 =	sld [smem:$0x3FA9]  }
0x2e: {  	s3 =	simm.s32 @!p0 $0x1082;
	s9 =	sld [smem:$0x3FAA]  }
0x2f: {  	lr =	sadd.s32 s0, s3;
	s0 =	sld [smem:$0x3FA1]  }
0x30: {  	s3 =	sld [smem:$0x3FA4]  }
0x31: {  	[smem:$0x3FAD] =	sst s10  }
0x32: {  	s10 =	sld [smem:$0x3FAB];
	_ =	sdelay $0x3  }
0x33: {  	p0 =	seq.s32 s10, $0x1;
	s10 =	sld [smem:$0x3FAD];
	_ =	sdelay $0x3  }
0x34: {  	[smem:$0x3FAD] =	sst s10  }
0x35: {  	s10 =	sld [smem:$0x3FAC];
	_ =	sdelay $0x3  }
0x36: {  	p1 =	seq.s32 s10, $0x1;
	s10 =	sld [smem:$0x3FAD];
	_ =	sdelay $0x3  }
0x37: {  	[smem:$0x3FAD] =	sst s10  }
0x38: {  	s10 =	sld [smem:$0x3FAE]  }
0x39: {  	_ = 	snop;
	(pc) =	sbr.ind lr, $3  }
0x3a: {  	_ = 	snop  }
0x3b: {  	_ = 	snop  }
0x3c: {  	p2 =	seq.s32 s10, $0x1;
	s10 =	sld [smem:$0x3FAD]  }
0x3d: {  	_ =	shalt  }
0x3e: {  	_ =	shalt  }
0x3f: {  	_ =	shalt  }
0x40: {  	_ =	shalt  }
0x41: {  	_ =	shalt  }
0x42: {  	_ =	shalt  }
0x43: {  	_ =	shalt  }
0x44: {  	_ =	shalt  }
0x45: {  	_ =	shalt  }
0x46: {  	_ =	shalt  }
0x47: {  	_ =	shalt  }
0x48: {  	_ =	shalt  }
0x49: {  	_ =	shalt  }
0x4a: {  	_ =	shalt  }
0x4b: {  	_ =	shalt  }
0x4c: {  	_ =	shalt  }
0x4d: {  	_ =	shalt  }
0x4e: {  	_ =	shalt  }
0x4f: {  	_ =	shalt  }
0x50: {  	_ =	shalt  }
0x51: {  	_ =	shalt  }
0x52: {  	_ =	shalt  }
0x53: {  	_ =	shalt  }
0x54: {  	_ =	shalt  }
0x55: {  	_ =	shalt  }
0x56: {  	_ =	shalt  }
0x57: {  	_ =	shalt  }
0x58: {  	_ =	shalt  }
0x59: {  	_ =	shalt  }
0x5a: {  	_ =	shalt  }
0x5b: {  	_ =	shalt  }
0x5c: {  	_ =	shalt  }
0x5d: {  	_ =	shalt  }
0x5e: {  	_ =	shalt  }
0x5f: {  	_ =	shalt  }
0x60: {  	_ =	shalt  }
0x61: {  	_ =	shalt  }
0x62: {  	_ =	shalt  }
0x63: {  	_ =	shalt  }
0x64: {  	_ =	shalt  }
0x65: {  	_ =	shalt  }
0x66: {  	_ =	shalt  }
0x67: {  	_ =	shalt  }
0x68: {  	_ =	shalt  }
0x69: {  	_ =	shalt  }
0x6a: {  	_ =	shalt  }
0x6b: {  	_ =	shalt  }
0x6c: {  	_ =	shalt  }
0x6d: {  	_ =	shalt  }
0x6e: {  	_ =	shalt  }
0x6f: {  	_ =	shalt  }
0x70: {  	_ =	shalt  }
0x71: {  	_ =	shalt  }
0x72: {  	_ =	shalt  }
0x73: {  	_ =	shalt  }
0x74: {  	_ =	shalt  }
0x75: {  	_ =	shalt  }
0x76: {  	_ =	shalt  }
0x77: {  	_ =	shalt  }
0x78: {  	_ =	shalt  }
0x79: {  	_ =	shalt  }
0x7a: {  	_ =	shalt  }
0x7b: {  	_ =	shalt  }
0x7c: {  	_ =	shalt  }
0x7d: {  	_ =	shalt  }
0x7e: {  	_ =	shalt  }
0x7f: {  	_ =	shalt  }
0x80: {  	_ =	shalt  }
0x81: {  	_ =	shalt  }
0x82: {  	_ =	shalt  }
0x83: {  	_ =	shalt  }
0x84: {  	_ =	shalt  }
0x85: {  	_ =	shalt  }
0x86: {  	_ =	shalt  }
0x87: {  	_ =	shalt  }
.Lfunc_end0:
.L_simem_size_0:
called_computation.3_lowered:
.L_overlay_start_0:
0x88: {  	s2 =	sld [smem:$0x3FD9]  }
0x89: {  	s3 =	sld [smem:$0x3FFE];
	_ =	sdelay $0x1  }
0x8a: {  	s1 =	srdreg.scid  }
0x8b: {  	s0 =	sand.u32 $0x1, s1  }
0x8c: {  	s16 =	sshll.u32 s0, $0xA;
	s2 =	sadd.s32 s3, s2  }
0x8d: {  	s2 =	sadd.s32 s2, s16  }
0x8e: {  	[smem:$0x3FB9] =	sst s2  }
0x8f: {  	_ = 	snop  }
0x90: {  	(tm) =	ssettm $0x1  }
0x91: {  	s17 =	sld [smem:$0x3FFB];
	_ =	sdelay $0x3  }
0x92: {  	_ =	strace s17  }
0x93: {  	s2 =	sld [smem:$0x3FFC];
	_ =	sdelay $0x3  }
0x94: {  	_ =	strace s2  }
0x95: {  	s2 =	sld [smem:$0x3FFD];
	_ =	sdelay $0x3  }
0x96: {  	_ =	strace s2  }
0x97: {  	_ =	strace $0x8FFFFFFF  }
0x98: {  	s18 =	sld [smem:$0x3FDB];
	_ =	sdelay $0x1  }
0x99: {  	s19 =	simm.s32 $_scs_section_size  }
0x9a: {  	s4 =	simm.s32 $_size__tile_overlayer_lowered;
	s5 =	simm.s32 $_tile_overlayer_lowered  }
0x9b: {  	s22 =	simm.s32 $0x1BFF;
	s21 =	sshll.u32 s5, $0x1;
	s2 =	sadd.s32 s19, s18  }
0x9c: {  	s6 =	simm.s32 $0x0;
	s20 =	sshll.u32 s4, $0x1;
	s4 =	sadd.s32 s21, s2  }
0x9d: {  	[timem:s6], [sflag:s22] =	dma.local [hbm:s4], s20  }
0x9e: {  	_ =	swait.ge [sflag:s22], s20  }
0x9f: {  	s3 =	ssub.s32 $0x0, s20;
	[sflag:s22] =	ssyncset.done $0x0  }
0xa0: {  	[sflag:s22] =	ssyncadd.s32 s3;
	_ =	sdelay $0x1  }
0xa1: {  	s23 =	simm.s32 $0x1B8B  }
0xa2: {  	_ =	swait.ge [sflag:s23], $0x1  }
0xa3: {  	[sflag:s23] =	ssyncset.done $0x0  }
0xa4: {  	s25 =	simm.s32 $0x1B8E;
	s24 =	sld [smem:$0x3FFE];
	[sflag:s23] =	ssyncadd.s32 $0xFFFFFFFF  }
0xa5: {  	s26 =	simm.s32 $execute0_lowered;
	[smem:$0x3FD2] =	sst s25  }
0xa6: {  	s4 =	sshll.u32 s26, $0x1;
	_ =	strace $0x8000004F;
	[dreg:$0x1] =	wrdreg $0xFFFFFFFF  }
0xa7: {  	s28 =	simm.s32 $_size_execute0_lowered;
	s2 =	sadd.s32 s2, s4;
	[dreg:$0x0] =	wrdreg $0x0  }
0xa8: {  	s4 =	sshll.u32 s28, $0x1;
	[dreg:$0x2] =	wrdreg s2  }
0xa9: {  	[dreg:$0x3] =	wrdreg s4  }
0xaa: {  	[dreg:$0x4] =	wrdreg $0xC0  }
0xab: {  	_ =	task [dreg:s6], $0x5FFFF  }
0xac: {  	[dreg:$0x1] =	wrdreg $0xFFFFFFFF  }
0xad: {  	[dreg:$0x0] =	wrdreg $0x60  }
0xae: {  	[dreg:$0x2] =	wrdreg s24  }
0xaf: {  	[dreg:$0x3] =	wrdreg $0xB7800  }
0xb0: {  	[dreg:$0x4] =	wrdreg $0x9  }
0xb1: {  	_ =	task.clear_ibuf [dreg:s6], $0x5FFFF;
	_ =	strace $0x9000004F  }
0xb2: {  	s29 =	simm.s32 $0x9;
	_ =	strace $0x80000051  }
0xb3: {  	_ =	swait.ge [sflag:s29], $0x1  }
0xb4: {  	[sflag:s29] =	ssyncadd.s32 $0xFFFFFFFF  }
0xb5: {  	_ =	strace $0x90000051  }
0xb6: {  	_ =	sfence  }
0xb7: {  	s30 =	sld [smem:$0x0];
	_ =	sdelay $0x2  }
0xb8: {  	s31 =	sshll.u32 s1, $0xD;
	s1 =	sshrl.u32 s1, $0x2  }
0xb9: {  	s3 =	sand.u32 $0x4000, s31;
	s1 =	sadd.s32 s1, s30  }
0xba: {  	s0 =	sor.u32 s3, s0;
	s1 =	sshll.u32 s1, $0x11  }
0xbb: {  	s0 =	sor.u32 s1, s0  }
0xbc: {  	s0 =	sadd.s32 $0x8F2B, s0  }
0xbd: {  	[sflag:s0] =	ssyncadd.remote.s32 $0x1  }
0xbe: {  	_ =	sfence.sel $0xFFFF  }
0xbf: {  	[dreg:$0x0] =	wrdreg $0xFFFFFFFF;
	(pc) =	sbr.abs _section_cstart, $3  }
0xc0: {  	[dreg:$0x1] =	wrdreg $0xFFFFFFFF  }
0xc1: {  	_ =	task.clear_ibuf [dreg:s6], $0x2FFFF;
	_ =	strace $0x9FFFFFFF  }
0xc2: {  	(tm) =	ssettm $0x7FFFFFFF  }
0xc3: {  	_ =	shalt  }
tec
execute0_lowered:
.L_overlay_start_1:
0x0: {  	(tag) =	ssettag $0x1  }
0x1: {  	s1 =	srdreg.scid;
	s6 =	rddreg [dreg:$0x0]  }
0x2: {  	s0 =	stileid.u32;
	s2 =	rddreg [dreg:$0x1];
	s3 =	simm.s32 $0x0  }
0x3: {  	s13 =	simm.s32 $0x3;
	s14 =	simm.s32 $0x1;
	s15 =	simm.s32 $0x2  }
0x4: {  	s16 =	simm.s32 $0x50;
	s17 =	simm.s32 $0x6780;
	s18 =	simm.s32 $0x8F80  }
0x5: {  	s19 =	simm.s32 $0x6580;
	s20 =	simm.s32 $0x0;
	s5 =	sand.u32 $0x1, s1  }
0x6: {  	s28 =	sshll.u32 s0, $0x1;
	s1 =	rddreg [dreg:$0x2];
	s10 =	smul.u32 $0x14000, s0  }
0x7: {  	[smem:$0x7FF] =	sst s3;
	s4 =	sadd.s32 $0x1DE00, s6;
	s12 =	smul.u32 $0x50000, s0  }
0x8: {  	s31 =	sshll.u32 s0, $0x6;
	s7 =	sor.u32 s5, s28;
	s9 =	smul.u32 $0x140000, s5  }
0x9: {  	_ =	strace $0x80000050;
	s29 =	ssub.s32 $0x2, s5;
	s5 =	sadd.s32 $0x45000, s6  }
0xa: {  	s8 =	smul.u32 $0x4E2, s7;
	s7 =	sshll.u32 s7, $0xB;
	s11 =	sshrl.u32 s29, $0x1  }
0xb: {  	s30 =	sshrl.u32 s12, $0x2;
	s7 =	sadd.s32 s7, s6;
	s9 =	sadd.s32 s10, s9  }
0xc: {  	s10 =	ssub.s32 s29, s11;
	s12 =	sadd.s32 s30, s2;
	s11 =	simm.s32 $0x2780  }
0xd: {  	s8 =	sadd.s32 s8, s6;
	s9 =	sshrl.u32 s9, $0x3;
	s7 =	sadd.s32 $0xDE00, s7  }
0xe: {  	s10 =	smax.u32 s10, $0x1;
	s12 =	sshrl.u32 s12, $0x3;
	s9 =	sadd.s32 s9, s6  }
0xf: {  	s6 =	sadd.s32 $0x4000, s8;
	s8 =	sor.u32 $0x1C03, s31;
	s9 =	sadd.s32 $0x47800, s9  }
.LBB2_1:
0x10: {  	[tilespmem:s3], [sflag:$0x1] =	stream.linear.gather [hbm4b:s6+s3], $0x2710, $0x38;
	[tilespmem:$0x1F780] =	vst v63  }
0x11: {  	_ = 	snop  }
0x12: {  	[tilespmem:s11], [sflag:$0x2] =	stream.linear.gather [hbm4b:s7+s3], $0x3E80, $0x38;
	[tilespmem:$0x1F780] =	vst v63  }
0x13: {  	[spmem:s12], [sflag:s8] =	dma.local [hbm:s5], $0x2800  }
0x14: {  	_ =	swait.ge [sflag:s13], $0x2800  }
0x15: {  	[sflag:s13] =	ssyncset.done $0x0  }
0x16: {  	[sflag:s13] =	ssyncadd.s32 $0xFFFFD800  }
0x17: {  	_ =	swait.ge [sflag:s14], $0x2710  }
0x18: {  	[sflag:s14] =	ssyncset.done $0x0  }
0x19: {  	[sflag:s14] =	ssyncadd.s32 $0xFFFFD8F0  }
0x1a: {  	_ =	swait.ge [sflag:s15], $0x3E80  }
0x1b: {  	[sflag:s15] =	ssyncset.done $0x0  }
0x1c: {  	[sflag:s15] =	ssyncadd.s32 $0xFFFFC180  }
0x1d: {  	[bflag:$0x0] =	sbarrier.arrive $0xFFFF  }
0x1e: {  	[tilespmem:s17], [sflag:$0x1] =	stream.indirect.gather [hbm4b:s4+s16], $0x80, s3, s16, $0xb8;
	[tilespmem:$0x1F780] =	vst v63  }
0x1f: {  	s21 =	simm.s32 $0x50  }
0x20: {  	[tilespmem:s18], [sflag:$0x2] =	stream.indirect.gather [hbm4b:s4+s16], $0x80, s21, s16, $0xb8;
	[tilespmem:$0x1F780] =	vst v63  }
0x21: {  	_ =	swait.ge [sflag:s14], $0x2800  }
0x22: {  	[sflag:s14] =	ssyncset.done $0x0  }
0x23: {  	s29 =	simm.s32 $0x2780;
	[sflag:s14] =	ssyncadd.s32 $0xFFFFD800  }
0x24: {  	[spmem:s2] =	stream.indirect.scatter.add.f32 [tilespmem:s17], [sflag:$0x3], $0x80, s29, s16, $0xb8;
	[tilespmem:$0x1F780] =	vst v63  }
0x25: {  	_ =	swait.ge [sflag:s13], $0x2800  }
0x26: {  	[sflag:s13] =	ssyncset.done $0x0  }
0x27: {  	s30 =	simm.s32 $0xA0;
	[sflag:s13] =	ssyncadd.s32 $0xFFFFD800  }
0x28: {  	[tilespmem:s17], [sflag:$0x1] =	stream.indirect.gather [hbm4b:s4+s16], $0x80, s30, s16, $0xb8;
	[tilespmem:$0x1F780] =	vst v63  }
0x29: {  	_ =	swait.ge [sflag:s15], $0x2800  }
0x2a: {  	[sflag:s15] =	ssyncset.done $0x0  }
0x2b: {  	s31 =	simm.s32 $0x2800;
	[sflag:s15] =	ssyncadd.s32 $0xFFFFD800  }
0x2c: {  	[spmem:s2] =	stream.indirect.scatter.add.f32 [tilespmem:s18], [sflag:$0x3], $0x80, s31, s16, $0xb8;
	[tilespmem:$0x1F780] =	vst v63  }
0x2d: {  	s22 =	simm.s32 $0x400;
	_ =	swait.ge [sflag:s13], $0x2800  }
0x2e: {  	s23 =	simm.s32 $0x800;
	s21 =	simm.s32 $0x140;
	[sflag:s13] =	ssyncset.done $0x0  }
.LBB2_2:
0x2f: {  	p0 =	sne.s32 s23, $0xF400;
	s24 =	sadd.s32 $0xFFFFFFB0, s21;
	[sflag:s13] =	ssyncadd.s32 $0xFFFFD800  }
0x30: {  	[tilespmem:s18], [sflag:$0x2] =	stream.indirect.gather [hbm4b:s4+s16], $0x80, s24, s16, $0xb8;
	[tilespmem:$0x1F780] =	vst v63  }
0x31: {  	s24 =	smov.u32 s23;
	s23 =	sadd.s32 $0x400, s23;
	_ =	swait.ge [sflag:s14], $0x2800  }
0x32: {  	s25 =	sshra.s32 s22, $0x2;
	s22 =	smov.u32 s24;
	[sflag:s14] =	ssyncset.done $0x0  }
0x33: {  	s24 =	sadd.s32 $0x2780, s25;
	[sflag:s14] =	ssyncadd.s32 $0xFFFFD800  }
0x34: {  	[spmem:s2] =	stream.indirect.scatter.add.f32 [tilespmem:s17], [sflag:$0x3], $0x80, s24, s16, $0xb8;
	[tilespmem:$0x1F780] =	vst v63  }
0x35: {  	_ =	swait.ge [sflag:s13], $0x2800  }
0x36: {  	[sflag:s13] =	ssyncset.done $0x0  }
0x37: {  	[sflag:s13] =	ssyncadd.s32 $0xFFFFD800  }
0x38: {  	[tilespmem:s17], [sflag:$0x1] =	stream.indirect.gather [hbm4b:s4+s16], $0x80, s21, s16, $0xb8;
	[tilespmem:$0x1F780] =	vst v63  }
0x39: {  	_ =	swait.ge [sflag:s15], $0x2800  }
.Ltmp0:
0x3a: {  	[sflag:s15] =	ssyncset.done $0x0;
	(pc) =	sbr.rel @p0 .LBB2_2-.Ltmp0, $4  }
0x3b: {  	s24 =	sadd.s32 $0x2800, s25;
	[sflag:s15] =	ssyncadd.s32 $0xFFFFD800  }
0x3c: {  	[spmem:s2] =	stream.indirect.scatter.add.f32 [tilespmem:s18], [sflag:$0x3], $0x80, s24, s16, $0xb8;
	[tilespmem:$0x1F780] =	vst v63  }
0x3d: {  	_ =	swait.ge [sflag:s13], $0x2800  }
0x3e: {  	s21 =	sadd.s32 $0xA0, s21;
	[sflag:s13] =	ssyncset.done $0x0  }
0x3f: {  	s23 =	sadd.s32 $0xFFFFFFB0, s21;
	[sflag:s13] =	ssyncadd.s32 $0xFFFFD800  }
0x40: {  	[tilespmem:s18], [sflag:$0x2] =	stream.indirect.gather [hbm4b:s4+s16], $0x80, s23, s16, $0xb8;
	[tilespmem:$0x1F780] =	vst v63  }
0x41: {  	_ =	swait.ge [sflag:s14], $0x2800  }
0x42: {  	s22 =	sshra.s32 s22, $0x2;
	[sflag:s14] =	ssyncset.done $0x0  }
0x43: {  	s30 =	sadd.s32 $0x2780, s22;
	[sflag:s14] =	ssyncadd.s32 $0xFFFFD800  }
0x44: {  	[spmem:s2] =	stream.indirect.scatter.add.f32 [tilespmem:s17], [sflag:$0x3], $0x80, s30, s16, $0xb8;
	[tilespmem:$0x1F780] =	vst v63  }
0x45: {  	_ =	swait.ge [sflag:s13], $0x2800  }
0x46: {  	[sflag:s13] =	ssyncset.done $0x0  }
0x47: {  	[sflag:s13] =	ssyncadd.s32 $0xFFFFD800  }
0x48: {  	[tilespmem:s17], [sflag:$0x1] =	stream.indirect.gather [hbm4b:s4+s16], $0x80, s21, s16, $0xb8;
	[tilespmem:$0x1F780] =	vst v63  }
0x49: {  	_ =	swait.ge [sflag:s15], $0x2800  }
0x4a: {  	[sflag:s15] =	ssyncset.done $0x0  }
0x4b: {  	s31 =	sadd.s32 $0x2800, s22;
	[sflag:s15] =	ssyncadd.s32 $0xFFFFD800  }
0x4c: {  	[spmem:s2] =	stream.indirect.scatter.add.f32 [tilespmem:s18], [sflag:$0x3], $0x80, s31, s16, $0xb8;
	[tilespmem:$0x1F780] =	vst v63  }
0x4d: {  	_ =	swait.ge [sflag:s13], $0x2800  }
0x4e: {  	[sflag:s13] =	ssyncset.done $0x0  }
0x4f: {  	[sflag:s13] =	ssyncadd.s32 $0xFFFFD800  }
0x50: {  	_ =	swait.ge [sflag:s14], $0x2800  }
0x51: {  	[sflag:s14] =	ssyncset.done $0x0  }
0x52: {  	[sflag:s14] =	ssyncadd.s32 $0xFFFFD800  }
0x53: {  	[spmem:s2] =	stream.indirect.scatter.add.f32 [tilespmem:s17], [sflag:$0x3], $0x80, s19, s16, $0xb8;
	[tilespmem:$0x1F780] =	vst v63  }
0x54: {  	_ =	swait.ge [sflag:s13], $0x2800  }
0x55: {  	s20 =	sadd.s32 $0x1, s20;
	[sflag:s13] =	ssyncset.done $0x0  }
0x56: {  	p0 =	sne.s32 s20, s10;
	[sflag:s13] =	ssyncadd.s32 $0xFFFFD800  }
.Ltmp1:
0x57: {  	[bflag:$0x0] =	sbarrier.arrive $0xFFFF;
	(pc) =	sbr.rel @p0 .LBB2_1-.Ltmp1, $4  }
0x58: {  	[hbm:s9], [sflag:s8] =	dma.local [spmem:s12], $0x2800  }
0x59: {  	_ =	swait.ge [sflag:s13], $0x2800  }
0x5a: {  	[sflag:s13] =	ssyncset.done $0x0  }
0x5b: {  	[sflag:s13] =	ssyncadd.s32 $0xFFFFD800  }
0x5c: {  	_ =	sfence.sel $0x180000  }
0x5d: {  	[bflag:$0x0] =	sbarrier.arrive $0xFFFF  }
0x5e: {  	p0 =	sne.s32 s0, $0x0;
	_ =	strace $0x90000050  }
0x5f: {  	s0 =	sadd.s32 @!p0 $0x100000, s1;
	[bflag:$0x2] =	sbarrier.arrive $0xFFFF  }
0x60: {  	[sflag:s0] =	ssyncadd.tile.s32 @!p0 $0x1;
	_ =	shalt  }
.Lfunc_end2:
_tile_overlayer_lowered:
.L_overlay_start_2:
0x61: {  	(tag) =	ssettag $0x2  }
0x62: {  	s0 =	rddreg [dreg:$0x0];
	s2 =	stileid.u32  }
0x63: {  	s1 =	rddreg [dreg:$0x1];
	p0 =	sne.s32 s2, $0x0  }
0x64: {  	s3 =	rddreg [dreg:$0x2];
	[bflag:$0x3] =	sbarrier.arrive $0xFFFF;
	s2 =	simm.s32 @!p0 $0x1C03  }
0x65: {  	[timem:s3], [sflag:s2] =	dma.local @!p0 [hbm:s0], s1  }
0x66: {  	s0 =	simm.s32 @!p0 $0x3  }
0x67: {  	_ =	swait.ge @!p0 [sflag:s0], s1  }
0x68: {  	s1 =	ssub.s32 @!p0 $0x0, s1;
	[sflag:s0] =	ssyncset.done @!p0 $0x0  }
0x69: {  	[sflag:s0] =	ssyncadd.s32 @!p0 s1  }
0x6a: {  	[bflag:$0x3] =	sbarrier.arrive $0xFFFF  }
0x6b: {  	_ =	shalt  }

// kernel: kernel.24.cloned.1.call-start
scs
__scs_entry_jumppad:
0x0: {  	(pc) =	sbr.rel $0x88, $3  }
0x1: {  	(tag) =	ssettag $0x0;
	lr =	simm.s32 $0x1  }
0x2: {  	[smem:$0x3F92] =	sst lr;
	_ =	strace $0xD0000000  }
0x3: {  	_ = 	snop  }
0x4: {  	_ = 	snop  }
0x5: {  	_ = 	snop  }
0x6: {  	_ = 	snop  }
0x7: {  	_ = 	snop  }
__scs_overlays_trampoline_lowered:
0x8: {  	[smem:$0x3FA1] =	sst s0  }
0x9: {  	[smem:$0x3FA2] =	sst s1  }
0xa: {  	[smem:$0x3FA3] =	sst s2  }
0xb: {  	[smem:$0x3FA4] =	sst s3  }
0xc: {  	[smem:$0x3FA5] =	sst s4  }
0xd: {  	[smem:$0x3FA6] =	sst s5  }
0xe: {  	[smem:$0x3FA7] =	sst s6  }
0xf: {  	[smem:$0x3FA8] =	sst s7  }
0x10: {  	[smem:$0x3FA9] =	sst s8  }
0x11: {  	[smem:$0x3FAA] =	sst s9;
	s0 =	simm.s32 @!p0 $0x0  }
0x12: {  	s1 =	sld [smem:$0x3F90];
	s0 =	simm.s32 @p0 $0x1  }
0x13: {  	[smem:$0x3FAB] =	sst s0;
	s0 =	simm.s32 @!p1 $0x0  }
0x14: {  	s2 =	sld [smem:$0x3F8F];
	s0 =	simm.s32 @p1 $0x1  }
0x15: {  	[smem:$0x3FAC] =	sst s0;
	s0 =	simm.s32 @!p2 $0x0  }
0x16: {  	s3 =	sld [smem:$0x3FDB];
	s0 =	simm.s32 @p2 $0x1  }
0x17: {  	s4 =	simm.s32 $0x1BF5;
	[smem:$0x3FAE] =	sst s0  }
0x18: {  	s0 =	sld [smem:$0x3F91];
	_ =	swait.ge [sflag:s4], $0x0  }
0x19: {  	s7 =	sld [smem:$0x3F92]  }
0x1a: {  	s8 =	sadd.s32 $0xFFFFE003, lr  }
0x1b: {  	s9 =	sadd.s32 $0xFFFFFEF7, lr;
	s5 =	simm.s32 $0xFFFFFFFF;
	p2 =	slt.u32 s8, $0xFFFFF086  }
0x1c: {  	p1 =	slt.u32 s9, $0xF7A;
	s5 =	simm.s32 @!p2 $0x0  }
0x1d: {  	s5 =	simm.s32 @p1 $0x1;
	p0 =	seq.s32 s7, s2  }
0x1e: {  	s7 =	smul.u32 @!p0 $0xF7A, s2;
	p2 =	seq.s32 @!p0 s5, $0x0  }
0x1f: {  	s9 =	smul.u32 $0xF7A, s1;
	s8 =	simm.s32 @!p0 $0x1BF5;
	p2 =	por !p2, p0  }
0x20: {  	[sflag:s8] =	ssyncset.s32 @!p0 $0xFFFFF086;
	s6 =	sadd.s32 @!p0 s3, s7;
	s7 =	simm.s32 @!p0 $0x108  }
0x21: {  	s3 =	sadd.s32 s3, s9;
	s6 =	sadd.s32 @!p0 $0x88, s6;
	s7 =	simm.s32 @p2 $0x1082  }
0x22: {  	[simem:s7], [sflag:s8] =	dma.local @!p0 [hbm:s6], $0xF7A  }
0x23: {  	s9 =	sor.u32 $0xD0000000, s2;
	s6 =	simm.s32 $0x108;
	_ =	swait.ge @!p0 [sflag:s8], $0x0  }
0x24: {  	s3 =	sadd.s32 $0x88, s3;
	s6 =	simm.s32 @!p1 $0x1082;
	[sflag:s4] =	ssyncset.s32 $0xFFFFF086  }
0x25: {  	[simem:s6], [sflag:s4] =	dma.local [hbm:s3], $0xF7A  }
0x26: {  	[smem:$0x3F92] =	sst s1;
	(tag) =	ssettag s2;
	_ =	strace s9  }
0x27: {  	s1 =	sld [smem:$0x3FA2]  }
0x28: {  	s2 =	sld [smem:$0x3FA3]  }
0x29: {  	s4 =	sld [smem:$0x3FA5]  }
0x2a: {  	p0 =	seq.s32 s5, $0x0;
	s5 =	sld [smem:$0x3FA6]  }
0x2b: {  	s6 =	sld [smem:$0x3FA7]  }
0x2c: {  	s7 =	sld [smem:$0x3FA8]  }
0x2d: {  	s3 =	simm.s32 $0x108;
	s8 =	sld [smem:$0x3FA9]  }
0x2e: {  	s3 =	simm.s32 @!p0 $0x1082;
	s9 =	sld [smem:$0x3FAA]  }
0x2f: {  	lr =	sadd.s32 s0, s3;
	s0 =	sld [smem:$0x3FA1]  }
0x30: {  	s3 =	sld [smem:$0x3FA4]  }
0x31: {  	[smem:$0x3FAD] =	sst s10  }
0x32: {  	s10 =	sld [smem:$0x3FAB];
	_ =	sdelay $0x3  }
0x33: {  	p0 =	seq.s32 s10, $0x1;
	s10 =	sld [smem:$0x3FAD];
	_ =	sdelay $0x3  }
0x34: {  	[smem:$0x3FAD] =	sst s10  }
0x35: {  	s10 =	sld [smem:$0x3FAC];
	_ =	sdelay $0x3  }
0x36: {  	p1 =	seq.s32 s10, $0x1;
	s10 =	sld [smem:$0x3FAD];
	_ =	sdelay $0x3  }
0x37: {  	[smem:$0x3FAD] =	sst s10  }
0x38: {  	s10 =	sld [smem:$0x3FAE]  }
0x39: {  	_ = 	snop;
	(pc) =	sbr.ind lr, $3  }
0x3a: {  	_ = 	snop  }
0x3b: {  	_ = 	snop  }
0x3c: {  	p2 =	seq.s32 s10, $0x1;
	s10 =	sld [smem:$0x3FAD]  }
0x3d: {  	_ =	shalt  }
0x3e: {  	_ =	shalt  }
0x3f: {  	_ =	shalt  }
0x40: {  	_ =	shalt  }
0x41: {  	_ =	shalt  }
0x42: {  	_ =	shalt  }
0x43: {  	_ =	shalt  }
0x44: {  	_ =	shalt  }
0x45: {  	_ =	shalt  }
0x46: {  	_ =	shalt  }
0x47: {  	_ =	shalt  }
0x48: {  	_ =	shalt  }
0x49: {  	_ =	shalt  }
0x4a: {  	_ =	shalt  }
0x4b: {  	_ =	shalt  }
0x4c: {  	_ =	shalt  }
0x4d: {  	_ =	shalt  }
0x4e: {  	_ =	shalt  }
0x4f: {  	_ =	shalt  }
0x50: {  	_ =	shalt  }
0x51: {  	_ =	shalt  }
0x52: {  	_ =	shalt  }
0x53: {  	_ =	shalt  }
0x54: {  	_ =	shalt  }
0x55: {  	_ =	shalt  }
0x56: {  	_ =	shalt  }
0x57: {  	_ =	shalt  }
0x58: {  	_ =	shalt  }
0x59: {  	_ =	shalt  }
0x5a: {  	_ =	shalt  }
0x5b: {  	_ =	shalt  }
0x5c: {  	_ =	shalt  }
0x5d: {  	_ =	shalt  }
0x5e: {  	_ =	shalt  }
0x5f: {  	_ =	shalt  }
0x60: {  	_ =	shalt  }
0x61: {  	_ =	shalt  }
0x62: {  	_ =	shalt  }
0x63: {  	_ =	shalt  }
0x64: {  	_ =	shalt  }
0x65: {  	_ =	shalt  }
0x66: {  	_ =	shalt  }
0x67: {  	_ =	shalt  }
0x68: {  	_ =	shalt  }
0x69: {  	_ =	shalt  }
0x6a: {  	_ =	shalt  }
0x6b: {  	_ =	shalt  }
0x6c: {  	_ =	shalt  }
0x6d: {  	_ =	shalt  }
0x6e: {  	_ =	shalt  }
0x6f: {  	_ =	shalt  }
0x70: {  	_ =	shalt  }
0x71: {  	_ =	shalt  }
0x72: {  	_ =	shalt  }
0x73: {  	_ =	shalt  }
0x74: {  	_ =	shalt  }
0x75: {  	_ =	shalt  }
0x76: {  	_ =	shalt  }
0x77: {  	_ =	shalt  }
0x78: {  	_ =	shalt  }
0x79: {  	_ =	shalt  }
0x7a: {  	_ =	shalt  }
0x7b: {  	_ =	shalt  }
0x7c: {  	_ =	shalt  }
0x7d: {  	_ =	shalt  }
0x7e: {  	_ =	shalt  }
0x7f: {  	_ =	shalt  }
0x80: {  	_ =	shalt  }
0x81: {  	_ =	shalt  }
0x82: {  	_ =	shalt  }
0x83: {  	_ =	shalt  }
0x84: {  	_ =	shalt  }
0x85: {  	_ =	shalt  }
0x86: {  	_ =	shalt  }
0x87: {  	_ =	shalt  }
.Lfunc_end0:
.L_simem_size_0:
called_computation.4_lowered:
.L_overlay_start_0:
0x88: {  	s2 =	sld [smem:$0x3FD9]  }
0x89: {  	s3 =	sld [smem:$0x3FFE];
	_ =	sdelay $0x1  }
0x8a: {  	s1 =	srdreg.scid  }
0x8b: {  	s0 =	sand.u32 $0x1, s1  }
0x8c: {  	s16 =	sshll.u32 s0, $0xA;
	s2 =	sadd.s32 s3, s2  }
0x8d: {  	s2 =	sadd.s32 s2, s16  }
0x8e: {  	[smem:$0x3FB9] =	sst s2  }
0x8f: {  	_ = 	snop  }
0x90: {  	(tm) =	ssettm $0x1  }
0x91: {  	s17 =	sld [smem:$0x3FFB];
	_ =	sdelay $0x3  }
0x92: {  	_ =	strace s17  }
0x93: {  	s2 =	sld [smem:$0x3FFC];
	_ =	sdelay $0x3  }
0x94: {  	_ =	strace s2  }
0x95: {  	s2 =	sld [smem:$0x3FFD];
	_ =	sdelay $0x3  }
0x96: {  	_ =	strace s2  }
0x97: {  	_ =	strace $0x8FFFFFFF  }
0x98: {  	s18 =	sld [smem:$0x3FDB];
	_ =	sdelay $0x1  }
0x99: {  	s19 =	simm.s32 $_scs_section_size  }
0x9a: {  	s4 =	simm.s32 $_size__tile_overlayer_lowered;
	s5 =	simm.s32 $_tile_overlayer_lowered  }
0x9b: {  	s22 =	simm.s32 $0x1BFF;
	s21 =	sshll.u32 s5, $0x1;
	s2 =	sadd.s32 s19, s18  }
0x9c: {  	s6 =	simm.s32 $0x0;
	s20 =	sshll.u32 s4, $0x1;
	s4 =	sadd.s32 s21, s2  }
0x9d: {  	[timem:s6], [sflag:s22] =	dma.local [hbm:s4], s20  }
0x9e: {  	_ =	swait.ge [sflag:s22], s20  }
0x9f: {  	s3 =	ssub.s32 $0x0, s20;
	[sflag:s22] =	ssyncset.done $0x0  }
0xa0: {  	[sflag:s22] =	ssyncadd.s32 s3;
	_ =	sdelay $0x1  }
0xa1: {  	s23 =	simm.s32 $0x1B8B  }
0xa2: {  	_ =	swait.ge [sflag:s23], $0x1  }
0xa3: {  	[sflag:s23] =	ssyncset.done $0x0  }
0xa4: {  	s25 =	simm.s32 $0x1B8E;
	s24 =	sld [smem:$0x3FFE];
	[sflag:s23] =	ssyncadd.s32 $0xFFFFFFFF  }
0xa5: {  	s26 =	simm.s32 $execute0_lowered;
	[smem:$0x3FD2] =	sst s25  }
0xa6: {  	s4 =	sshll.u32 s26, $0x1;
	_ =	strace $0x80000052;
	[dreg:$0x1] =	wrdreg $0xFFFFFFFF  }
0xa7: {  	s28 =	simm.s32 $_size_execute0_lowered;
	s2 =	sadd.s32 s2, s4;
	[dreg:$0x0] =	wrdreg $0x0  }
0xa8: {  	s4 =	sshll.u32 s28, $0x1;
	[dreg:$0x2] =	wrdreg s2  }
0xa9: {  	[dreg:$0x3] =	wrdreg s4  }
0xaa: {  	[dreg:$0x4] =	wrdreg $0xC0  }
0xab: {  	_ =	task [dreg:s6], $0x5FFFF  }
0xac: {  	[dreg:$0x1] =	wrdreg $0xFFFFFFFF  }
0xad: {  	[dreg:$0x0] =	wrdreg $0x60  }
0xae: {  	[dreg:$0x2] =	wrdreg s24  }
0xaf: {  	[dreg:$0x3] =	wrdreg $0xB7800  }
0xb0: {  	[dreg:$0x4] =	wrdreg $0x9  }
0xb1: {  	_ =	task.clear_ibuf [dreg:s6], $0x5FFFF;
	_ =	strace $0x90000052  }
0xb2: {  	s29 =	simm.s32 $0x9;
	_ =	strace $0x80000054  }
0xb3: {  	_ =	swait.ge [sflag:s29], $0x1  }
0xb4: {  	[sflag:s29] =	ssyncadd.s32 $0xFFFFFFFF  }
0xb5: {  	_ =	strace $0x90000054  }
0xb6: {  	_ =	sfence  }
0xb7: {  	s30 =	sld [smem:$0x0];
	_ =	sdelay $0x2  }
0xb8: {  	s31 =	sshll.u32 s1, $0xD;
	s1 =	sshrl.u32 s1, $0x2  }
0xb9: {  	s3 =	sand.u32 $0x4000, s31;
	s1 =	sadd.s32 s1, s30  }
0xba: {  	s0 =	sor.u32 s3, s0;
	s1 =	sshll.u32 s1, $0x11  }
0xbb: {  	s0 =	sor.u32 s1, s0  }
0xbc: {  	s0 =	sadd.s32 $0x8F2B, s0  }
0xbd: {  	[sflag:s0] =	ssyncadd.remote.s32 $0x1  }
0xbe: {  	_ =	sfence.sel $0xFFFF  }
0xbf: {  	[dreg:$0x0] =	wrdreg $0xFFFFFFFF;
	(pc) =	sbr.abs _section_cstart, $3  }
0xc0: {  	[dreg:$0x1] =	wrdreg $0xFFFFFFFF  }
0xc1: {  	_ =	task.clear_ibuf [dreg:s6], $0x2FFFF;
	_ =	strace $0x9FFFFFFF  }
0xc2: {  	(tm) =	ssettm $0x7FFFFFFF  }
0xc3: {  	_ =	shalt  }
tec
execute0_lowered:
.L_overlay_start_1:
0x0: {  	(tag) =	ssettag $0x1  }
0x1: {  	s1 =	srdreg.scid;
	s6 =	rddreg [dreg:$0x0]  }
0x2: {  	s0 =	stileid.u32;
	s2 =	rddreg [dreg:$0x1];
	s3 =	simm.s32 $0x0  }
0x3: {  	s13 =	simm.s32 $0x3;
	s14 =	simm.s32 $0x1;
	s15 =	simm.s32 $0x2  }
0x4: {  	s16 =	simm.s32 $0x50;
	s17 =	simm.s32 $0x6780;
	s18 =	simm.s32 $0x8F80  }
0x5: {  	s19 =	simm.s32 $0x6580;
	s20 =	simm.s32 $0x0;
	s5 =	sand.u32 $0x1, s1  }
0x6: {  	s28 =	sshll.u32 s0, $0x1;
	s1 =	rddreg [dreg:$0x2];
	s10 =	smul.u32 $0x14000, s0  }
0x7: {  	[smem:$0x7FF] =	sst s3;
	s4 =	sadd.s32 $0x1DE00, s6;
	s12 =	smul.u32 $0x50000, s0  }
0x8: {  	s31 =	sshll.u32 s0, $0x6;
	s7 =	sor.u32 s5, s28;
	s9 =	smul.u32 $0x140000, s5  }
0x9: {  	_ =	strace $0x80000053;
	s29 =	ssub.s32 $0x2, s5;
	s5 =	sadd.s32 $0x45000, s6  }
0xa: {  	s8 =	smul.u32 $0x4E2, s7;
	s7 =	sshll.u32 s7, $0xB;
	s11 =	sshrl.u32 s29, $0x1  }
0xb: {  	s30 =	sshrl.u32 s12, $0x2;
	s7 =	sadd.s32 s7, s6;
	s9 =	sadd.s32 s10, s9  }
0xc: {  	s10 =	ssub.s32 s29, s11;
	s12 =	sadd.s32 s30, s2;
	s11 =	simm.s32 $0x2780  }
0xd: {  	s8 =	sadd.s32 s8, s6;
	s9 =	sshrl.u32 s9, $0x3;
	s7 =	sadd.s32 $0xDE00, s7  }
0xe: {  	s10 =	smax.u32 s10, $0x1;
	s12 =	sshrl.u32 s12, $0x3;
	s9 =	sadd.s32 s9, s6  }
0xf: {  	s6 =	sadd.s32 $0x4000, s8;
	s8 =	sor.u32 $0x1C03, s31;
	s9 =	sadd.s32 $0x47800, s9  }
.LBB2_1:
0x10: {  	[tilespmem:s3], [sflag:$0x1] =	stream.linear.gather [hbm4b:s6+s3], $0x2710, $0x38;
	[tilespmem:$0x1F780] =	vst v63  }
0x11: {  	_ = 	snop  }
0x12: {  	[tilespmem:s11], [sflag:$0x2] =	stream.linear.gather [hbm4b:s7+s3], $0x3E80, $0x38;
	[tilespmem:$0x1F780] =	vst v63  }
0x13: {  	[spmem:s12], [sflag:s8] =	dma.local [hbm:s5], $0x2800  }
0x14: {  	_ =	swait.ge [sflag:s13], $0x2800  }
0x15: {  	[sflag:s13] =	ssyncset.done $0x0  }
0x16: {  	[sflag:s13] =	ssyncadd.s32 $0xFFFFD800  }
0x17: {  	_ =	swait.ge [sflag:s14], $0x2710  }
0x18: {  	[sflag:s14] =	ssyncset.done $0x0  }
0x19: {  	[sflag:s14] =	ssyncadd.s32 $0xFFFFD8F0  }
0x1a: {  	_ =	swait.ge [sflag:s15], $0x3E80  }
0x1b: {  	[sflag:s15] =	ssyncset.done $0x0  }
0x1c: {  	[sflag:s15] =	ssyncadd.s32 $0xFFFFC180  }
0x1d: {  	[bflag:$0x0] =	sbarrier.arrive $0xFFFF  }
0x1e: {  	[tilespmem:s17], [sflag:$0x1] =	stream.indirect.gather [hbm4b:s4+s16], $0x80, s3, s16, $0xb8;
	[tilespmem:$0x1F780] =	vst v63  }
0x1f: {  	s21 =	simm.s32 $0x50  }
0x20: {  	[tilespmem:s18], [sflag:$0x2] =	stream.indirect.gather [hbm4b:s4+s16], $0x80, s21, s16, $0xb8;
	[tilespmem:$0x1F780] =	vst v63  }
0x21: {  	_ =	swait.ge [sflag:s14], $0x2800  }
0x22: {  	[sflag:s14] =	ssyncset.done $0x0  }
0x23: {  	s29 =	simm.s32 $0x2780;
	[sflag:s14] =	ssyncadd.s32 $0xFFFFD800  }
0x24: {  	[spmem:s2] =	stream.indirect.scatter.add.f32 [tilespmem:s17], [sflag:$0x3], $0x80, s29, s16, $0xb8;
	[tilespmem:$0x1F780] =	vst v63  }
0x25: {  	_ =	swait.ge [sflag:s13], $0x2800  }
0x26: {  	[sflag:s13] =	ssyncset.done $0x0  }
0x27: {  	s30 =	simm.s32 $0xA0;
	[sflag:s13] =	ssyncadd.s32 $0xFFFFD800  }
0x28: {  	[tilespmem:s17], [sflag:$0x1] =	stream.indirect.gather [hbm4b:s4+s16], $0x80, s30, s16, $0xb8;
	[tilespmem:$0x1F780] =	vst v63  }
0x29: {  	_ =	swait.ge [sflag:s15], $0x2800  }
0x2a: {  	[sflag:s15] =	ssyncset.done $0x0  }
0x2b: {  	s31 =	simm.s32 $0x2800;
	[sflag:s15] =	ssyncadd.s32 $0xFFFFD800  }
0x2c: {  	[spmem:s2] =	stream.indirect.scatter.add.f32 [tilespmem:s18], [sflag:$0x3], $0x80, s31, s16, $0xb8;
	[tilespmem:$0x1F780] =	vst v63  }
0x2d: {  	s22 =	simm.s32 $0x400;
	_ =	swait.ge [sflag:s13], $0x2800  }
0x2e: {  	s23 =	simm.s32 $0x800;
	s21 =	simm.s32 $0x140;
	[sflag:s13] =	ssyncset.done $0x0  }
.LBB2_2:
0x2f: {  	p0 =	sne.s32 s23, $0xF400;
	s24 =	sadd.s32 $0xFFFFFFB0, s21;
	[sflag:s13] =	ssyncadd.s32 $0xFFFFD800  }
0x30: {  	[tilespmem:s18], [sflag:$0x2] =	stream.indirect.gather [hbm4b:s4+s16], $0x80, s24, s16, $0xb8;
	[tilespmem:$0x1F780] =	vst v63  }
0x31: {  	s24 =	smov.u32 s23;
	s23 =	sadd.s32 $0x400, s23;
	_ =	swait.ge [sflag:s14], $0x2800  }
0x32: {  	s25 =	sshra.s32 s22, $0x2;
	s22 =	smov.u32 s24;
	[sflag:s14] =	ssyncset.done $0x0  }
0x33: {  	s24 =	sadd.s32 $0x2780, s25;
	[sflag:s14] =	ssyncadd.s32 $0xFFFFD800  }
0x34: {  	[spmem:s2] =	stream.indirect.scatter.add.f32 [tilespmem:s17], [sflag:$0x3], $0x80, s24, s16, $0xb8;
	[tilespmem:$0x1F780] =	vst v63  }
0x35: {  	_ =	swait.ge [sflag:s13], $0x2800  }
0x36: {  	[sflag:s13] =	ssyncset.done $0x0  }
0x37: {  	[sflag:s13] =	ssyncadd.s32 $0xFFFFD800  }
0x38: {  	[tilespmem:s17], [sflag:$0x1] =	stream.indirect.gather [hbm4b:s4+s16], $0x80, s21, s16, $0xb8;
	[tilespmem:$0x1F780] =	vst v63  }
0x39: {  	_ =	swait.ge [sflag:s15], $0x2800  }
.Ltmp0:
0x3a: {  	[sflag:s15] =	ssyncset.done $0x0;
	(pc) =	sbr.rel @p0 .LBB2_2-.Ltmp0, $4  }
0x3b: {  	s24 =	sadd.s32 $0x2800, s25;
	[sflag:s15] =	ssyncadd.s32 $0xFFFFD800  }
0x3c: {  	[spmem:s2] =	stream.indirect.scatter.add.f32 [tilespmem:s18], [sflag:$0x3], $0x80, s24, s16, $0xb8;
	[tilespmem:$0x1F780] =	vst v63  }
0x3d: {  	_ =	swait.ge [sflag:s13], $0x2800  }
0x3e: {  	s21 =	sadd.s32 $0xA0, s21;
	[sflag:s13] =	ssyncset.done $0x0  }
0x3f: {  	s23 =	sadd.s32 $0xFFFFFFB0, s21;
	[sflag:s13] =	ssyncadd.s32 $0xFFFFD800  }
0x40: {  	[tilespmem:s18], [sflag:$0x2] =	stream.indirect.gather [hbm4b:s4+s16], $0x80, s23, s16, $0xb8;
	[tilespmem:$0x1F780] =	vst v63  }
0x41: {  	_ =	swait.ge [sflag:s14], $0x2800  }
0x42: {  	s22 =	sshra.s32 s22, $0x2;
	[sflag:s14] =	ssyncset.done $0x0  }
0x43: {  	s30 =	sadd.s32 $0x2780, s22;
	[sflag:s14] =	ssyncadd.s32 $0xFFFFD800  }
0x44: {  	[spmem:s2] =	stream.indirect.scatter.add.f32 [tilespmem:s17], [sflag:$0x3], $0x80, s30, s16, $0xb8;
	[tilespmem:$0x1F780] =	vst v63  }
0x45: {  	_ =	swait.ge [sflag:s13], $0x2800  }
0x46: {  	[sflag:s13] =	ssyncset.done $0x0  }
0x47: {  	[sflag:s13] =	ssyncadd.s32 $0xFFFFD800  }
0x48: {  	[tilespmem:s17], [sflag:$0x1] =	stream.indirect.gather [hbm4b:s4+s16], $0x80, s21, s16, $0xb8;
	[tilespmem:$0x1F780] =	vst v63  }
0x49: {  	_ =	swait.ge [sflag:s15], $0x2800  }
0x4a: {  	[sflag:s15] =	ssyncset.done $0x0  }
0x4b: {  	s31 =	sadd.s32 $0x2800, s22;
	[sflag:s15] =	ssyncadd.s32 $0xFFFFD800  }
0x4c: {  	[spmem:s2] =	stream.indirect.scatter.add.f32 [tilespmem:s18], [sflag:$0x3], $0x80, s31, s16, $0xb8;
	[tilespmem:$0x1F780] =	vst v63  }
0x4d: {  	_ =	swait.ge [sflag:s13], $0x2800  }
0x4e: {  	[sflag:s13] =	ssyncset.done $0x0  }
0x4f: {  	[sflag:s13] =	ssyncadd.s32 $0xFFFFD800  }
0x50: {  	_ =	swait.ge [sflag:s14], $0x2800  }
0x51: {  	[sflag:s14] =	ssyncset.done $0x0  }
0x52: {  	[sflag:s14] =	ssyncadd.s32 $0xFFFFD800  }
0x53: {  	[spmem:s2] =	stream.indirect.scatter.add.f32 [tilespmem:s17], [sflag:$0x3], $0x80, s19, s16, $0xb8;
	[tilespmem:$0x1F780] =	vst v63  }
0x54: {  	_ =	swait.ge [sflag:s13], $0x2800  }
0x55: {  	s20 =	sadd.s32 $0x1, s20;
	[sflag:s13] =	ssyncset.done $0x0  }
0x56: {  	p0 =	sne.s32 s20, s10;
	[sflag:s13] =	ssyncadd.s32 $0xFFFFD800  }
.Ltmp1:
0x57: {  	[bflag:$0x0] =	sbarrier.arrive $0xFFFF;
	(pc) =	sbr.rel @p0 .LBB2_1-.Ltmp1, $4  }
0x58: {  	[hbm:s9], [sflag:s8] =	dma.local [spmem:s12], $0x2800  }
0x59: {  	_ =	swait.ge [sflag:s13], $0x2800  }
0x5a: {  	[sflag:s13] =	ssyncset.done $0x0  }
0x5b: {  	[sflag:s13] =	ssyncadd.s32 $0xFFFFD800  }
0x5c: {  	_ =	sfence.sel $0x180000  }
0x5d: {  	[bflag:$0x0] =	sbarrier.arrive $0xFFFF  }
0x5e: {  	p0 =	sne.s32 s0, $0x0;
	_ =	strace $0x90000053  }
0x5f: {  	s0 =	sadd.s32 @!p0 $0x100000, s1;
	[bflag:$0x2] =	sbarrier.arrive $0xFFFF  }
0x60: {  	[sflag:s0] =	ssyncadd.tile.s32 @!p0 $0x1;
	_ =	shalt  }
.Lfunc_end2:
_tile_overlayer_lowered:
.L_overlay_start_2:
0x61: {  	(tag) =	ssettag $0x2  }
0x62: {  	s0 =	rddreg [dreg:$0x0];
	s2 =	stileid.u32  }
0x63: {  	s1 =	rddreg [dreg:$0x1];
	p0 =	sne.s32 s2, $0x0  }
0x64: {  	s3 =	rddreg [dreg:$0x2];
	[bflag:$0x3] =	sbarrier.arrive $0xFFFF;
	s2 =	simm.s32 @!p0 $0x1C03  }
0x65: {  	[timem:s3], [sflag:s2] =	dma.local @!p0 [hbm:s0], s1  }
0x66: {  	s0 =	simm.s32 @!p0 $0x3  }
0x67: {  	_ =	swait.ge @!p0 [sflag:s0], s1  }
0x68: {  	s1 =	ssub.s32 @!p0 $0x0, s1;
	[sflag:s0] =	ssyncset.done @!p0 $0x0  }
0x69: {  	[sflag:s0] =	ssyncadd.s32 @!p0 s1  }
0x6a: {  	[bflag:$0x3] =	sbarrier.arrive $0xFFFF  }
0x6b: {  	_ =	shalt  }

</sc_bundles>
